<compile_context>
chip_gen: v7x
topology: tpu7x:2x2x1
jax: 0.10.2.dev20260603
libtpu: 0.0.44.dev20260713+nightly
codegen_flags: <defaults>
</compile_context>

<pallas_src>
import functools

import jax
import jax.numpy as jnp
from jax import lax
from jax.experimental import pallas as pl
from jax.experimental.pallas import tpu as pltpu
from jax.experimental.pallas import tpu_sc as plsc

NC = 2
NS = 16
NW = NC * NS
CH = 128


def _gelu_fast(v):
    u = v * (0.7978845608028654 + 0.0356774081 * v * v)
    ez = jnp.exp(-2.0 * u)
    return v / (1.0 + ez)


def _gelu_exact(v):
    z = jnp.abs(v) * 0.7071067811865476
    t = 1.0 / (1.0 + 0.3275911 * z)
    poly = ((((1.061405429 * t - 1.453152027) * t + 1.421413741) * t
             - 0.284496736) * t + 0.254829592) * t
    erf_abs = 1.0 - poly * jnp.exp(-z * z)
    erf = jnp.sign(v) * erf_abs
    return 0.5 * v * (1.0 + erf)



NB = 4


NBG = 2


def _gather_body(kw, n, x_hbm, srcg_hbm, out_hbm, idx_v, gbuf, xs,
                 gs0, gs1, ss0, ss1):
    gsem = (gs0, gs1)
    ssem = (ss0, ss1)
    c = lax.axis_index("c")
    s = lax.axis_index("s")
    wid = s * NC + c

    span = -(-n // (NS * 8)) * 8
    last = n - (NS - 1) * span

    @pl.when(s < NS - 1)
    def _():
        pltpu.sync_copy(x_hbm.at[pl.ds(s * span, span)],
                        xs.at[pl.ds(s * span, span)])

    @pl.when(s == NS - 1)
    def _():
        pltpu.sync_copy(x_hbm.at[pl.ds((NS - 1) * span, last)],
                        xs.at[pl.ds((NS - 1) * span, last)])

    pltpu.sync_copy(srcg_hbm.at[wid], idx_v)
    plsc.subcore_barrier()

    def _store(j, b):
        return pltpu.make_async_copy(
            gbuf.at[b], out_hbm.at[pl.ds((wid * kw + j) * CH, CH)], ssem[b])

    def _gather(j, b):
        return pltpu.make_async_copy(xs.at[idx_v.at[j]], gbuf.at[b],
                                     gsem[b])

    nrounds = kw // NBG
    _gather(0, 0).start()

    def rnd(t, carry):
        j0 = t * NBG
        for b in range(NBG):
            j = j0 + b
            _gather(j, b).wait()
            _store(j, b).start()

            @pl.when(j >= 1)
            def _():
                _store(j - 1, (b - 1) % NBG).wait()

            @pl.when(j + 1 < kw)
            def _():
                _gather(j + 1, (b + 1) % NBG).start()

        return carry

    lax.fori_loop(0, nrounds, rnd, 0)
    _store(kw - 1, (kw - 1) % NBG).wait()


def _sc_gather(xf, src_g, kw, e_pad, n, d):
    mesh = plsc.VectorSubcoreMesh(core_axis_name="c", subcore_axis_name="s")
    return pl.kernel(
        functools.partial(_gather_body, kw, n),
        out_type=jax.ShapeDtypeStruct((e_pad, d), jnp.float32),
        mesh=mesh,
        scratch_types=[
            pltpu.VMEM((kw, CH), jnp.int32),
            pltpu.VMEM((NBG, CH, d), jnp.float32),
            pltpu.VMEM_SHARED((n, d), jnp.float32),
        ] + [pltpu.SemaphoreType.DMA] * (2 * NBG),
    )(xf, src_g)



def _msg_body(g_ref, attr_ref, w_ref, wbe_ref, bbe_ref, out_ref):
    emb = jnp.dot(attr_ref[...], wbe_ref[...],
                  preferred_element_type=jnp.float32) + bbe_ref[...]
    out_ref[...] = _gelu_fast(g_ref[...] + emb) * w_ref[...]


def _tc_message(g, attr_p, w_p, wbe, bbe, e_pad, d, de, be):
    grid = -(-attr_p.shape[0] // be)
    return pl.pallas_call(
        _msg_body,
        grid=(grid,),
        in_specs=[
            pl.BlockSpec((be, d), lambda i: (i, 0)),
            pl.BlockSpec((be, de), lambda i: (i, 0)),
            pl.BlockSpec((be, 1), lambda i: (i, 0)),
            pl.BlockSpec((de, d), lambda i: (0, 0)),
            pl.BlockSpec((1, d), lambda i: (0, 0)),
        ],
        out_specs=pl.BlockSpec((be, d), lambda i: (i, 0)),
        out_shape=jax.ShapeDtypeStruct((e_pad, d), jnp.float32),
    )(g, attr_p, w_p, wbe, bbe)



NBS = 2


def _scatter_body(kw, n_pad, msg_hbm, dstg_hbm, out_hbm, idx_v, msg_v,
                  acc, ls0, ls1, as0, as1):
    lsem = (ls0, ls1)
    asem = (as0, as1)
    c = lax.axis_index("c")
    s = lax.axis_index("s")
    wid = s * NC + c
    rows_per_sub = n_pad // NS
    d = msg_v.shape[2]

    def zstep(i, carry):
        def zcol(k2, carry2):
            msg_v[0, i, pl.ds(k2 * 16, 16)] = jnp.zeros((16,), jnp.float32)
            return carry2

        return lax.fori_loop(0, d // 16, zcol, carry)

    lax.fori_loop(0, CH, zstep, 0)
    base = s * rows_per_sub
    nfull = rows_per_sub // CH
    rem = rows_per_sub - nfull * CH

    def zcopy(i, carry):
        pltpu.sync_copy(msg_v.at[0], acc.at[pl.ds(base + i * CH, CH)])
        return carry

    lax.fori_loop(0, nfull, zcopy, 0)
    if rem:
        pltpu.sync_copy(msg_v.at[0].at[pl.ds(0, rem)],
                        acc.at[pl.ds(base + nfull * CH, rem)])
    plsc.subcore_barrier()

    pltpu.sync_copy(dstg_hbm.at[wid], idx_v)

    def _load(j, b):
        return pltpu.make_async_copy(
            msg_hbm.at[pl.ds((wid * kw + j) * CH, CH)], msg_v.at[b], lsem[b])

    def _add(j, b):
        return pltpu.make_async_copy(msg_v.at[b], acc.at[idx_v.at[j]],
                                     asem[b])

    nrounds = kw // NBS
    _load(0, 0).start()

    def rnd(t, carry):
        j0 = t * NBS
        for b in range(NBS):
            j = j0 + b
            _load(j, b).wait()
            pltpu.async_copy(msg_v.at[b], acc.at[idx_v.at[j]], asem[b],
                             add=True)

            @pl.when(j >= 1)
            def _():
                _add(j - 1, (b - 1) % NBS).wait()

            @pl.when(j + 1 < kw)
            def _():
                _load(j + 1, (b + 1) % NBS).start()

        return carry

    lax.fori_loop(0, nrounds, rnd, 0)
    _add(kw - 1, (kw - 1) % NBS).wait()
    plsc.subcore_barrier()
    pltpu.sync_copy(acc.at[pl.ds(base, rows_per_sub)],
                    out_hbm.at[c].at[pl.ds(base, rows_per_sub)])


def _sc_scatter(msg, dst_g, kw, n_pad, d):
    mesh = plsc.VectorSubcoreMesh(core_axis_name="c", subcore_axis_name="s")
    return pl.kernel(
        functools.partial(_scatter_body, kw, n_pad),
        out_type=jax.ShapeDtypeStruct((NC, n_pad, d), jnp.float32),
        mesh=mesh,
        scratch_types=[
            pltpu.VMEM((kw, CH), jnp.int32),
            pltpu.VMEM((NBS, CH, d), jnp.float32),
            pltpu.VMEM_SHARED((n_pad, d), jnp.float32),
        ] + [pltpu.SemaphoreType.DMA] * (2 * NBS),
    )(msg, dst_g)



def _pad_body(e, trash, idx_ref, src_out, dst_out):
    e_pad = src_out.shape[1]
    src_out[0, pl.ds(0, e)] = idx_ref[0, :]
    dst_out[0, pl.ds(0, e)] = idx_ref[1, :]
    if e_pad > e:
        src_out[0, pl.ds(e, e_pad - e)] = jnp.zeros((e_pad - e,), jnp.int32)
        dst_out[0, pl.ds(e, e_pad - e)] = jnp.full((e_pad - e,), trash,
                                                   jnp.int32)


def _tc_pad_idx(edge_index, e, e_pad, trash):
    shp = jax.ShapeDtypeStruct((1, e_pad), jnp.int32)
    src, dst = pl.pallas_call(
        functools.partial(_pad_body, e, trash),
        grid=(1,),
        in_specs=[pl.BlockSpec((2, e), lambda i: (0, 0))],
        out_specs=[pl.BlockSpec((1, e_pad), lambda i: (0, 0))] * 2,
        out_shape=[shp, shp],
    )(edge_index)
    return src.reshape(e_pad), dst.reshape(e_pad)



def _mlp_body(nparts, scale_ref, x_ref, *refs):
    parts = refs[:nparts]
    w1_ref, b1_ref, w2_ref, b2_ref, out_ref = refs[nparts:]
    h = scale_ref[0, 0] * x_ref[...]
    for p_ref in parts:
        h = h + p_ref[0] + p_ref[1]
    a = _gelu_exact(jnp.dot(h, w1_ref[...], preferred_element_type=jnp.float32)
                    + b1_ref[...])
    out_ref[...] = jnp.dot(a, w2_ref[...],
                           preferred_element_type=jnp.float32) + b2_ref[...]


def _tc_mlp(scale, xf, parts_list, w1, b1, w2, b2, n, d, bn):
    grid = n // bn
    return pl.pallas_call(
        functools.partial(_mlp_body, len(parts_list)),
        grid=(grid,),
        in_specs=[
            pl.BlockSpec(memory_space=pltpu.SMEM),
            pl.BlockSpec((bn, d), lambda i: (i, 0)),
        ] + [
            pl.BlockSpec((NC, bn, d), lambda i: (0, i, 0))
            for _ in parts_list
        ] + [
            pl.BlockSpec((d, d), lambda i: (0, 0)),
            pl.BlockSpec((1, d), lambda i: (0, 0)),
            pl.BlockSpec((d, d), lambda i: (0, 0)),
            pl.BlockSpec((1, d), lambda i: (0, 0)),
        ],
        out_specs=pl.BlockSpec((bn, d), lambda i: (i, 0)),
        out_shape=jax.ShapeDtypeStruct((n, d), jnp.float32),
    )(scale, xf, *parts_list, w1, b1, w2, b2)


def kernel(x, edge_index, edge_attr, edge_weight, eps, W_be, b_be, W1, b1, W2, b2):
    r, cdim, n, d = x.shape
    e = edge_index.shape[1]
    de = edge_attr.shape[1]

    kw = -(-e // (NW * CH))
    kw = -(-kw // 8) * 8
    e_pad = NW * kw * CH
    pad = e_pad - e

    ks = [kw // 2, kw - kw // 2]

    n_pad = -(-n // (NS * 8)) * (NS * 8)
    xf = x.reshape(n, d)
    src_flat, dst_flat = _tc_pad_idx(edge_index, e, e_pad, n_pad - 1)
    wq = edge_weight.reshape(e, 1)
    bbe = b_be.reshape(1, d)

    sizes = [NW * k * CH for k in ks]
    offs = [sum(sizes[:i]) for i in range(len(ks))]
    gs = []
    for k, o, sz in zip(ks, offs, sizes):
        src_g = src_flat[o:o + sz].reshape(NW, k, CH)
        gs.append(_sc_gather(xf, src_g, k, sz, n, d))
    msgs = []
    for g, k, o, sz in zip(gs, ks, offs, sizes):
        attr_s = edge_attr[o:min(o + sz, e)]
        w_s = wq[o:min(o + sz, e)]
        msgs.append(_tc_message(g, attr_s, w_s, W_be, bbe, sz, d, de, 4096))
    parts_list = []
    for m, k, o, sz in zip(msgs, ks, offs, sizes):
        dst_g = dst_flat[o:o + sz].reshape(NW, k, CH)
        parts_list.append(_sc_scatter(m, dst_g, k, n_pad, d))
    scale = (1.0 + eps).reshape(1, 1)
    out = _tc_mlp(scale, xf, parts_list, W1, b1.reshape(1, d),
                  W2, b2.reshape(1, d), n, d, 1000)
    return out.reshape(x.shape)

# --- scband reference (transcript-rebuilt; emitter-appended) ---
"""Pipeline reference for scband-gineconv-multi-edgeset-13666585935969 (READ-ONLY COPY).

The authoritative reference and input builder live on the scoring server;
editing this copy changes nothing except your own understanding.
"""

import jax, jax.numpy as jnp
import numpy as np

N = 10000
E = 320000
D = 128
DE = 16
R = 1
C = 1


def setup_inputs(seed: int = 0) -> dict:
    key = jax.random.key(seed)
    ks = jax.random.split(key, 10)
    x = jax.random.normal(ks[0], (R, C, N, D), dtype=jnp.float32)
    edge_index = jax.random.randint(ks[1], (2, E), 0, N, dtype=jnp.int32)
    edge_attr = jax.random.normal(ks[2], (E, DE), dtype=jnp.float32)
    edge_weight = jax.random.uniform(ks[3], (R, C, E, 1), dtype=jnp.float32)
    eps = jnp.zeros((1,), dtype=jnp.float32)
    W_be = jax.random.normal(ks[4], (DE, D), dtype=jnp.float32) * (1.0 / np.sqrt(DE))
    b_be = jnp.zeros((D,), dtype=jnp.float32)
    W1 = jax.random.normal(ks[5], (D, D), dtype=jnp.float32) * (1.0 / np.sqrt(D))
    b1 = jnp.zeros((D,), dtype=jnp.float32)
    W2 = jax.random.normal(ks[6], (D, D), dtype=jnp.float32) * (1.0 / np.sqrt(D))
    b2 = jnp.zeros((D,), dtype=jnp.float32)
    return {"x": x, "edge_index": edge_index, "edge_attr": edge_attr,
            "edge_weight": edge_weight, "eps": eps, "W_be": W_be, "b_be": b_be,
            "W1": W1, "b1": b1, "W2": W2, "b2": b2}


def reference(x, edge_index, edge_attr, edge_weight, eps, W_be, b_be, W1, b1, W2, b2):
    src = edge_index[0]
    dst = edge_index[1]
    # bond encoder
    edge_embedding = edge_attr @ W_be + b_be            # [E, D]
    edge_embedding = edge_embedding[None, None, :, :]   # .repeat(1,1,1,1) -> [1,1,E,D]
    repeats, choices = edge_weight.shape[0], edge_weight.shape[1]
    d = x.shape[-1]
    xr = x.reshape(repeats, choices, -1, d)
    n = xr.shape[2]
    # gather source node features, add edge embedding, gelu (exact, matching F.gelu)
    message = jax.nn.gelu(xr[:, :, src, :] + edge_embedding, approximate=False)
    message = message * edge_weight
    # scatter_sum over dim=2 by dst
    out = jnp.zeros((repeats, choices, n, d), dtype=x.dtype).at[:, :, dst, :].add(message)
    out = out.reshape(x.shape)
    h = (1.0 + eps) * x + out
    # mlp: Linear -> GELU -> Linear
    h = jax.nn.gelu(h @ W1 + b1, approximate=False) @ W2 + b2
    return h

if __name__ == "__main__":
    import jax
    _d = setup_inputs()
    print(jax.jit(kernel)(*tuple(_d.values())))

</pallas_src>

<mosaic_0001>
#map = affine_map<(d0, d1) -> (0, 0)>
#map1 = affine_map<(d0, d1) -> (0, 0, 0)>
module attributes {stable_mosaic.version = 14 : i64} {
  func.func @_scatter_body(%arg0: i32, %arg1: i32, %arg2: memref<163840x128xf32, #tpu.memory_space<hbm>>, %arg3: memref<32x40x128xi32, #tpu.memory_space<hbm>>, %arg4: memref<2x10112x128xf32, #tpu.memory_space<hbm>>, %arg5: memref<40x128xi32, #tpu.memory_space<vmem>>, %arg6: memref<2x128x128xf32, #tpu.memory_space<vmem>>, %arg7: memref<10112x128xf32, #tpu.memory_space<vmem_shared>>, %arg8: memref<!tpu.dma_semaphore, #tpu.memory_space<semaphore_mem>>, %arg9: memref<!tpu.dma_semaphore, #tpu.memory_space<semaphore_mem>>, %arg10: memref<!tpu.dma_semaphore, #tpu.memory_space<semaphore_mem>>, %arg11: memref<!tpu.dma_semaphore, #tpu.memory_space<semaphore_mem>>) attributes {dimension_semantics = [#tpu.dimension_semantics<core_parallel>, #tpu.dimension_semantics<subcore_parallel>], iteration_bounds = array<i64: 2, 16>, scalar_prefetch = 0 : i64, scratch_operands = 7 : i64, tpu.core_type = #tpu.core_type<sc_vector_subcore>, window_params = [{transform_indices = #map}, {transform_indices = #map1}, {transform_indices = #map1}]} {
    %mul3A = arith.constant 2 : i32
    %mul3A_0 = arith.muli %arg1, %mul3A : i32
    %add3A = arith.addi %mul3A_0, %arg0 : i32
    %scan3A = arith.constant 0 : i32
    %scan3A_1 = arith.constant 0 : i32
    %scan3A_2 = arith.constant 128 : i32
    %scan3A_3 = arith.addi %scan3A_1, %scan3A_2 : i32
    %scan3A_4 = arith.constant 1 : i32
    scf.for %scan3A_52 = %scan3A_1 to %scan3A_3 step %scan3A_4  : i32 {
      %scan3A_53 = arith.constant 0 : i32
      %scan3A_54 = arith.constant 8 : i32
      %scan3A_55 = arith.addi %scan3A_53, %scan3A_54 : i32
      %scan3A_56 = arith.constant 1 : i32
      scf.for %scan3A_58 = %scan3A_53 to %scan3A_55 step %scan3A_56  : i32 {
        %broadcast_in_dim3A = arith.constant 0.000000e+00 : f32
        %broadcast_in_dim3A_59 = vector.broadcast %broadcast_in_dim3A : f32 to vector<16xf32>
        %mul3A_60 = arith.constant 16 : i32
        %mul3A_61 = arith.muli %scan3A_58, %mul3A_60 : i32
        %swap3A = arith.constant 0 : i32
        %swap3A_62 = arith.index_cast %swap3A : i32 to index
        %swap3A_63 = arith.index_cast %scan3A_52 : i32 to index
        %swap3A_64 = arith.index_cast %mul3A_61 : i32 to index
        %swap3A_65 = tpu.vector_load %arg6[%swap3A_62, %swap3A_63, %swap3A_64] {strides = array<i32>} : memref<2x128x128xf32, #tpu.memory_space<vmem>>, vector<1x1x16xf32>,
        %swap3A_66 = vector.shape_cast %swap3A_65 : vector<1x1x16xf32> to vector<16xf32>
        %swap3A_67 = vector.shape_cast %broadcast_in_dim3A_59 : vector<16xf32> to vector<1x1x16xf32>
        tpu.vector_store %arg6[%swap3A_62, %swap3A_63, %swap3A_64], %swap3A_67 {strides = array<i32>} : memref<2x128x128xf32, #tpu.memory_space<vmem>>, vector<1x1x16xf32>,
      }
      %scan3A_57 = arith.constant 8 : i32
    }
    %scan3A_5 = arith.constant 128 : i32
    %mul3A_6 = arith.constant 632 : i32
    %mul3A_7 = arith.muli %arg1, %mul3A_6 : i32
    %scan3A_8 = arith.constant 0 : i32
    %scan3A_9 = arith.constant 0 : i32
    %scan3A_10 = arith.constant 4 : i32
    %scan3A_11 = arith.addi %scan3A_9, %scan3A_10 : i32
    %scan3A_12 = arith.constant 1 : i32
    scf.for %scan3A_52 = %scan3A_9 to %scan3A_11 step %scan3A_12  : i32 {
      %mul3A_53 = arith.constant 128 : i32
      %mul3A_54 = arith.muli %scan3A_52, %mul3A_53 : i32
      %add3A_55 = arith.addi %mul3A_7, %mul3A_54 : i32
      %run_scoped3A_56 = arith.constant 0 : i32
      "tpu.region"() ({
        %run_scoped3A_57 = tpu.sem_alloc : memref<!tpu.dma_semaphore, #tpu.memory_space<semaphore_mem>>
        %dma_start3A_58 = arith.constant 0 : i32
        %dma_start3A_59 = arith.constant 0 : i32
        %dma_start3A_60 = tpu.memref_slice %arg6[%run_scoped3A_56, %dma_start3A_58, %dma_start3A_59] : memref<2x128x128xf32, #tpu.memory_space<vmem>> -> memref<1x128x128xf32, #tpu.memory_space<vmem>>
        %dma_start3A_61 = tpu.memref_squeeze %dma_start3A_60 : memref<1x128x128xf32, #tpu.memory_space<vmem>> -> memref<128x128xf32, #tpu.memory_space<vmem>>
        %dma_start3A_62 = arith.constant 0 : i32
        %dma_start3A_63 = tpu.memref_slice %arg7[%add3A_55, %dma_start3A_62] : memref<10112x128xf32, #tpu.memory_space<vmem_shared>> -> memref<128x128xf32, #tpu.memory_space<vmem_shared>>
        %dma_start3A_64 = arith.constant 0 : i32
        %dma_start3A_65 = tpu.memref_slice %arg7[%add3A_55, %dma_start3A_64] : memref<10112x128xf32, #tpu.memory_space<vmem_shared>> -> memref<128x128xf32, #tpu.memory_space<vmem_shared>>
        %dma_start3A_66 = arith.constant 0 : i32
        %dma_start3A_67 = arith.constant 0 : i32
        %dma_start3A_68 = tpu.memref_slice %arg6[%run_scoped3A_56, %dma_start3A_66, %dma_start3A_67] : memref<2x128x128xf32, #tpu.memory_space<vmem>> -> memref<1x128x128xf32, #tpu.memory_space<vmem>>
        %dma_start3A_69 = tpu.memref_squeeze %dma_start3A_68 : memref<1x128x128xf32, #tpu.memory_space<vmem>> -> memref<128x128xf32, #tpu.memory_space<vmem>>
        tpu.enqueue_dma source(%dma_start3A_69 : memref<128x128xf32, #tpu.memory_space<vmem>>) target(%dma_start3A_65 : memref<128x128xf32, #tpu.memory_space<vmem_shared>>) target_semaphore(%run_scoped3A_57 : memref<!tpu.dma_semaphore, #tpu.memory_space<semaphore_mem>>)
        %dma_wait3A_70 = arith.constant 0 : i32
        %dma_wait3A_71 = arith.constant 0 : i32
        %dma_wait3A_72 = tpu.memref_slice %arg6[%run_scoped3A_56, %dma_wait3A_70, %dma_wait3A_71] : memref<2x128x128xf32, #tpu.memory_space<vmem>> -> memref<1x128x128xf32, #tpu.memory_space<vmem>>
        %dma_wait3A_73 = tpu.memref_squeeze %dma_wait3A_72 : memref<1x128x128xf32, #tpu.memory_space<vmem>> -> memref<128x128xf32, #tpu.memory_space<vmem>>
        %dma_wait3A_74 = arith.constant 0 : i32
        %dma_wait3A_75 = tpu.memref_slice %arg7[%add3A_55, %dma_wait3A_74] : memref<10112x128xf32, #tpu.memory_space<vmem_shared>> -> memref<128x128xf32, #tpu.memory_space<vmem_shared>>
        %dma_wait3A_76 = arith.constant 0 : i32
        %dma_wait3A_77 = tpu.memref_slice %arg7[%add3A_55, %dma_wait3A_76] : memref<10112x128xf32, #tpu.memory_space<vmem_shared>> -> memref<128x128xf32, #tpu.memory_space<vmem_shared>>
        %dma_wait3A_78 = arith.constant 0 : i32
        %dma_wait3A_79 = arith.constant 0 : i32
        %dma_wait3A_80 = tpu.memref_slice %arg6[%run_scoped3A_56, %dma_wait3A_78, %dma_wait3A_79] : memref<2x128x128xf32, #tpu.memory_space<vmem>> -> memref<1x128x128xf32, #tpu.memory_space<vmem>>
        %dma_wait3A_81 = tpu.memref_squeeze %dma_wait3A_80 : memref<1x128x128xf32, #tpu.memory_space<vmem>> -> memref<128x128xf32, #tpu.memory_space<vmem>>
        tpu.wait_dma2 semaphore(%run_scoped3A_57 : memref<!tpu.dma_semaphore, #tpu.memory_space<semaphore_mem>>) src(%dma_wait3A_81 : memref<128x128xf32, #tpu.memory_space<vmem>>) dst(%dma_wait3A_77 : memref<128x128xf32, #tpu.memory_space<vmem_shared>>)
        tpu.yield
      }) : () -> ()
    }
    %scan3A_13 = arith.constant 4 : i32
    %add3A_14 = arith.constant 512 : i32
    %add3A_15 = arith.addi %mul3A_7, %add3A_14 : i32
    %run_scoped3A = arith.constant 0 : i32
    "tpu.region"() ({
      %run_scoped3A_52 = tpu.sem_alloc : memref<!tpu.dma_semaphore, #tpu.memory_space<semaphore_mem>>
      %dma_start3A_53 = arith.constant 0 : i32
      %dma_start3A_54 = arith.constant 0 : i32
      %dma_start3A_55 = tpu.memref_slice %arg6[%run_scoped3A, %dma_start3A_53, %dma_start3A_54] : memref<2x128x128xf32, #tpu.memory_space<vmem>> -> memref<1x128x128xf32, #tpu.memory_space<vmem>>
      %dma_start3A_56 = tpu.memref_squeeze %dma_start3A_55 : memref<1x128x128xf32, #tpu.memory_space<vmem>> -> memref<128x128xf32, #tpu.memory_space<vmem>>
      %dma_start3A_57 = arith.constant 0 : i32
      %dma_start3A_58 = arith.constant 0 : i32
      %dma_start3A_59 = tpu.memref_slice %dma_start3A_56[%dma_start3A_57, %dma_start3A_58] : memref<128x128xf32, #tpu.memory_space<vmem>> -> memref<120x128xf32, #tpu.memory_space<vmem>>
      %dma_start3A_60 = arith.constant 0 : i32
      %dma_start3A_61 = tpu.memref_slice %arg7[%add3A_15, %dma_start3A_60] : memref<10112x128xf32, #tpu.memory_space<vmem_shared>> -> memref<120x128xf32, #tpu.memory_space<vmem_shared>>
      %dma_start3A_62 = arith.constant 0 : i32
      %dma_start3A_63 = tpu.memref_slice %arg7[%add3A_15, %dma_start3A_62] : memref<10112x128xf32, #tpu.memory_space<vmem_shared>> -> memref<120x128xf32, #tpu.memory_space<vmem_shared>>
      %dma_start3A_64 = arith.constant 0 : i32
      %dma_start3A_65 = arith.constant 0 : i32
      %dma_start3A_66 = tpu.memref_slice %arg6[%run_scoped3A, %dma_start3A_64, %dma_start3A_65] : memref<2x128x128xf32, #tpu.memory_space<vmem>> -> memref<1x128x128xf32, #tpu.memory_space<vmem>>
      %dma_start3A_67 = tpu.memref_squeeze %dma_start3A_66 : memref<1x128x128xf32, #tpu.memory_space<vmem>> -> memref<128x128xf32, #tpu.memory_space<vmem>>
      %dma_start3A_68 = arith.constant 0 : i32
      %dma_start3A_69 = arith.constant 0 : i32
      %dma_start3A_70 = tpu.memref_slice %dma_start3A_67[%dma_start3A_68, %dma_start3A_69] : memref<128x128xf32, #tpu.memory_space<vmem>> -> memref<120x128xf32, #tpu.memory_space<vmem>>
      tpu.enqueue_dma source(%dma_start3A_70 : memref<120x128xf32, #tpu.memory_space<vmem>>) target(%dma_start3A_63 : memref<120x128xf32, #tpu.memory_space<vmem_shared>>) target_semaphore(%run_scoped3A_52 : memref<!tpu.dma_semaphore, #tpu.memory_space<semaphore_mem>>)
      %dma_wait3A_71 = arith.constant 0 : i32
      %dma_wait3A_72 = arith.constant 0 : i32
      %dma_wait3A_73 = tpu.memref_slice %arg6[%run_scoped3A, %dma_wait3A_71, %dma_wait3A_72] : memref<2x128x128xf32, #tpu.memory_space<vmem>> -> memref<1x128x128xf32, #tpu.memory_space<vmem>>
      %dma_wait3A_74 = tpu.memref_squeeze %dma_wait3A_73 : memref<1x128x128xf32, #tpu.memory_space<vmem>> -> memref<128x128xf32, #tpu.memory_space<vmem>>
      %dma_wait3A_75 = arith.constant 0 : i32
      %dma_wait3A_76 = arith.constant 0 : i32
      %dma_wait3A_77 = tpu.memref_slice %dma_wait3A_74[%dma_wait3A_75, %dma_wait3A_76] : memref<128x128xf32, #tpu.memory_space<vmem>> -> memref<120x128xf32, #tpu.memory_space<vmem>>
      %dma_wait3A_78 = arith.constant 0 : i32
      %dma_wait3A_79 = tpu.memref_slice %arg7[%add3A_15, %dma_wait3A_78] : memref<10112x128xf32, #tpu.memory_space<vmem_shared>> -> memref<120x128xf32, #tpu.memory_space<vmem_shared>>
      %dma_wait3A_80 = arith.constant 0 : i32
      %dma_wait3A_81 = tpu.memref_slice %arg7[%add3A_15, %dma_wait3A_80] : memref<10112x128xf32, #tpu.memory_space<vmem_shared>> -> memref<120x128xf32, #tpu.memory_space<vmem_shared>>
      %dma_wait3A_82 = arith.constant 0 : i32
      %dma_wait3A_83 = arith.constant 0 : i32
      %dma_wait3A_84 = tpu.memref_slice %arg6[%run_scoped3A, %dma_wait3A_82, %dma_wait3A_83] : memref<2x128x128xf32, #tpu.memory_space<vmem>> -> memref<1x128x128xf32, #tpu.memory_space<vmem>>
      %dma_wait3A_85 = tpu.memref_squeeze %dma_wait3A_84 : memref<1x128x128xf32, #tpu.memory_space<vmem>> -> memref<128x128xf32, #tpu.memory_space<vmem>>
      %dma_wait3A_86 = arith.constant 0 : i32
      %dma_wait3A_87 = arith.constant 0 : i32
      %dma_wait3A_88 = tpu.memref_slice %dma_wait3A_85[%dma_wait3A_86, %dma_wait3A_87] : memref<128x128xf32, #tpu.memory_space<vmem>> -> memref<120x128xf32, #tpu.memory_space<vmem>>
      tpu.wait_dma2 semaphore(%run_scoped3A_52 : memref<!tpu.dma_semaphore, #tpu.memory_space<semaphore_mem>>) src(%dma_wait3A_88 : memref<120x128xf32, #tpu.memory_space<vmem>>) dst(%dma_wait3A_81 : memref<120x128xf32, #tpu.memory_space<vmem_shared>>)
      tpu.yield
    }) : () -> ()
    %barrier3A = arith.constant 0 : index
    tpu.barrier barrier_id(%barrier3A)
    "tpu.region"() ({
      %run_scoped3A_52 = tpu.sem_alloc : memref<!tpu.dma_semaphore, #tpu.memory_space<semaphore_mem>>
      %dma_start3A_53 = arith.constant 0 : i32
      %dma_start3A_54 = arith.constant 0 : i32
      %dma_start3A_55 = tpu.memref_slice %arg3[%add3A, %dma_start3A_53, %dma_start3A_54] : memref<32x40x128xi32, #tpu.memory_space<hbm>> -> memref<1x40x128xi32, #tpu.memory_space<hbm>>
      %dma_start3A_56 = tpu.memref_squeeze %dma_start3A_55 : memref<1x40x128xi32, #tpu.memory_space<hbm>> -> memref<40x128xi32, #tpu.memory_space<hbm>>
      %dma_start3A_57 = arith.constant 0 : i32
      %dma_start3A_58 = arith.constant 0 : i32
      %dma_start3A_59 = tpu.memref_slice %arg3[%add3A, %dma_start3A_57, %dma_start3A_58] : memref<32x40x128xi32, #tpu.memory_space<hbm>> -> memref<1x40x128xi32, #tpu.memory_space<hbm>>
      %dma_start3A_60 = tpu.memref_squeeze %dma_start3A_59 : memref<1x40x128xi32, #tpu.memory_space<hbm>> -> memref<40x128xi32, #tpu.memory_space<hbm>>
      tpu.enqueue_dma source(%dma_start3A_60 : memref<40x128xi32, #tpu.memory_space<hbm>>) target(%arg5 : memref<40x128xi32, #tpu.memory_space<vmem>>) target_semaphore(%run_scoped3A_52 : memref<!tpu.dma_semaphore, #tpu.memory_space<semaphore_mem>>)
      %dma_wait3A_61 = arith.constant 0 : i32
      %dma_wait3A_62 = arith.constant 0 : i32
      %dma_wait3A_63 = tpu.memref_slice %arg3[%add3A, %dma_wait3A_61, %dma_wait3A_62] : memref<32x40x128xi32, #tpu.memory_space<hbm>> -> memref<1x40x128xi32, #tpu.memory_space<hbm>>
      %dma_wait3A_64 = tpu.memref_squeeze %dma_wait3A_63 : memref<1x40x128xi32, #tpu.memory_space<hbm>> -> memref<40x128xi32, #tpu.memory_space<hbm>>
      %dma_wait3A_65 = arith.constant 0 : i32
      %dma_wait3A_66 = arith.constant 0 : i32
      %dma_wait3A_67 = tpu.memref_slice %arg3[%add3A, %dma_wait3A_65, %dma_wait3A_66] : memref<32x40x128xi32, #tpu.memory_space<hbm>> -> memref<1x40x128xi32, #tpu.memory_space<hbm>>
      %dma_wait3A_68 = tpu.memref_squeeze %dma_wait3A_67 : memref<1x40x128xi32, #tpu.memory_space<hbm>> -> memref<40x128xi32, #tpu.memory_space<hbm>>
      tpu.wait_dma2 semaphore(%run_scoped3A_52 : memref<!tpu.dma_semaphore, #tpu.memory_space<semaphore_mem>>) src(%dma_wait3A_68 : memref<40x128xi32, #tpu.memory_space<hbm>>) dst(%arg5 : memref<40x128xi32, #tpu.memory_space<vmem>>)
      tpu.yield
    }) : () -> ()
    %mul3A_16 = arith.constant 40 : i32
    %mul3A_17 = arith.muli %add3A, %mul3A_16 : i32
    %add3A_18 = arith.constant 0 : i32
    %add3A_19 = arith.addi %mul3A_17, %add3A_18 : i32
    %mul3A_20 = arith.constant 128 : i32
    %mul3A_21 = arith.muli %add3A_19, %mul3A_20 : i32
    %dma_start3A = arith.constant 0 : i32
    %dma_start3A_22 = arith.constant 0 : i32
    %dma_start3A_23 = arith.constant 0 : i32
    %dma_start3A_24 = tpu.memref_slice %arg6[%dma_start3A, %dma_start3A_22, %dma_start3A_23] : memref<2x128x128xf32, #tpu.memory_space<vmem>> -> memref<1x128x128xf32, #tpu.memory_space<vmem>>
    %dma_start3A_25 = tpu.memref_squeeze %dma_start3A_24 : memref<1x128x128xf32, #tpu.memory_space<vmem>> -> memref<128x128xf32, #tpu.memory_space<vmem>>
    %dma_start3A_26 = arith.constant 0 : i32
    %dma_start3A_27 = tpu.memref_slice %arg2[%mul3A_21, %dma_start3A_26] : memref<163840x128xf32, #tpu.memory_space<hbm>> -> memref<128x128xf32, #tpu.memory_space<hbm>>
    %dma_start3A_28 = arith.constant 0 : i32
    %dma_start3A_29 = arith.constant 0 : i32
    %dma_start3A_30 = tpu.memref_slice %arg6[%dma_start3A, %dma_start3A_28, %dma_start3A_29] : memref<2x128x128xf32, #tpu.memory_space<vmem>> -> memref<1x128x128xf32, #tpu.memory_space<vmem>>
    %dma_start3A_31 = tpu.memref_squeeze %dma_start3A_30 : memref<1x128x128xf32, #tpu.memory_space<vmem>> -> memref<128x128xf32, #tpu.memory_space<vmem>>
    %dma_start3A_32 = arith.constant 0 : i32
    %dma_start3A_33 = tpu.memref_slice %arg2[%mul3A_21, %dma_start3A_32] : memref<163840x128xf32, #tpu.memory_space<hbm>> -> memref<128x128xf32, #tpu.memory_space<hbm>>
    tpu.enqueue_dma source(%dma_start3A_33 : memref<128x128xf32, #tpu.memory_space<hbm>>) target(%dma_start3A_31 : memref<128x128xf32, #tpu.memory_space<vmem>>) target_semaphore(%arg8 : memref<!tpu.dma_semaphore, #tpu.memory_space<semaphore_mem>>)
    %scan3A_34 = arith.constant 0 : i32
    %scan3A_35 = arith.constant 0 : i32
    %scan3A_36 = arith.constant 20 : i32
    %scan3A_37 = arith.addi %scan3A_35, %scan3A_36 : i32
    %scan3A_38 = arith.constant 1 : i32
    scf.for %scan3A_52 = %scan3A_35 to %scan3A_37 step %scan3A_38  : i32 {
      %mul3A_53 = arith.constant 2 : i32
      %mul3A_54 = arith.muli %scan3A_52, %mul3A_53 : i32
      %add3A_55 = arith.constant 0 : i32
      %add3A_56 = arith.addi %mul3A_54, %add3A_55 : i32
      %mul3A_57 = arith.constant 40 : i32
      %mul3A_58 = arith.muli %add3A, %mul3A_57 : i32
      %add3A_59 = arith.addi %mul3A_58, %add3A_56 : i32
      %mul3A_60 = arith.constant 128 : i32
      %mul3A_61 = arith.muli %add3A_59, %mul3A_60 : i32
      %dma_wait3A_62 = arith.constant 0 : i32
      %dma_wait3A_63 = arith.constant 0 : i32
      %dma_wait3A_64 = arith.constant 0 : i32
      %dma_wait3A_65 = tpu.memref_slice %arg6[%dma_wait3A_62, %dma_wait3A_63, %dma_wait3A_64] : memref<2x128x128xf32, #tpu.memory_space<vmem>> -> memref<1x128x128xf32, #tpu.memory_space<vmem>>
      %dma_wait3A_66 = tpu.memref_squeeze %dma_wait3A_65 : memref<1x128x128xf32, #tpu.memory_space<vmem>> -> memref<128x128xf32, #tpu.memory_space<vmem>>
      %dma_wait3A_67 = arith.constant 0 : i32
      %dma_wait3A_68 = tpu.memref_slice %arg2[%mul3A_61, %dma_wait3A_67] : memref<163840x128xf32, #tpu.memory_space<hbm>> -> memref<128x128xf32, #tpu.memory_space<hbm>>
      %dma_wait3A_69 = arith.constant 0 : i32
      %dma_wait3A_70 = arith.constant 0 : i32
      %dma_wait3A_71 = tpu.memref_slice %arg6[%dma_wait3A_62, %dma_wait3A_69, %dma_wait3A_70] : memref<2x128x128xf32, #tpu.memory_space<vmem>> -> memref<1x128x128xf32, #tpu.memory_space<vmem>>
      %dma_wait3A_72 = tpu.memref_squeeze %dma_wait3A_71 : memref<1x128x128xf32, #tpu.memory_space<vmem>> -> memref<128x128xf32, #tpu.memory_space<vmem>>
      %dma_wait3A_73 = arith.constant 0 : i32
      %dma_wait3A_74 = tpu.memref_slice %arg2[%mul3A_61, %dma_wait3A_73] : memref<163840x128xf32, #tpu.memory_space<hbm>> -> memref<128x128xf32, #tpu.memory_space<hbm>>
      tpu.wait_dma2 semaphore(%arg8 : memref<!tpu.dma_semaphore, #tpu.memory_space<semaphore_mem>>) src(%dma_wait3A_74 : memref<128x128xf32, #tpu.memory_space<hbm>>) dst(%dma_wait3A_72 : memref<128x128xf32, #tpu.memory_space<vmem>>)
      %dma_start3A_75 = arith.constant 0 : i32
      %dma_start3A_76 = arith.constant 0 : i32
      %dma_start3A_77 = arith.constant 0 : i32
      %dma_start3A_78 = tpu.memref_slice %arg6[%dma_start3A_75, %dma_start3A_76, %dma_start3A_77] : memref<2x128x128xf32, #tpu.memory_space<vmem>> -> memref<1x128x128xf32, #tpu.memory_space<vmem>>
      %dma_start3A_79 = tpu.memref_squeeze %dma_start3A_78 : memref<1x128x128xf32, #tpu.memory_space<vmem>> -> memref<128x128xf32, #tpu.memory_space<vmem>>
      %dma_start3A_80 = arith.constant 0 : i32
      %dma_start3A_81 = tpu.memref_slice %arg5[%add3A_56, %dma_start3A_80] : memref<40x128xi32, #tpu.memory_space<vmem>> -> memref<1x128xi32, #tpu.memory_space<vmem>>
      %dma_start3A_82 = tpu.memref_squeeze %dma_start3A_81 : memref<1x128xi32, #tpu.memory_space<vmem>> -> memref<128xi32, #tpu.memory_space<vmem>>
      %dma_start3A_83 = arith.constant 0 : i32
      %dma_start3A_84 = arith.constant 0 : i32
      %dma_start3A_85 = tpu.memref_slice %arg7[%dma_start3A_83, %dma_start3A_84] : memref<10112x128xf32, #tpu.memory_space<vmem_shared>> -> memref<10112x128xf32, #tpu.memory_space<vmem_shared>>
      tpu.enqueue_indirect_dma source(%dma_start3A_79 : memref<128x128xf32, #tpu.memory_space<vmem>>) target(%dma_start3A_85 : memref<10112x128xf32, #tpu.memory_space<vmem_shared>>) offsets(%dma_start3A_82 : memref<128xi32, #tpu.memory_space<vmem>>) semaphore(%arg10 : memref<!tpu.dma_semaphore, #tpu.memory_space<semaphore_mem>>) {add = true}
      %ge3A = arith.constant 1 : i32
      %ge3A_86 = arith.cmpi sge, %add3A_56, %ge3A : i32
      %convert_element_type3A = arith.extui %ge3A_86 : i1 to i32
      %cond3A = arith.constant 0 : i32
      %cond3A_87 = arith.cmpi ne, %convert_element_type3A, %cond3A : i32
      scf.if %cond3A_87 {
        %sub3A = arith.constant 1 : i32
        %sub3A_137 = arith.subi %add3A_56, %sub3A : i32
        %dma_wait3A_138 = arith.constant 1 : i32
        %dma_wait3A_139 = arith.constant 0 : i32
        %dma_wait3A_140 = arith.constant 0 : i32
        %dma_wait3A_141 = tpu.memref_slice %arg6[%dma_wait3A_138, %dma_wait3A_139, %dma_wait3A_140] : memref<2x128x128xf32, #tpu.memory_space<vmem>> -> memref<1x128x128xf32, #tpu.memory_space<vmem>>
        %dma_wait3A_142 = tpu.memref_squeeze %dma_wait3A_141 : memref<1x128x128xf32, #tpu.memory_space<vmem>> -> memref<128x128xf32, #tpu.memory_space<vmem>>
        %dma_wait3A_143 = arith.constant 0 : i32
        %dma_wait3A_144 = tpu.memref_slice %arg5[%sub3A_137, %dma_wait3A_143] : memref<40x128xi32, #tpu.memory_space<vmem>> -> memref<1x128xi32, #tpu.memory_space<vmem>>
        %dma_wait3A_145 = tpu.memref_squeeze %dma_wait3A_144 : memref<1x128xi32, #tpu.memory_space<vmem>> -> memref<128xi32, #tpu.memory_space<vmem>>
        %dma_wait3A_146 = arith.constant 0 : i32
        %dma_wait3A_147 = arith.constant 0 : i32
        %dma_wait3A_148 = tpu.memref_slice %arg7[%dma_wait3A_146, %dma_wait3A_147] : memref<10112x128xf32, #tpu.memory_space<vmem_shared>> -> memref<10112x128xf32, #tpu.memory_space<vmem_shared>>
        tpu.wait_indirect_dma semaphore(%arg11 : memref<!tpu.dma_semaphore, #tpu.memory_space<semaphore_mem>>) src(%dma_wait3A_142 : memref<128x128xf32, #tpu.memory_space<vmem>>) dst(%dma_wait3A_148 : memref<10112x128xf32, #tpu.memory_space<vmem_shared>>)
      } else {
      }
      %add3A_88 = arith.constant 1 : i32
      %add3A_89 = arith.addi %add3A_56, %add3A_88 : i32
      %lt3A = arith.constant 40 : i32
      %lt3A_90 = arith.cmpi slt, %add3A_89, %lt3A : i32
      %convert_element_type3A_91 = arith.extui %lt3A_90 : i1 to i32
      %cond3A_92 = arith.constant 0 : i32
      %cond3A_93 = arith.cmpi ne, %convert_element_type3A_91, %cond3A_92 : i32
      scf.if %cond3A_93 {
        %add3A_137 = arith.constant 1 : i32
        %add3A_138 = arith.addi %add3A_56, %add3A_137 : i32
        %mul3A_139 = arith.constant 40 : i32
        %mul3A_140 = arith.muli %add3A, %mul3A_139 : i32
        %add3A_141 = arith.addi %mul3A_140, %add3A_138 : i32
        %mul3A_142 = arith.constant 128 : i32
        %mul3A_143 = arith.muli %add3A_141, %mul3A_142 : i32
        %dma_start3A_144 = arith.constant 1 : i32
        %dma_start3A_145 = arith.constant 0 : i32
        %dma_start3A_146 = arith.constant 0 : i32
        %dma_start3A_147 = tpu.memref_slice %arg6[%dma_start3A_144, %dma_start3A_145, %dma_start3A_146] : memref<2x128x128xf32, #tpu.memory_space<vmem>> -> memref<1x128x128xf32, #tpu.memory_space<vmem>>
        %dma_start3A_148 = tpu.memref_squeeze %dma_start3A_147 : memref<1x128x128xf32, #tpu.memory_space<vmem>> -> memref<128x128xf32, #tpu.memory_space<vmem>>
        %dma_start3A_149 = arith.constant 0 : i32
        %dma_start3A_150 = tpu.memref_slice %arg2[%mul3A_143, %dma_start3A_149] : memref<163840x128xf32, #tpu.memory_space<hbm>> -> memref<128x128xf32, #tpu.memory_space<hbm>>
        %dma_start3A_151 = arith.constant 0 : i32
        %dma_start3A_152 = arith.constant 0 : i32
        %dma_start3A_153 = tpu.memref_slice %arg6[%dma_start3A_144, %dma_start3A_151, %dma_start3A_152] : memref<2x128x128xf32, #tpu.memory_space<vmem>> -> memref<1x128x128xf32, #tpu.memory_space<vmem>>
        %dma_start3A_154 = tpu.memref_squeeze %dma_start3A_153 : memref<1x128x128xf32, #tpu.memory_space<vmem>> -> memref<128x128xf32, #tpu.memory_space<vmem>>
        %dma_start3A_155 = arith.constant 0 : i32
        %dma_start3A_156 = tpu.memref_slice %arg2[%mul3A_143, %dma_start3A_155] : memref<163840x128xf32, #tpu.memory_space<hbm>> -> memref<128x128xf32, #tpu.memory_space<hbm>>
        tpu.enqueue_dma source(%dma_start3A_156 : memref<128x128xf32, #tpu.memory_space<hbm>>) target(%dma_start3A_154 : memref<128x128xf32, #tpu.memory_space<vmem>>) target_semaphore(%arg9 : memref<!tpu.dma_semaphore, #tpu.memory_space<semaphore_mem>>)
      } else {
      }
      %add3A_94 = arith.constant 1 : i32
      %add3A_95 = arith.addi %mul3A_54, %add3A_94 : i32
      %mul3A_96 = arith.constant 40 : i32
      %mul3A_97 = arith.muli %add3A, %mul3A_96 : i32
      %add3A_98 = arith.addi %mul3A_97, %add3A_95 : i32
      %mul3A_99 = arith.constant 128 : i32
      %mul3A_100 = arith.muli %add3A_98, %mul3A_99 : i32
      %dma_wait3A_101 = arith.constant 1 : i32
      %dma_wait3A_102 = arith.constant 0 : i32
      %dma_wait3A_103 = arith.constant 0 : i32
      %dma_wait3A_104 = tpu.memref_slice %arg6[%dma_wait3A_101, %dma_wait3A_102, %dma_wait3A_103] : memref<2x128x128xf32, #tpu.memory_space<vmem>> -> memref<1x128x128xf32, #tpu.memory_space<vmem>>
      %dma_wait3A_105 = tpu.memref_squeeze %dma_wait3A_104 : memref<1x128x128xf32, #tpu.memory_space<vmem>> -> memref<128x128xf32, #tpu.memory_space<vmem>>
      %dma_wait3A_106 = arith.constant 0 : i32
      %dma_wait3A_107 = tpu.memref_slice %arg2[%mul3A_100, %dma_wait3A_106] : memref<163840x128xf32, #tpu.memory_space<hbm>> -> memref<128x128xf32, #tpu.memory_space<hbm>>
      %dma_wait3A_108 = arith.constant 0 : i32
      %dma_wait3A_109 = arith.constant 0 : i32
      %dma_wait3A_110 = tpu.memref_slice %arg6[%dma_wait3A_101, %dma_wait3A_108, %dma_wait3A_109] : memref<2x128x128xf32, #tpu.memory_space<vmem>> -> memref<1x128x128xf32, #tpu.memory_space<vmem>>
      %dma_wait3A_111 = tpu.memref_squeeze %dma_wait3A_110 : memref<1x128x128xf32, #tpu.memory_space<vmem>> -> memref<128x128xf32, #tpu.memory_space<vmem>>
      %dma_wait3A_112 = arith.constant 0 : i32
      %dma_wait3A_113 = tpu.memref_slice %arg2[%mul3A_100, %dma_wait3A_112] : memref<163840x128xf32, #tpu.memory_space<hbm>> -> memref<128x128xf32, #tpu.memory_space<hbm>>
      tpu.wait_dma2 semaphore(%arg9 : memref<!tpu.dma_semaphore, #tpu.memory_space<semaphore_mem>>) src(%dma_wait3A_113 : memref<128x128xf32, #tpu.memory_space<hbm>>) dst(%dma_wait3A_111 : memref<128x128xf32, #tpu.memory_space<vmem>>)
      %dma_start3A_114 = arith.constant 1 : i32
      %dma_start3A_115 = arith.constant 0 : i32
      %dma_start3A_116 = arith.constant 0 : i32
      %dma_start3A_117 = tpu.memref_slice %arg6[%dma_start3A_114, %dma_start3A_115, %dma_start3A_116] : memref<2x128x128xf32, #tpu.memory_space<vmem>> -> memref<1x128x128xf32, #tpu.memory_space<vmem>>
      %dma_start3A_118 = tpu.memref_squeeze %dma_start3A_117 : memref<1x128x128xf32, #tpu.memory_space<vmem>> -> memref<128x128xf32, #tpu.memory_space<vmem>>
      %dma_start3A_119 = arith.constant 0 : i32
      %dma_start3A_120 = tpu.memref_slice %arg5[%add3A_95, %dma_start3A_119] : memref<40x128xi32, #tpu.memory_space<vmem>> -> memref<1x128xi32, #tpu.memory_space<vmem>>
      %dma_start3A_121 = tpu.memref_squeeze %dma_start3A_120 : memref<1x128xi32, #tpu.memory_space<vmem>> -> memref<128xi32, #tpu.memory_space<vmem>>
      %dma_start3A_122 = arith.constant 0 : i32
      %dma_start3A_123 = arith.constant 0 : i32
      %dma_start3A_124 = tpu.memref_slice %arg7[%dma_start3A_122, %dma_start3A_123] : memref<10112x128xf32, #tpu.memory_space<vmem_shared>> -> memref<10112x128xf32, #tpu.memory_space<vmem_shared>>
      tpu.enqueue_indirect_dma source(%dma_start3A_118 : memref<128x128xf32, #tpu.memory_space<vmem>>) target(%dma_start3A_124 : memref<10112x128xf32, #tpu.memory_space<vmem_shared>>) offsets(%dma_start3A_121 : memref<128xi32, #tpu.memory_space<vmem>>) semaphore(%arg11 : memref<!tpu.dma_semaphore, #tpu.memory_space<semaphore_mem>>) {add = true}
      %ge3A_125 = arith.constant 1 : i32
      %ge3A_126 = arith.cmpi sge, %add3A_95, %ge3A_125 : i32
      %convert_element_type3A_127 = arith.extui %ge3A_126 : i1 to i32
      %cond3A_128 = arith.constant 0 : i32
      %cond3A_129 = arith.cmpi ne, %convert_element_type3A_127, %cond3A_128 : i32
      scf.if %cond3A_129 {
        %sub3A = arith.constant 1 : i32
        %sub3A_137 = arith.subi %add3A_95, %sub3A : i32
        %dma_wait3A_138 = arith.constant 0 : i32
        %dma_wait3A_139 = arith.constant 0 : i32
        %dma_wait3A_140 = arith.constant 0 : i32
        %dma_wait3A_141 = tpu.memref_slice %arg6[%dma_wait3A_138, %dma_wait3A_139, %dma_wait3A_140] : memref<2x128x128xf32, #tpu.memory_space<vmem>> -> memref<1x128x128xf32, #tpu.memory_space<vmem>>
        %dma_wait3A_142 = tpu.memref_squeeze %dma_wait3A_141 : memref<1x128x128xf32, #tpu.memory_space<vmem>> -> memref<128x128xf32, #tpu.memory_space<vmem>>
        %dma_wait3A_143 = arith.constant 0 : i32
        %dma_wait3A_144 = tpu.memref_slice %arg5[%sub3A_137, %dma_wait3A_143] : memref<40x128xi32, #tpu.memory_space<vmem>> -> memref<1x128xi32, #tpu.memory_space<vmem>>
        %dma_wait3A_145 = tpu.memref_squeeze %dma_wait3A_144 : memref<1x128xi32, #tpu.memory_space<vmem>> -> memref<128xi32, #tpu.memory_space<vmem>>
        %dma_wait3A_146 = arith.constant 0 : i32
        %dma_wait3A_147 = arith.constant 0 : i32
        %dma_wait3A_148 = tpu.memref_slice %arg7[%dma_wait3A_146, %dma_wait3A_147] : memref<10112x128xf32, #tpu.memory_space<vmem_shared>> -> memref<10112x128xf32, #tpu.memory_space<vmem_shared>>
        tpu.wait_indirect_dma semaphore(%arg10 : memref<!tpu.dma_semaphore, #tpu.memory_space<semaphore_mem>>) src(%dma_wait3A_142 : memref<128x128xf32, #tpu.memory_space<vmem>>) dst(%dma_wait3A_148 : memref<10112x128xf32, #tpu.memory_space<vmem_shared>>)
      } else {
      }
      %add3A_130 = arith.constant 1 : i32
      %add3A_131 = arith.addi %add3A_95, %add3A_130 : i32
      %lt3A_132 = arith.constant 40 : i32
      %lt3A_133 = arith.cmpi slt, %add3A_131, %lt3A_132 : i32
      %convert_element_type3A_134 = arith.extui %lt3A_133 : i1 to i32
      %cond3A_135 = arith.constant 0 : i32
      %cond3A_136 = arith.cmpi ne, %convert_element_type3A_134, %cond3A_135 : i32
      scf.if %cond3A_136 {
        %add3A_137 = arith.constant 1 : i32
        %add3A_138 = arith.addi %add3A_95, %add3A_137 : i32
        %mul3A_139 = arith.constant 40 : i32
        %mul3A_140 = arith.muli %add3A, %mul3A_139 : i32
        %add3A_141 = arith.addi %mul3A_140, %add3A_138 : i32
        %mul3A_142 = arith.constant 128 : i32
        %mul3A_143 = arith.muli %add3A_141, %mul3A_142 : i32
        %dma_start3A_144 = arith.constant 0 : i32
        %dma_start3A_145 = arith.constant 0 : i32
        %dma_start3A_146 = arith.constant 0 : i32
        %dma_start3A_147 = tpu.memref_slice %arg6[%dma_start3A_144, %dma_start3A_145, %dma_start3A_146] : memref<2x128x128xf32, #tpu.memory_space<vmem>> -> memref<1x128x128xf32, #tpu.memory_space<vmem>>
        %dma_start3A_148 = tpu.memref_squeeze %dma_start3A_147 : memref<1x128x128xf32, #tpu.memory_space<vmem>> -> memref<128x128xf32, #tpu.memory_space<vmem>>
        %dma_start3A_149 = arith.constant 0 : i32
        %dma_start3A_150 = tpu.memref_slice %arg2[%mul3A_143, %dma_start3A_149] : memref<163840x128xf32, #tpu.memory_space<hbm>> -> memref<128x128xf32, #tpu.memory_space<hbm>>
        %dma_start3A_151 = arith.constant 0 : i32
        %dma_start3A_152 = arith.constant 0 : i32
        %dma_start3A_153 = tpu.memref_slice %arg6[%dma_start3A_144, %dma_start3A_151, %dma_start3A_152] : memref<2x128x128xf32, #tpu.memory_space<vmem>> -> memref<1x128x128xf32, #tpu.memory_space<vmem>>
        %dma_start3A_154 = tpu.memref_squeeze %dma_start3A_153 : memref<1x128x128xf32, #tpu.memory_space<vmem>> -> memref<128x128xf32, #tpu.memory_space<vmem>>
        %dma_start3A_155 = arith.constant 0 : i32
        %dma_start3A_156 = tpu.memref_slice %arg2[%mul3A_143, %dma_start3A_155] : memref<163840x128xf32, #tpu.memory_space<hbm>> -> memref<128x128xf32, #tpu.memory_space<hbm>>
        tpu.enqueue_dma source(%dma_start3A_156 : memref<128x128xf32, #tpu.memory_space<hbm>>) target(%dma_start3A_154 : memref<128x128xf32, #tpu.memory_space<vmem>>) target_semaphore(%arg8 : memref<!tpu.dma_semaphore, #tpu.memory_space<semaphore_mem>>)
      } else {
      }
    }
    %scan3A_39 = arith.constant 20 : i32
    %dma_wait3A = arith.constant 1 : i32
    %dma_wait3A_40 = arith.constant 39 : i32
    %dma_wait3A_41 = arith.constant 0 : i32
    %dma_wait3A_42 = arith.constant 0 : i32
    %dma_wait3A_43 = tpu.memref_slice %arg6[%dma_wait3A, %dma_wait3A_41, %dma_wait3A_42] : memref<2x128x128xf32, #tpu.memory_space<vmem>> -> memref<1x128x128xf32, #tpu.memory_space<vmem>>
    %dma_wait3A_44 = tpu.memref_squeeze %dma_wait3A_43 : memref<1x128x128xf32, #tpu.memory_space<vmem>> -> memref<128x128xf32, #tpu.memory_space<vmem>>
    %dma_wait3A_45 = arith.constant 0 : i32
    %dma_wait3A_46 = tpu.memref_slice %arg5[%dma_wait3A_40, %dma_wait3A_45] : memref<40x128xi32, #tpu.memory_space<vmem>> -> memref<1x128xi32, #tpu.memory_space<vmem>>
    %dma_wait3A_47 = tpu.memref_squeeze %dma_wait3A_46 : memref<1x128xi32, #tpu.memory_space<vmem>> -> memref<128xi32, #tpu.memory_space<vmem>>
    %dma_wait3A_48 = arith.constant 0 : i32
    %dma_wait3A_49 = arith.constant 0 : i32
    %dma_wait3A_50 = tpu.memref_slice %arg7[%dma_wait3A_48, %dma_wait3A_49] : memref<10112x128xf32, #tpu.memory_space<vmem_shared>> -> memref<10112x128xf32, #tpu.memory_space<vmem_shared>>
    tpu.wait_indirect_dma semaphore(%arg11 : memref<!tpu.dma_semaphore, #tpu.memory_space<semaphore_mem>>) src(%dma_wait3A_44 : memref<128x128xf32, #tpu.memory_space<vmem>>) dst(%dma_wait3A_50 : memref<10112x128xf32, #tpu.memory_space<vmem_shared>>)
    %barrier3A_51 = arith.constant 0 : index
    tpu.barrier barrier_id(%barrier3A_51)
    "tpu.region"() ({
      %run_scoped3A_52 = tpu.sem_alloc : memref<!tpu.dma_semaphore, #tpu.memory_space<semaphore_mem>>
      %dma_start3A_53 = arith.constant 0 : i32
      %dma_start3A_54 = arith.constant 0 : i32
      %dma_start3A_55 = tpu.memref_slice %arg4[%arg0, %dma_start3A_53, %dma_start3A_54] : memref<2x10112x128xf32, #tpu.memory_space<hbm>> -> memref<1x10112x128xf32, #tpu.memory_space<hbm>>
      %dma_start3A_56 = tpu.memref_squeeze %dma_start3A_55 : memref<1x10112x128xf32, #tpu.memory_space<hbm>> -> memref<10112x128xf32, #tpu.memory_space<hbm>>
      %dma_start3A_57 = arith.constant 0 : i32
      %dma_start3A_58 = tpu.memref_slice %dma_start3A_56[%mul3A_7, %dma_start3A_57] : memref<10112x128xf32, #tpu.memory_space<hbm>> -> memref<632x128xf32, #tpu.memory_space<hbm>>
      %dma_start3A_59 = arith.constant 0 : i32
      %dma_start3A_60 = tpu.memref_slice %arg7[%mul3A_7, %dma_start3A_59] : memref<10112x128xf32, #tpu.memory_space<vmem_shared>> -> memref<632x128xf32, #tpu.memory_space<vmem_shared>>
      tpu.enqueue_dma source(%dma_start3A_60 : memref<632x128xf32, #tpu.memory_space<vmem_shared>>) target(%dma_start3A_58 : memref<632x128xf32, #tpu.memory_space<hbm>>) target_semaphore(%run_scoped3A_52 : memref<!tpu.dma_semaphore, #tpu.memory_space<semaphore_mem>>)
      %dma_wait3A_61 = arith.constant 0 : i32
      %dma_wait3A_62 = arith.constant 0 : i32
      %dma_wait3A_63 = tpu.memref_slice %arg4[%arg0, %dma_wait3A_61, %dma_wait3A_62] : memref<2x10112x128xf32, #tpu.memory_space<hbm>> -> memref<1x10112x128xf32, #tpu.memory_space<hbm>>
      %dma_wait3A_64 = tpu.memref_squeeze %dma_wait3A_63 : memref<1x10112x128xf32, #tpu.memory_space<hbm>> -> memref<10112x128xf32, #tpu.memory_space<hbm>>
      %dma_wait3A_65 = arith.constant 0 : i32
      %dma_wait3A_66 = tpu.memref_slice %dma_wait3A_64[%mul3A_7, %dma_wait3A_65] : memref<10112x128xf32, #tpu.memory_space<hbm>> -> memref<632x128xf32, #tpu.memory_space<hbm>>
      %dma_wait3A_67 = arith.constant 0 : i32
      %dma_wait3A_68 = tpu.memref_slice %arg7[%mul3A_7, %dma_wait3A_67] : memref<10112x128xf32, #tpu.memory_space<vmem_shared>> -> memref<632x128xf32, #tpu.memory_space<vmem_shared>>
      tpu.wait_dma2 semaphore(%run_scoped3A_52 : memref<!tpu.dma_semaphore, #tpu.memory_space<semaphore_mem>>) src(%dma_wait3A_68 : memref<632x128xf32, #tpu.memory_space<vmem_shared>>) dst(%dma_wait3A_66 : memref<632x128xf32, #tpu.memory_space<hbm>>)
      tpu.yield
    }) : () -> ()
    return
  }
}

#map = affine_map<(d0, d1) -> (0, 0)>
#map1 = affine_map<(d0, d1) -> (0, 0, 0)>
module attributes {stable_mosaic.version = 14 : i64} {
  func.func @_gather_body(%arg0: i32, %arg1: i32, %arg2: memref<10000x128xf32, #tpu.memory_space<hbm>>, %arg3: memref<32x40x128xi32, #tpu.memory_space<hbm>>, %arg4: memref<163840x128xf32, #tpu.memory_space<hbm>>, %arg5: memref<40x128xi32, #tpu.memory_space<vmem>>, %arg6: memref<2x128x128xf32, #tpu.memory_space<vmem>>, %arg7: memref<10000x128xf32, #tpu.memory_space<vmem_shared>>, %arg8: memref<!tpu.dma_semaphore, #tpu.memory_space<semaphore_mem>>, %arg9: memref<!tpu.dma_semaphore, #tpu.memory_space<semaphore_mem>>, %arg10: memref<!tpu.dma_semaphore, #tpu.memory_space<semaphore_mem>>, %arg11: memref<!tpu.dma_semaphore, #tpu.memory_space<semaphore_mem>>) attributes {dimension_semantics = [#tpu.dimension_semantics<core_parallel>, #tpu.dimension_semantics<subcore_parallel>], iteration_bounds = array<i64: 2, 16>, scalar_prefetch = 0 : i64, scratch_operands = 7 : i64, tpu.core_type = #tpu.core_type<sc_vector_subcore>, window_params = [{transform_indices = #map}, {transform_indices = #map1}, {transform_indices = #map}]} {
    %mul3A = arith.constant 2 : i32
    %mul3A_0 = arith.muli %arg1, %mul3A : i32
    %add3A = arith.addi %mul3A_0, %arg0 : i32
    %lt3A = arith.constant 15 : i32
    %lt3A_1 = arith.cmpi slt, %arg1, %lt3A : i32
    %convert_element_type3A = arith.extui %lt3A_1 : i1 to i32
    %cond3A = arith.constant 0 : i32
    %cond3A_2 = arith.cmpi ne, %convert_element_type3A, %cond3A : i32
    scf.if %cond3A_2 {
      %mul3A_41 = arith.constant 632 : i32
      %mul3A_42 = arith.muli %arg1, %mul3A_41 : i32
      %mul3A_43 = arith.constant 632 : i32
      %mul3A_44 = arith.muli %arg1, %mul3A_43 : i32
      "tpu.region"() ({
        %run_scoped3A = tpu.sem_alloc : memref<!tpu.dma_semaphore, #tpu.memory_space<semaphore_mem>>
        %dma_start3A_45 = arith.constant 0 : i32
        %dma_start3A_46 = tpu.memref_slice %arg7[%mul3A_44, %dma_start3A_45] : memref<10000x128xf32, #tpu.memory_space<vmem_shared>> -> memref<632x128xf32, #tpu.memory_space<vmem_shared>>
        %dma_start3A_47 = arith.constant 0 : i32
        %dma_start3A_48 = tpu.memref_slice %arg2[%mul3A_42, %dma_start3A_47] : memref<10000x128xf32, #tpu.memory_space<hbm>> -> memref<632x128xf32, #tpu.memory_space<hbm>>
        tpu.enqueue_dma source(%dma_start3A_48 : memref<632x128xf32, #tpu.memory_space<hbm>>) target(%dma_start3A_46 : memref<632x128xf32, #tpu.memory_space<vmem_shared>>) target_semaphore(%run_scoped3A : memref<!tpu.dma_semaphore, #tpu.memory_space<semaphore_mem>>)
        %dma_wait3A_49 = arith.constant 0 : i32
        %dma_wait3A_50 = tpu.memref_slice %arg7[%mul3A_44, %dma_wait3A_49] : memref<10000x128xf32, #tpu.memory_space<vmem_shared>> -> memref<632x128xf32, #tpu.memory_space<vmem_shared>>
        %dma_wait3A_51 = arith.constant 0 : i32
        %dma_wait3A_52 = tpu.memref_slice %arg2[%mul3A_42, %dma_wait3A_51] : memref<10000x128xf32, #tpu.memory_space<hbm>> -> memref<632x128xf32, #tpu.memory_space<hbm>>
        tpu.wait_dma2 semaphore(%run_scoped3A : memref<!tpu.dma_semaphore, #tpu.memory_space<semaphore_mem>>) src(%dma_wait3A_52 : memref<632x128xf32, #tpu.memory_space<hbm>>) dst(%dma_wait3A_50 : memref<632x128xf32, #tpu.memory_space<vmem_shared>>)
        tpu.yield
      }) : () -> ()
    } else {
    }
    %eq3A = arith.constant 15 : i32
    %eq3A_3 = arith.cmpi eq, %arg1, %eq3A : i32
    %convert_element_type3A_4 = arith.extui %eq3A_3 : i1 to i32
    %cond3A_5 = arith.constant 0 : i32
    %cond3A_6 = arith.cmpi ne, %convert_element_type3A_4, %cond3A_5 : i32
    scf.if %cond3A_6 {
      "tpu.region"() ({
        %run_scoped3A = tpu.sem_alloc : memref<!tpu.dma_semaphore, #tpu.memory_space<semaphore_mem>>
        %dma_start3A_41 = arith.constant 9480 : i32
        %dma_start3A_42 = arith.constant 0 : i32
        %dma_start3A_43 = tpu.memref_slice %arg7[%dma_start3A_41, %dma_start3A_42] : memref<10000x128xf32, #tpu.memory_space<vmem_shared>> -> memref<520x128xf32, #tpu.memory_space<vmem_shared>>
        %dma_start3A_44 = arith.constant 9480 : i32
        %dma_start3A_45 = arith.constant 0 : i32
        %dma_start3A_46 = tpu.memref_slice %arg2[%dma_start3A_44, %dma_start3A_45] : memref<10000x128xf32, #tpu.memory_space<hbm>> -> memref<520x128xf32, #tpu.memory_space<hbm>>
        tpu.enqueue_dma source(%dma_start3A_46 : memref<520x128xf32, #tpu.memory_space<hbm>>) target(%dma_start3A_43 : memref<520x128xf32, #tpu.memory_space<vmem_shared>>) target_semaphore(%run_scoped3A : memref<!tpu.dma_semaphore, #tpu.memory_space<semaphore_mem>>)
        %dma_wait3A_47 = arith.constant 9480 : i32
        %dma_wait3A_48 = arith.constant 0 : i32
        %dma_wait3A_49 = tpu.memref_slice %arg7[%dma_wait3A_47, %dma_wait3A_48] : memref<10000x128xf32, #tpu.memory_space<vmem_shared>> -> memref<520x128xf32, #tpu.memory_space<vmem_shared>>
        %dma_wait3A_50 = arith.constant 9480 : i32
        %dma_wait3A_51 = arith.constant 0 : i32
        %dma_wait3A_52 = tpu.memref_slice %arg2[%dma_wait3A_50, %dma_wait3A_51] : memref<10000x128xf32, #tpu.memory_space<hbm>> -> memref<520x128xf32, #tpu.memory_space<hbm>>
        tpu.wait_dma2 semaphore(%run_scoped3A : memref<!tpu.dma_semaphore, #tpu.memory_space<semaphore_mem>>) src(%dma_wait3A_52 : memref<520x128xf32, #tpu.memory_space<hbm>>) dst(%dma_wait3A_49 : memref<520x128xf32, #tpu.memory_space<vmem_shared>>)
        tpu.yield
      }) : () -> ()
    } else {
    }
    "tpu.region"() ({
      %run_scoped3A = tpu.sem_alloc : memref<!tpu.dma_semaphore, #tpu.memory_space<semaphore_mem>>
      %dma_start3A_41 = arith.constant 0 : i32
      %dma_start3A_42 = arith.constant 0 : i32
      %dma_start3A_43 = tpu.memref_slice %arg3[%add3A, %dma_start3A_41, %dma_start3A_42] : memref<32x40x128xi32, #tpu.memory_space<hbm>> -> memref<1x40x128xi32, #tpu.memory_space<hbm>>
      %dma_start3A_44 = tpu.memref_squeeze %dma_start3A_43 : memref<1x40x128xi32, #tpu.memory_space<hbm>> -> memref<40x128xi32, #tpu.memory_space<hbm>>
      %dma_start3A_45 = arith.constant 0 : i32
      %dma_start3A_46 = arith.constant 0 : i32
      %dma_start3A_47 = tpu.memref_slice %arg3[%add3A, %dma_start3A_45, %dma_start3A_46] : memref<32x40x128xi32, #tpu.memory_space<hbm>> -> memref<1x40x128xi32, #tpu.memory_space<hbm>>
      %dma_start3A_48 = tpu.memref_squeeze %dma_start3A_47 : memref<1x40x128xi32, #tpu.memory_space<hbm>> -> memref<40x128xi32, #tpu.memory_space<hbm>>
      tpu.enqueue_dma source(%dma_start3A_48 : memref<40x128xi32, #tpu.memory_space<hbm>>) target(%arg5 : memref<40x128xi32, #tpu.memory_space<vmem>>) target_semaphore(%run_scoped3A : memref<!tpu.dma_semaphore, #tpu.memory_space<semaphore_mem>>)
      %dma_wait3A_49 = arith.constant 0 : i32
      %dma_wait3A_50 = arith.constant 0 : i32
      %dma_wait3A_51 = tpu.memref_slice %arg3[%add3A, %dma_wait3A_49, %dma_wait3A_50] : memref<32x40x128xi32, #tpu.memory_space<hbm>> -> memref<1x40x128xi32, #tpu.memory_space<hbm>>
      %dma_wait3A_52 = tpu.memref_squeeze %dma_wait3A_51 : memref<1x40x128xi32, #tpu.memory_space<hbm>> -> memref<40x128xi32, #tpu.memory_space<hbm>>
      %dma_wait3A_53 = arith.constant 0 : i32
      %dma_wait3A_54 = arith.constant 0 : i32
      %dma_wait3A_55 = tpu.memref_slice %arg3[%add3A, %dma_wait3A_53, %dma_wait3A_54] : memref<32x40x128xi32, #tpu.memory_space<hbm>> -> memref<1x40x128xi32, #tpu.memory_space<hbm>>
      %dma_wait3A_56 = tpu.memref_squeeze %dma_wait3A_55 : memref<1x40x128xi32, #tpu.memory_space<hbm>> -> memref<40x128xi32, #tpu.memory_space<hbm>>
      tpu.wait_dma2 semaphore(%run_scoped3A : memref<!tpu.dma_semaphore, #tpu.memory_space<semaphore_mem>>) src(%dma_wait3A_56 : memref<40x128xi32, #tpu.memory_space<hbm>>) dst(%arg5 : memref<40x128xi32, #tpu.memory_space<vmem>>)
      tpu.yield
    }) : () -> ()
    %barrier3A = arith.constant 0 : index
    tpu.barrier barrier_id(%barrier3A)
    %dma_start3A = arith.constant 0 : i32
    %dma_start3A_7 = arith.constant 0 : i32
    %dma_start3A_8 = arith.constant 0 : i32
    %dma_start3A_9 = arith.constant 0 : i32
    %dma_start3A_10 = tpu.memref_slice %arg6[%dma_start3A_7, %dma_start3A_8, %dma_start3A_9] : memref<2x128x128xf32, #tpu.memory_space<vmem>> -> memref<1x128x128xf32, #tpu.memory_space<vmem>>
    %dma_start3A_11 = tpu.memref_squeeze %dma_start3A_10 : memref<1x128x128xf32, #tpu.memory_space<vmem>> -> memref<128x128xf32, #tpu.memory_space<vmem>>
    %dma_start3A_12 = arith.constant 0 : i32
    %dma_start3A_13 = tpu.memref_slice %arg5[%dma_start3A, %dma_start3A_12] : memref<40x128xi32, #tpu.memory_space<vmem>> -> memref<1x128xi32, #tpu.memory_space<vmem>>
    %dma_start3A_14 = tpu.memref_squeeze %dma_start3A_13 : memref<1x128xi32, #tpu.memory_space<vmem>> -> memref<128xi32, #tpu.memory_space<vmem>>
    %dma_start3A_15 = arith.constant 0 : i32
    %dma_start3A_16 = arith.constant 0 : i32
    %dma_start3A_17 = tpu.memref_slice %arg7[%dma_start3A_15, %dma_start3A_16] : memref<10000x128xf32, #tpu.memory_space<vmem_shared>> -> memref<10000x128xf32, #tpu.memory_space<vmem_shared>>
    tpu.enqueue_indirect_dma source(%dma_start3A_17 : memref<10000x128xf32, #tpu.memory_space<vmem_shared>>) target(%dma_start3A_11 : memref<128x128xf32, #tpu.memory_space<vmem>>) offsets(%dma_start3A_14 : memref<128xi32, #tpu.memory_space<vmem>>) semaphore(%arg8 : memref<!tpu.dma_semaphore, #tpu.memory_space<semaphore_mem>>)
    %scan3A = arith.constant 0 : i32
    %scan3A_18 = arith.constant 0 : i32
    %scan3A_19 = arith.constant 20 : i32
    %scan3A_20 = arith.addi %scan3A_18, %scan3A_19 : i32
    %scan3A_21 = arith.constant 1 : i32
    scf.for %scan3A_41 = %scan3A_18 to %scan3A_20 step %scan3A_21  : i32 {
      %mul3A_42 = arith.constant 2 : i32
      %mul3A_43 = arith.muli %scan3A_41, %mul3A_42 : i32
      %add3A_44 = arith.constant 0 : i32
      %add3A_45 = arith.addi %mul3A_43, %add3A_44 : i32
      %dma_wait3A_46 = arith.constant 0 : i32
      %dma_wait3A_47 = arith.constant 0 : i32
      %dma_wait3A_48 = arith.constant 0 : i32
      %dma_wait3A_49 = tpu.memref_slice %arg6[%dma_wait3A_46, %dma_wait3A_47, %dma_wait3A_48] : memref<2x128x128xf32, #tpu.memory_space<vmem>> -> memref<1x128x128xf32, #tpu.memory_space<vmem>>
      %dma_wait3A_50 = tpu.memref_squeeze %dma_wait3A_49 : memref<1x128x128xf32, #tpu.memory_space<vmem>> -> memref<128x128xf32, #tpu.memory_space<vmem>>
      %dma_wait3A_51 = arith.constant 0 : i32
      %dma_wait3A_52 = tpu.memref_slice %arg5[%add3A_45, %dma_wait3A_51] : memref<40x128xi32, #tpu.memory_space<vmem>> -> memref<1x128xi32, #tpu.memory_space<vmem>>
      %dma_wait3A_53 = tpu.memref_squeeze %dma_wait3A_52 : memref<1x128xi32, #tpu.memory_space<vmem>> -> memref<128xi32, #tpu.memory_space<vmem>>
      %dma_wait3A_54 = arith.constant 0 : i32
      %dma_wait3A_55 = arith.constant 0 : i32
      %dma_wait3A_56 = tpu.memref_slice %arg7[%dma_wait3A_54, %dma_wait3A_55] : memref<10000x128xf32, #tpu.memory_space<vmem_shared>> -> memref<10000x128xf32, #tpu.memory_space<vmem_shared>>
      tpu.wait_indirect_dma semaphore(%arg8 : memref<!tpu.dma_semaphore, #tpu.memory_space<semaphore_mem>>) src(%dma_wait3A_56 : memref<10000x128xf32, #tpu.memory_space<vmem_shared>>) dst(%dma_wait3A_50 : memref<128x128xf32, #tpu.memory_space<vmem>>)
      %mul3A_57 = arith.constant 40 : i32
      %mul3A_58 = arith.muli %add3A, %mul3A_57 : i32
      %add3A_59 = arith.addi %mul3A_58, %add3A_45 : i32
      %mul3A_60 = arith.constant 128 : i32
      %mul3A_61 = arith.muli %add3A_59, %mul3A_60 : i32
      %dma_start3A_62 = arith.constant 0 : i32
      %dma_start3A_63 = arith.constant 0 : i32
      %dma_start3A_64 = arith.constant 0 : i32
      %dma_start3A_65 = tpu.memref_slice %arg6[%dma_start3A_62, %dma_start3A_63, %dma_start3A_64] : memref<2x128x128xf32, #tpu.memory_space<vmem>> -> memref<1x128x128xf32, #tpu.memory_space<vmem>>
      %dma_start3A_66 = tpu.memref_squeeze %dma_start3A_65 : memref<1x128x128xf32, #tpu.memory_space<vmem>> -> memref<128x128xf32, #tpu.memory_space<vmem>>
      %dma_start3A_67 = arith.constant 0 : i32
      %dma_start3A_68 = tpu.memref_slice %arg4[%mul3A_61, %dma_start3A_67] : memref<163840x128xf32, #tpu.memory_space<hbm>> -> memref<128x128xf32, #tpu.memory_space<hbm>>
      %dma_start3A_69 = arith.constant 0 : i32
      %dma_start3A_70 = tpu.memref_slice %arg4[%mul3A_61, %dma_start3A_69] : memref<163840x128xf32, #tpu.memory_space<hbm>> -> memref<128x128xf32, #tpu.memory_space<hbm>>
      %dma_start3A_71 = arith.constant 0 : i32
      %dma_start3A_72 = arith.constant 0 : i32
      %dma_start3A_73 = tpu.memref_slice %arg6[%dma_start3A_62, %dma_start3A_71, %dma_start3A_72] : memref<2x128x128xf32, #tpu.memory_space<vmem>> -> memref<1x128x128xf32, #tpu.memory_space<vmem>>
      %dma_start3A_74 = tpu.memref_squeeze %dma_start3A_73 : memref<1x128x128xf32, #tpu.memory_space<vmem>> -> memref<128x128xf32, #tpu.memory_space<vmem>>
      tpu.enqueue_dma source(%dma_start3A_74 : memref<128x128xf32, #tpu.memory_space<vmem>>) target(%dma_start3A_70 : memref<128x128xf32, #tpu.memory_space<hbm>>) target_semaphore(%arg10 : memref<!tpu.dma_semaphore, #tpu.memory_space<semaphore_mem>>)
      %ge3A = arith.constant 1 : i32
      %ge3A_75 = arith.cmpi sge, %add3A_45, %ge3A : i32
      %convert_element_type3A_76 = arith.extui %ge3A_75 : i1 to i32
      %cond3A_77 = arith.constant 0 : i32
      %cond3A_78 = arith.cmpi ne, %convert_element_type3A_76, %cond3A_77 : i32
      scf.if %cond3A_78 {
        %sub3A = arith.constant 1 : i32
        %sub3A_129 = arith.subi %add3A_45, %sub3A : i32
        %mul3A_130 = arith.constant 40 : i32
        %mul3A_131 = arith.muli %add3A, %mul3A_130 : i32
        %add3A_132 = arith.addi %mul3A_131, %sub3A_129 : i32
        %mul3A_133 = arith.constant 128 : i32
        %mul3A_134 = arith.muli %add3A_132, %mul3A_133 : i32
        %dma_wait3A_135 = arith.constant 1 : i32
        %dma_wait3A_136 = arith.constant 0 : i32
        %dma_wait3A_137 = arith.constant 0 : i32
        %dma_wait3A_138 = tpu.memref_slice %arg6[%dma_wait3A_135, %dma_wait3A_136, %dma_wait3A_137] : memref<2x128x128xf32, #tpu.memory_space<vmem>> -> memref<1x128x128xf32, #tpu.memory_space<vmem>>
        %dma_wait3A_139 = tpu.memref_squeeze %dma_wait3A_138 : memref<1x128x128xf32, #tpu.memory_space<vmem>> -> memref<128x128xf32, #tpu.memory_space<vmem>>
        %dma_wait3A_140 = arith.constant 0 : i32
        %dma_wait3A_141 = tpu.memref_slice %arg4[%mul3A_134, %dma_wait3A_140] : memref<163840x128xf32, #tpu.memory_space<hbm>> -> memref<128x128xf32, #tpu.memory_space<hbm>>
        %dma_wait3A_142 = arith.constant 0 : i32
        %dma_wait3A_143 = tpu.memref_slice %arg4[%mul3A_134, %dma_wait3A_142] : memref<163840x128xf32, #tpu.memory_space<hbm>> -> memref<128x128xf32, #tpu.memory_space<hbm>>
        %dma_wait3A_144 = arith.constant 0 : i32
        %dma_wait3A_145 = arith.constant 0 : i32
        %dma_wait3A_146 = tpu.memref_slice %arg6[%dma_wait3A_135, %dma_wait3A_144, %dma_wait3A_145] : memref<2x128x128xf32, #tpu.memory_space<vmem>> -> memref<1x128x128xf32, #tpu.memory_space<vmem>>
        %dma_wait3A_147 = tpu.memref_squeeze %dma_wait3A_146 : memref<1x128x128xf32, #tpu.memory_space<vmem>> -> memref<128x128xf32, #tpu.memory_space<vmem>>
        tpu.wait_dma2 semaphore(%arg11 : memref<!tpu.dma_semaphore, #tpu.memory_space<semaphore_mem>>) src(%dma_wait3A_147 : memref<128x128xf32, #tpu.memory_space<vmem>>) dst(%dma_wait3A_143 : memref<128x128xf32, #tpu.memory_space<hbm>>)
      } else {
      }
      %add3A_79 = arith.constant 1 : i32
      %add3A_80 = arith.addi %add3A_45, %add3A_79 : i32
      %lt3A_81 = arith.constant 40 : i32
      %lt3A_82 = arith.cmpi slt, %add3A_80, %lt3A_81 : i32
      %convert_element_type3A_83 = arith.extui %lt3A_82 : i1 to i32
      %cond3A_84 = arith.constant 0 : i32
      %cond3A_85 = arith.cmpi ne, %convert_element_type3A_83, %cond3A_84 : i32
      scf.if %cond3A_85 {
        %add3A_129 = arith.constant 1 : i32
        %add3A_130 = arith.addi %add3A_45, %add3A_129 : i32
        %dma_start3A_131 = arith.constant 1 : i32
        %dma_start3A_132 = arith.constant 0 : i32
        %dma_start3A_133 = arith.constant 0 : i32
        %dma_start3A_134 = tpu.memref_slice %arg6[%dma_start3A_131, %dma_start3A_132, %dma_start3A_133] : memref<2x128x128xf32, #tpu.memory_space<vmem>> -> memref<1x128x128xf32, #tpu.memory_space<vmem>>
        %dma_start3A_135 = tpu.memref_squeeze %dma_start3A_134 : memref<1x128x128xf32, #tpu.memory_space<vmem>> -> memref<128x128xf32, #tpu.memory_space<vmem>>
        %dma_start3A_136 = arith.constant 0 : i32
        %dma_start3A_137 = tpu.memref_slice %arg5[%add3A_130, %dma_start3A_136] : memref<40x128xi32, #tpu.memory_space<vmem>> -> memref<1x128xi32, #tpu.memory_space<vmem>>
        %dma_start3A_138 = tpu.memref_squeeze %dma_start3A_137 : memref<1x128xi32, #tpu.memory_space<vmem>> -> memref<128xi32, #tpu.memory_space<vmem>>
        %dma_start3A_139 = arith.constant 0 : i32
        %dma_start3A_140 = arith.constant 0 : i32
        %dma_start3A_141 = tpu.memref_slice %arg7[%dma_start3A_139, %dma_start3A_140] : memref<10000x128xf32, #tpu.memory_space<vmem_shared>> -> memref<10000x128xf32, #tpu.memory_space<vmem_shared>>
        tpu.enqueue_indirect_dma source(%dma_start3A_141 : memref<10000x128xf32, #tpu.memory_space<vmem_shared>>) target(%dma_start3A_135 : memref<128x128xf32, #tpu.memory_space<vmem>>) offsets(%dma_start3A_138 : memref<128xi32, #tpu.memory_space<vmem>>) semaphore(%arg9 : memref<!tpu.dma_semaphore, #tpu.memory_space<semaphore_mem>>)
      } else {
      }
      %add3A_86 = arith.constant 1 : i32
      %add3A_87 = arith.addi %mul3A_43, %add3A_86 : i32
      %dma_wait3A_88 = arith.constant 1 : i32
      %dma_wait3A_89 = arith.constant 0 : i32
      %dma_wait3A_90 = arith.constant 0 : i32
      %dma_wait3A_91 = tpu.memref_slice %arg6[%dma_wait3A_88, %dma_wait3A_89, %dma_wait3A_90] : memref<2x128x128xf32, #tpu.memory_space<vmem>> -> memref<1x128x128xf32, #tpu.memory_space<vmem>>
      %dma_wait3A_92 = tpu.memref_squeeze %dma_wait3A_91 : memref<1x128x128xf32, #tpu.memory_space<vmem>> -> memref<128x128xf32, #tpu.memory_space<vmem>>
      %dma_wait3A_93 = arith.constant 0 : i32
      %dma_wait3A_94 = tpu.memref_slice %arg5[%add3A_87, %dma_wait3A_93] : memref<40x128xi32, #tpu.memory_space<vmem>> -> memref<1x128xi32, #tpu.memory_space<vmem>>
      %dma_wait3A_95 = tpu.memref_squeeze %dma_wait3A_94 : memref<1x128xi32, #tpu.memory_space<vmem>> -> memref<128xi32, #tpu.memory_space<vmem>>
      %dma_wait3A_96 = arith.constant 0 : i32
      %dma_wait3A_97 = arith.constant 0 : i32
      %dma_wait3A_98 = tpu.memref_slice %arg7[%dma_wait3A_96, %dma_wait3A_97] : memref<10000x128xf32, #tpu.memory_space<vmem_shared>> -> memref<10000x128xf32, #tpu.memory_space<vmem_shared>>
      tpu.wait_indirect_dma semaphore(%arg9 : memref<!tpu.dma_semaphore, #tpu.memory_space<semaphore_mem>>) src(%dma_wait3A_98 : memref<10000x128xf32, #tpu.memory_space<vmem_shared>>) dst(%dma_wait3A_92 : memref<128x128xf32, #tpu.memory_space<vmem>>)
      %mul3A_99 = arith.constant 40 : i32
      %mul3A_100 = arith.muli %add3A, %mul3A_99 : i32
      %add3A_101 = arith.addi %mul3A_100, %add3A_87 : i32
      %mul3A_102 = arith.constant 128 : i32
      %mul3A_103 = arith.muli %add3A_101, %mul3A_102 : i32
      %dma_start3A_104 = arith.constant 1 : i32
      %dma_start3A_105 = arith.constant 0 : i32
      %dma_start3A_106 = arith.constant 0 : i32
      %dma_start3A_107 = tpu.memref_slice %arg6[%dma_start3A_104, %dma_start3A_105, %dma_start3A_106] : memref<2x128x128xf32, #tpu.memory_space<vmem>> -> memref<1x128x128xf32, #tpu.memory_space<vmem>>
      %dma_start3A_108 = tpu.memref_squeeze %dma_start3A_107 : memref<1x128x128xf32, #tpu.memory_space<vmem>> -> memref<128x128xf32, #tpu.memory_space<vmem>>
      %dma_start3A_109 = arith.constant 0 : i32
      %dma_start3A_110 = tpu.memref_slice %arg4[%mul3A_103, %dma_start3A_109] : memref<163840x128xf32, #tpu.memory_space<hbm>> -> memref<128x128xf32, #tpu.memory_space<hbm>>
      %dma_start3A_111 = arith.constant 0 : i32
      %dma_start3A_112 = tpu.memref_slice %arg4[%mul3A_103, %dma_start3A_111] : memref<163840x128xf32, #tpu.memory_space<hbm>> -> memref<128x128xf32, #tpu.memory_space<hbm>>
      %dma_start3A_113 = arith.constant 0 : i32
      %dma_start3A_114 = arith.constant 0 : i32
      %dma_start3A_115 = tpu.memref_slice %arg6[%dma_start3A_104, %dma_start3A_113, %dma_start3A_114] : memref<2x128x128xf32, #tpu.memory_space<vmem>> -> memref<1x128x128xf32, #tpu.memory_space<vmem>>
      %dma_start3A_116 = tpu.memref_squeeze %dma_start3A_115 : memref<1x128x128xf32, #tpu.memory_space<vmem>> -> memref<128x128xf32, #tpu.memory_space<vmem>>
      tpu.enqueue_dma source(%dma_start3A_116 : memref<128x128xf32, #tpu.memory_space<vmem>>) target(%dma_start3A_112 : memref<128x128xf32, #tpu.memory_space<hbm>>) target_semaphore(%arg11 : memref<!tpu.dma_semaphore, #tpu.memory_space<semaphore_mem>>)
      %ge3A_117 = arith.constant 1 : i32
      %ge3A_118 = arith.cmpi sge, %add3A_87, %ge3A_117 : i32
      %convert_element_type3A_119 = arith.extui %ge3A_118 : i1 to i32
      %cond3A_120 = arith.constant 0 : i32
      %cond3A_121 = arith.cmpi ne, %convert_element_type3A_119, %cond3A_120 : i32
      scf.if %cond3A_121 {
        %sub3A = arith.constant 1 : i32
        %sub3A_129 = arith.subi %add3A_87, %sub3A : i32
        %mul3A_130 = arith.constant 40 : i32
        %mul3A_131 = arith.muli %add3A, %mul3A_130 : i32
        %add3A_132 = arith.addi %mul3A_131, %sub3A_129 : i32
        %mul3A_133 = arith.constant 128 : i32
        %mul3A_134 = arith.muli %add3A_132, %mul3A_133 : i32
        %dma_wait3A_135 = arith.constant 0 : i32
        %dma_wait3A_136 = arith.constant 0 : i32
        %dma_wait3A_137 = arith.constant 0 : i32
        %dma_wait3A_138 = tpu.memref_slice %arg6[%dma_wait3A_135, %dma_wait3A_136, %dma_wait3A_137] : memref<2x128x128xf32, #tpu.memory_space<vmem>> -> memref<1x128x128xf32, #tpu.memory_space<vmem>>
        %dma_wait3A_139 = tpu.memref_squeeze %dma_wait3A_138 : memref<1x128x128xf32, #tpu.memory_space<vmem>> -> memref<128x128xf32, #tpu.memory_space<vmem>>
        %dma_wait3A_140 = arith.constant 0 : i32
        %dma_wait3A_141 = tpu.memref_slice %arg4[%mul3A_134, %dma_wait3A_140] : memref<163840x128xf32, #tpu.memory_space<hbm>> -> memref<128x128xf32, #tpu.memory_space<hbm>>
        %dma_wait3A_142 = arith.constant 0 : i32
        %dma_wait3A_143 = tpu.memref_slice %arg4[%mul3A_134, %dma_wait3A_142] : memref<163840x128xf32, #tpu.memory_space<hbm>> -> memref<128x128xf32, #tpu.memory_space<hbm>>
        %dma_wait3A_144 = arith.constant 0 : i32
        %dma_wait3A_145 = arith.constant 0 : i32
        %dma_wait3A_146 = tpu.memref_slice %arg6[%dma_wait3A_135, %dma_wait3A_144, %dma_wait3A_145] : memref<2x128x128xf32, #tpu.memory_space<vmem>> -> memref<1x128x128xf32, #tpu.memory_space<vmem>>
        %dma_wait3A_147 = tpu.memref_squeeze %dma_wait3A_146 : memref<1x128x128xf32, #tpu.memory_space<vmem>> -> memref<128x128xf32, #tpu.memory_space<vmem>>
        tpu.wait_dma2 semaphore(%arg10 : memref<!tpu.dma_semaphore, #tpu.memory_space<semaphore_mem>>) src(%dma_wait3A_147 : memref<128x128xf32, #tpu.memory_space<vmem>>) dst(%dma_wait3A_143 : memref<128x128xf32, #tpu.memory_space<hbm>>)
      } else {
      }
      %add3A_122 = arith.constant 1 : i32
      %add3A_123 = arith.addi %add3A_87, %add3A_122 : i32
      %lt3A_124 = arith.constant 40 : i32
      %lt3A_125 = arith.cmpi slt, %add3A_123, %lt3A_124 : i32
      %convert_element_type3A_126 = arith.extui %lt3A_125 : i1 to i32
      %cond3A_127 = arith.constant 0 : i32
      %cond3A_128 = arith.cmpi ne, %convert_element_type3A_126, %cond3A_127 : i32
      scf.if %cond3A_128 {
        %add3A_129 = arith.constant 1 : i32
        %add3A_130 = arith.addi %add3A_87, %add3A_129 : i32
        %dma_start3A_131 = arith.constant 0 : i32
        %dma_start3A_132 = arith.constant 0 : i32
        %dma_start3A_133 = arith.constant 0 : i32
        %dma_start3A_134 = tpu.memref_slice %arg6[%dma_start3A_131, %dma_start3A_132, %dma_start3A_133] : memref<2x128x128xf32, #tpu.memory_space<vmem>> -> memref<1x128x128xf32, #tpu.memory_space<vmem>>
        %dma_start3A_135 = tpu.memref_squeeze %dma_start3A_134 : memref<1x128x128xf32, #tpu.memory_space<vmem>> -> memref<128x128xf32, #tpu.memory_space<vmem>>
        %dma_start3A_136 = arith.constant 0 : i32
        %dma_start3A_137 = tpu.memref_slice %arg5[%add3A_130, %dma_start3A_136] : memref<40x128xi32, #tpu.memory_space<vmem>> -> memref<1x128xi32, #tpu.memory_space<vmem>>
        %dma_start3A_138 = tpu.memref_squeeze %dma_start3A_137 : memref<1x128xi32, #tpu.memory_space<vmem>> -> memref<128xi32, #tpu.memory_space<vmem>>
        %dma_start3A_139 = arith.constant 0 : i32
        %dma_start3A_140 = arith.constant 0 : i32
        %dma_start3A_141 = tpu.memref_slice %arg7[%dma_start3A_139, %dma_start3A_140] : memref<10000x128xf32, #tpu.memory_space<vmem_shared>> -> memref<10000x128xf32, #tpu.memory_space<vmem_shared>>
        tpu.enqueue_indirect_dma source(%dma_start3A_141 : memref<10000x128xf32, #tpu.memory_space<vmem_shared>>) target(%dma_start3A_135 : memref<128x128xf32, #tpu.memory_space<vmem>>) offsets(%dma_start3A_138 : memref<128xi32, #tpu.memory_space<vmem>>) semaphore(%arg8 : memref<!tpu.dma_semaphore, #tpu.memory_space<semaphore_mem>>)
      } else {
      }
    }
    %scan3A_22 = arith.constant 20 : i32
    %mul3A_23 = arith.constant 40 : i32
    %mul3A_24 = arith.muli %add3A, %mul3A_23 : i32
    %add3A_25 = arith.constant 39 : i32
    %add3A_26 = arith.addi %mul3A_24, %add3A_25 : i32
    %mul3A_27 = arith.constant 128 : i32
    %mul3A_28 = arith.muli %add3A_26, %mul3A_27 : i32
    %dma_wait3A = arith.constant 1 : i32
    %dma_wait3A_29 = arith.constant 0 : i32
    %dma_wait3A_30 = arith.constant 0 : i32
    %dma_wait3A_31 = tpu.memref_slice %arg6[%dma_wait3A, %dma_wait3A_29, %dma_wait3A_30] : memref<2x128x128xf32, #tpu.memory_space<vmem>> -> memref<1x128x128xf32, #tpu.memory_space<vmem>>
    %dma_wait3A_32 = tpu.memref_squeeze %dma_wait3A_31 : memref<1x128x128xf32, #tpu.memory_space<vmem>> -> memref<128x128xf32, #tpu.memory_space<vmem>>
    %dma_wait3A_33 = arith.constant 0 : i32
    %dma_wait3A_34 = tpu.memref_slice %arg4[%mul3A_28, %dma_wait3A_33] : memref<163840x128xf32, #tpu.memory_space<hbm>> -> memref<128x128xf32, #tpu.memory_space<hbm>>
    %dma_wait3A_35 = arith.constant 0 : i32
    %dma_wait3A_36 = tpu.memref_slice %arg4[%mul3A_28, %dma_wait3A_35] : memref<163840x128xf32, #tpu.memory_space<hbm>> -> memref<128x128xf32, #tpu.memory_space<hbm>>
    %dma_wait3A_37 = arith.constant 0 : i32
    %dma_wait3A_38 = arith.constant 0 : i32
    %dma_wait3A_39 = tpu.memref_slice %arg6[%dma_wait3A, %dma_wait3A_37, %dma_wait3A_38] : memref<2x128x128xf32, #tpu.memory_space<vmem>> -> memref<1x128x128xf32, #tpu.memory_space<vmem>>
    %dma_wait3A_40 = tpu.memref_squeeze %dma_wait3A_39 : memref<1x128x128xf32, #tpu.memory_space<vmem>> -> memref<128x128xf32, #tpu.memory_space<vmem>>
    tpu.wait_dma2 semaphore(%arg11 : memref<!tpu.dma_semaphore, #tpu.memory_space<semaphore_mem>>) src(%dma_wait3A_40 : memref<128x128xf32, #tpu.memory_space<vmem>>) dst(%dma_wait3A_36 : memref<128x128xf32, #tpu.memory_space<hbm>>)
    return
  }
}

#map = affine_map<(d0, d1) -> (0, 0)>
#map1 = affine_map<(d0, d1) -> (0, 0, 0)>
module attributes {stable_mosaic.version = 14 : i64} {
  func.func @_gather_body(%arg0: i32, %arg1: i32, %arg2: memref<10000x128xf32, #tpu.memory_space<hbm>>, %arg3: memref<32x40x128xi32, #tpu.memory_space<hbm>>, %arg4: memref<163840x128xf32, #tpu.memory_space<hbm>>, %arg5: memref<40x128xi32, #tpu.memory_space<vmem>>, %arg6: memref<2x128x128xf32, #tpu.memory_space<vmem>>, %arg7: memref<10000x128xf32, #tpu.memory_space<vmem_shared>>, %arg8: memref<!tpu.dma_semaphore, #tpu.memory_space<semaphore_mem>>, %arg9: memref<!tpu.dma_semaphore, #tpu.memory_space<semaphore_mem>>, %arg10: memref<!tpu.dma_semaphore, #tpu.memory_space<semaphore_mem>>, %arg11: memref<!tpu.dma_semaphore, #tpu.memory_space<semaphore_mem>>) attributes {dimension_semantics = [#tpu.dimension_semantics<core_parallel>, #tpu.dimension_semantics<subcore_parallel>], iteration_bounds = array<i64: 2, 16>, scalar_prefetch = 0 : i64, scratch_operands = 7 : i64, tpu.core_type = #tpu.core_type<sc_vector_subcore>, window_params = [{transform_indices = #map}, {transform_indices = #map1}, {transform_indices = #map}]} {
    %mul3A = arith.constant 2 : i32
    %mul3A_0 = arith.muli %arg1, %mul3A : i32
    %add3A = arith.addi %mul3A_0, %arg0 : i32
    %lt3A = arith.constant 15 : i32
    %lt3A_1 = arith.cmpi slt, %arg1, %lt3A : i32
    %convert_element_type3A = arith.extui %lt3A_1 : i1 to i32
    %cond3A = arith.constant 0 : i32
    %cond3A_2 = arith.cmpi ne, %convert_element_type3A, %cond3A : i32
    scf.if %cond3A_2 {
      %mul3A_41 = arith.constant 632 : i32
      %mul3A_42 = arith.muli %arg1, %mul3A_41 : i32
      %mul3A_43 = arith.constant 632 : i32
      %mul3A_44 = arith.muli %arg1, %mul3A_43 : i32
      "tpu.region"() ({
        %run_scoped3A = tpu.sem_alloc : memref<!tpu.dma_semaphore, #tpu.memory_space<semaphore_mem>>
        %dma_start3A_45 = arith.constant 0 : i32
        %dma_start3A_46 = tpu.memref_slice %arg7[%mul3A_44, %dma_start3A_45] : memref<10000x128xf32, #tpu.memory_space<vmem_shared>> -> memref<632x128xf32, #tpu.memory_space<vmem_shared>>
        %dma_start3A_47 = arith.constant 0 : i32
        %dma_start3A_48 = tpu.memref_slice %arg2[%mul3A_42, %dma_start3A_47] : memref<10000x128xf32, #tpu.memory_space<hbm>> -> memref<632x128xf32, #tpu.memory_space<hbm>>
        tpu.enqueue_dma source(%dma_start3A_48 : memref<632x128xf32, #tpu.memory_space<hbm>>) target(%dma_start3A_46 : memref<632x128xf32, #tpu.memory_space<vmem_shared>>) target_semaphore(%run_scoped3A : memref<!tpu.dma_semaphore, #tpu.memory_space<semaphore_mem>>)
        %dma_wait3A_49 = arith.constant 0 : i32
        %dma_wait3A_50 = tpu.memref_slice %arg7[%mul3A_44, %dma_wait3A_49] : memref<10000x128xf32, #tpu.memory_space<vmem_shared>> -> memref<632x128xf32, #tpu.memory_space<vmem_shared>>
        %dma_wait3A_51 = arith.constant 0 : i32
        %dma_wait3A_52 = tpu.memref_slice %arg2[%mul3A_42, %dma_wait3A_51] : memref<10000x128xf32, #tpu.memory_space<hbm>> -> memref<632x128xf32, #tpu.memory_space<hbm>>
        tpu.wait_dma2 semaphore(%run_scoped3A : memref<!tpu.dma_semaphore, #tpu.memory_space<semaphore_mem>>) src(%dma_wait3A_52 : memref<632x128xf32, #tpu.memory_space<hbm>>) dst(%dma_wait3A_50 : memref<632x128xf32, #tpu.memory_space<vmem_shared>>)
        tpu.yield
      }) : () -> ()
    } else {
    }
    %eq3A = arith.constant 15 : i32
    %eq3A_3 = arith.cmpi eq, %arg1, %eq3A : i32
    %convert_element_type3A_4 = arith.extui %eq3A_3 : i1 to i32
    %cond3A_5 = arith.constant 0 : i32
    %cond3A_6 = arith.cmpi ne, %convert_element_type3A_4, %cond3A_5 : i32
    scf.if %cond3A_6 {
      "tpu.region"() ({
        %run_scoped3A = tpu.sem_alloc : memref<!tpu.dma_semaphore, #tpu.memory_space<semaphore_mem>>
        %dma_start3A_41 = arith.constant 9480 : i32
        %dma_start3A_42 = arith.constant 0 : i32
        %dma_start3A_43 = tpu.memref_slice %arg7[%dma_start3A_41, %dma_start3A_42] : memref<10000x128xf32, #tpu.memory_space<vmem_shared>> -> memref<520x128xf32, #tpu.memory_space<vmem_shared>>
        %dma_start3A_44 = arith.constant 9480 : i32
        %dma_start3A_45 = arith.constant 0 : i32
        %dma_start3A_46 = tpu.memref_slice %arg2[%dma_start3A_44, %dma_start3A_45] : memref<10000x128xf32, #tpu.memory_space<hbm>> -> memref<520x128xf32, #tpu.memory_space<hbm>>
        tpu.enqueue_dma source(%dma_start3A_46 : memref<520x128xf32, #tpu.memory_space<hbm>>) target(%dma_start3A_43 : memref<520x128xf32, #tpu.memory_space<vmem_shared>>) target_semaphore(%run_scoped3A : memref<!tpu.dma_semaphore, #tpu.memory_space<semaphore_mem>>)
        %dma_wait3A_47 = arith.constant 9480 : i32
        %dma_wait3A_48 = arith.constant 0 : i32
        %dma_wait3A_49 = tpu.memref_slice %arg7[%dma_wait3A_47, %dma_wait3A_48] : memref<10000x128xf32, #tpu.memory_space<vmem_shared>> -> memref<520x128xf32, #tpu.memory_space<vmem_shared>>
        %dma_wait3A_50 = arith.constant 9480 : i32
        %dma_wait3A_51 = arith.constant 0 : i32
        %dma_wait3A_52 = tpu.memref_slice %arg2[%dma_wait3A_50, %dma_wait3A_51] : memref<10000x128xf32, #tpu.memory_space<hbm>> -> memref<520x128xf32, #tpu.memory_space<hbm>>
        tpu.wait_dma2 semaphore(%run_scoped3A : memref<!tpu.dma_semaphore, #tpu.memory_space<semaphore_mem>>) src(%dma_wait3A_52 : memref<520x128xf32, #tpu.memory_space<hbm>>) dst(%dma_wait3A_49 : memref<520x128xf32, #tpu.memory_space<vmem_shared>>)
        tpu.yield
      }) : () -> ()
    } else {
    }
    "tpu.region"() ({
      %run_scoped3A = tpu.sem_alloc : memref<!tpu.dma_semaphore, #tpu.memory_space<semaphore_mem>>
      %dma_start3A_41 = arith.constant 0 : i32
      %dma_start3A_42 = arith.constant 0 : i32
      %dma_start3A_43 = tpu.memref_slice %arg3[%add3A, %dma_start3A_41, %dma_start3A_42] : memref<32x40x128xi32, #tpu.memory_space<hbm>> -> memref<1x40x128xi32, #tpu.memory_space<hbm>>
      %dma_start3A_44 = tpu.memref_squeeze %dma_start3A_43 : memref<1x40x128xi32, #tpu.memory_space<hbm>> -> memref<40x128xi32, #tpu.memory_space<hbm>>
      %dma_start3A_45 = arith.constant 0 : i32
      %dma_start3A_46 = arith.constant 0 : i32
      %dma_start3A_47 = tpu.memref_slice %arg3[%add3A, %dma_start3A_45, %dma_start3A_46] : memref<32x40x128xi32, #tpu.memory_space<hbm>> -> memref<1x40x128xi32, #tpu.memory_space<hbm>>
      %dma_start3A_48 = tpu.memref_squeeze %dma_start3A_47 : memref<1x40x128xi32, #tpu.memory_space<hbm>> -> memref<40x128xi32, #tpu.memory_space<hbm>>
      tpu.enqueue_dma source(%dma_start3A_48 : memref<40x128xi32, #tpu.memory_space<hbm>>) target(%arg5 : memref<40x128xi32, #tpu.memory_space<vmem>>) target_semaphore(%run_scoped3A : memref<!tpu.dma_semaphore, #tpu.memory_space<semaphore_mem>>)
      %dma_wait3A_49 = arith.constant 0 : i32
      %dma_wait3A_50 = arith.constant 0 : i32
      %dma_wait3A_51 = tpu.memref_slice %arg3[%add3A, %dma_wait3A_49, %dma_wait3A_50] : memref<32x40x128xi32, #tpu.memory_space<hbm>> -> memref<1x40x128xi32, #tpu.memory_space<hbm>>
      %dma_wait3A_52 = tpu.memref_squeeze %dma_wait3A_51 : memref<1x40x128xi32, #tpu.memory_space<hbm>> -> memref<40x128xi32, #tpu.memory_space<hbm>>
      %dma_wait3A_53 = arith.constant 0 : i32
      %dma_wait3A_54 = arith.constant 0 : i32
      %dma_wait3A_55 = tpu.memref_slice %arg3[%add3A, %dma_wait3A_53, %dma_wait3A_54] : memref<32x40x128xi32, #tpu.memory_space<hbm>> -> memref<1x40x128xi32, #tpu.memory_space<hbm>>
      %dma_wait3A_56 = tpu.memref_squeeze %dma_wait3A_55 : memref<1x40x128xi32, #tpu.memory_space<hbm>> -> memref<40x128xi32, #tpu.memory_space<hbm>>
      tpu.wait_dma2 semaphore(%run_scoped3A : memref<!tpu.dma_semaphore, #tpu.memory_space<semaphore_mem>>) src(%dma_wait3A_56 : memref<40x128xi32, #tpu.memory_space<hbm>>) dst(%arg5 : memref<40x128xi32, #tpu.memory_space<vmem>>)
      tpu.yield
    }) : () -> ()
    %barrier3A = arith.constant 0 : index
    tpu.barrier barrier_id(%barrier3A)
    %dma_start3A = arith.constant 0 : i32
    %dma_start3A_7 = arith.constant 0 : i32
    %dma_start3A_8 = arith.constant 0 : i32
    %dma_start3A_9 = arith.constant 0 : i32
    %dma_start3A_10 = tpu.memref_slice %arg6[%dma_start3A_7, %dma_start3A_8, %dma_start3A_9] : memref<2x128x128xf32, #tpu.memory_space<vmem>> -> memref<1x128x128xf32, #tpu.memory_space<vmem>>
    %dma_start3A_11 = tpu.memref_squeeze %dma_start3A_10 : memref<1x128x128xf32, #tpu.memory_space<vmem>> -> memref<128x128xf32, #tpu.memory_space<vmem>>
    %dma_start3A_12 = arith.constant 0 : i32
    %dma_start3A_13 = tpu.memref_slice %arg5[%dma_start3A, %dma_start3A_12] : memref<40x128xi32, #tpu.memory_space<vmem>> -> memref<1x128xi32, #tpu.memory_space<vmem>>
    %dma_start3A_14 = tpu.memref_squeeze %dma_start3A_13 : memref<1x128xi32, #tpu.memory_space<vmem>> -> memref<128xi32, #tpu.memory_space<vmem>>
    %dma_start3A_15 = arith.constant 0 : i32
    %dma_start3A_16 = arith.constant 0 : i32
    %dma_start3A_17 = tpu.memref_slice %arg7[%dma_start3A_15, %dma_start3A_16] : memref<10000x128xf32, #tpu.memory_space<vmem_shared>> -> memref<10000x128xf32, #tpu.memory_space<vmem_shared>>
    tpu.enqueue_indirect_dma source(%dma_start3A_17 : memref<10000x128xf32, #tpu.memory_space<vmem_shared>>) target(%dma_start3A_11 : memref<128x128xf32, #tpu.memory_space<vmem>>) offsets(%dma_start3A_14 : memref<128xi32, #tpu.memory_space<vmem>>) semaphore(%arg8 : memref<!tpu.dma_semaphore, #tpu.memory_space<semaphore_mem>>)
    %scan3A = arith.constant 0 : i32
    %scan3A_18 = arith.constant 0 : i32
    %scan3A_19 = arith.constant 20 : i32
    %scan3A_20 = arith.addi %scan3A_18, %scan3A_19 : i32
    %scan3A_21 = arith.constant 1 : i32
    scf.for %scan3A_41 = %scan3A_18 to %scan3A_20 step %scan3A_21  : i32 {
      %mul3A_42 = arith.constant 2 : i32
      %mul3A_43 = arith.muli %scan3A_41, %mul3A_42 : i32
      %add3A_44 = arith.constant 0 : i32
      %add3A_45 = arith.addi %mul3A_43, %add3A_44 : i32
      %dma_wait3A_46 = arith.constant 0 : i32
      %dma_wait3A_47 = arith.constant 0 : i32
      %dma_wait3A_48 = arith.constant 0 : i32
      %dma_wait3A_49 = tpu.memref_slice %arg6[%dma_wait3A_46, %dma_wait3A_47, %dma_wait3A_48] : memref<2x128x128xf32, #tpu.memory_space<vmem>> -> memref<1x128x128xf32, #tpu.memory_space<vmem>>
      %dma_wait3A_50 = tpu.memref_squeeze %dma_wait3A_49 : memref<1x128x128xf32, #tpu.memory_space<vmem>> -> memref<128x128xf32, #tpu.memory_space<vmem>>
      %dma_wait3A_51 = arith.constant 0 : i32
      %dma_wait3A_52 = tpu.memref_slice %arg5[%add3A_45, %dma_wait3A_51] : memref<40x128xi32, #tpu.memory_space<vmem>> -> memref<1x128xi32, #tpu.memory_space<vmem>>
      %dma_wait3A_53 = tpu.memref_squeeze %dma_wait3A_52 : memref<1x128xi32, #tpu.memory_space<vmem>> -> memref<128xi32, #tpu.memory_space<vmem>>
      %dma_wait3A_54 = arith.constant 0 : i32
      %dma_wait3A_55 = arith.constant 0 : i32
      %dma_wait3A_56 = tpu.memref_slice %arg7[%dma_wait3A_54, %dma_wait3A_55] : memref<10000x128xf32, #tpu.memory_space<vmem_shared>> -> memref<10000x128xf32, #tpu.memory_space<vmem_shared>>
      tpu.wait_indirect_dma semaphore(%arg8 : memref<!tpu.dma_semaphore, #tpu.memory_space<semaphore_mem>>) src(%dma_wait3A_56 : memref<10000x128xf32, #tpu.memory_space<vmem_shared>>) dst(%dma_wait3A_50 : memref<128x128xf32, #tpu.memory_space<vmem>>)
      %mul3A_57 = arith.constant 40 : i32
      %mul3A_58 = arith.muli %add3A, %mul3A_57 : i32
      %add3A_59 = arith.addi %mul3A_58, %add3A_45 : i32
      %mul3A_60 = arith.constant 128 : i32
      %mul3A_61 = arith.muli %add3A_59, %mul3A_60 : i32
      %dma_start3A_62 = arith.constant 0 : i32
      %dma_start3A_63 = arith.constant 0 : i32
      %dma_start3A_64 = arith.constant 0 : i32
      %dma_start3A_65 = tpu.memref_slice %arg6[%dma_start3A_62, %dma_start3A_63, %dma_start3A_64] : memref<2x128x128xf32, #tpu.memory_space<vmem>> -> memref<1x128x128xf32, #tpu.memory_space<vmem>>
      %dma_start3A_66 = tpu.memref_squeeze %dma_start3A_65 : memref<1x128x128xf32, #tpu.memory_space<vmem>> -> memref<128x128xf32, #tpu.memory_space<vmem>>
      %dma_start3A_67 = arith.constant 0 : i32
      %dma_start3A_68 = tpu.memref_slice %arg4[%mul3A_61, %dma_start3A_67] : memref<163840x128xf32, #tpu.memory_space<hbm>> -> memref<128x128xf32, #tpu.memory_space<hbm>>
      %dma_start3A_69 = arith.constant 0 : i32
      %dma_start3A_70 = tpu.memref_slice %arg4[%mul3A_61, %dma_start3A_69] : memref<163840x128xf32, #tpu.memory_space<hbm>> -> memref<128x128xf32, #tpu.memory_space<hbm>>
      %dma_start3A_71 = arith.constant 0 : i32
      %dma_start3A_72 = arith.constant 0 : i32
      %dma_start3A_73 = tpu.memref_slice %arg6[%dma_start3A_62, %dma_start3A_71, %dma_start3A_72] : memref<2x128x128xf32, #tpu.memory_space<vmem>> -> memref<1x128x128xf32, #tpu.memory_space<vmem>>
      %dma_start3A_74 = tpu.memref_squeeze %dma_start3A_73 : memref<1x128x128xf32, #tpu.memory_space<vmem>> -> memref<128x128xf32, #tpu.memory_space<vmem>>
      tpu.enqueue_dma source(%dma_start3A_74 : memref<128x128xf32, #tpu.memory_space<vmem>>) target(%dma_start3A_70 : memref<128x128xf32, #tpu.memory_space<hbm>>) target_semaphore(%arg10 : memref<!tpu.dma_semaphore, #tpu.memory_space<semaphore_mem>>)
      %ge3A = arith.constant 1 : i32
      %ge3A_75 = arith.cmpi sge, %add3A_45, %ge3A : i32
      %convert_element_type3A_76 = arith.extui %ge3A_75 : i1 to i32
      %cond3A_77 = arith.constant 0 : i32
      %cond3A_78 = arith.cmpi ne, %convert_element_type3A_76, %cond3A_77 : i32
      scf.if %cond3A_78 {
        %sub3A = arith.constant 1 : i32
        %sub3A_129 = arith.subi %add3A_45, %sub3A : i32
        %mul3A_130 = arith.constant 40 : i32
        %mul3A_131 = arith.muli %add3A, %mul3A_130 : i32
        %add3A_132 = arith.addi %mul3A_131, %sub3A_129 : i32
        %mul3A_133 = arith.constant 128 : i32
        %mul3A_134 = arith.muli %add3A_132, %mul3A_133 : i32
        %dma_wait3A_135 = arith.constant 1 : i32
        %dma_wait3A_136 = arith.constant 0 : i32
        %dma_wait3A_137 = arith.constant 0 : i32
        %dma_wait3A_138 = tpu.memref_slice %arg6[%dma_wait3A_135, %dma_wait3A_136, %dma_wait3A_137] : memref<2x128x128xf32, #tpu.memory_space<vmem>> -> memref<1x128x128xf32, #tpu.memory_space<vmem>>
        %dma_wait3A_139 = tpu.memref_squeeze %dma_wait3A_138 : memref<1x128x128xf32, #tpu.memory_space<vmem>> -> memref<128x128xf32, #tpu.memory_space<vmem>>
        %dma_wait3A_140 = arith.constant 0 : i32
        %dma_wait3A_141 = tpu.memref_slice %arg4[%mul3A_134, %dma_wait3A_140] : memref<163840x128xf32, #tpu.memory_space<hbm>> -> memref<128x128xf32, #tpu.memory_space<hbm>>
        %dma_wait3A_142 = arith.constant 0 : i32
        %dma_wait3A_143 = tpu.memref_slice %arg4[%mul3A_134, %dma_wait3A_142] : memref<163840x128xf32, #tpu.memory_space<hbm>> -> memref<128x128xf32, #tpu.memory_space<hbm>>
        %dma_wait3A_144 = arith.constant 0 : i32
        %dma_wait3A_145 = arith.constant 0 : i32
        %dma_wait3A_146 = tpu.memref_slice %arg6[%dma_wait3A_135, %dma_wait3A_144, %dma_wait3A_145] : memref<2x128x128xf32, #tpu.memory_space<vmem>> -> memref<1x128x128xf32, #tpu.memory_space<vmem>>
        %dma_wait3A_147 = tpu.memref_squeeze %dma_wait3A_146 : memref<1x128x128xf32, #tpu.memory_space<vmem>> -> memref<128x128xf32, #tpu.memory_space<vmem>>
        tpu.wait_dma2 semaphore(%arg11 : memref<!tpu.dma_semaphore, #tpu.memory_space<semaphore_mem>>) src(%dma_wait3A_147 : memref<128x128xf32, #tpu.memory_space<vmem>>) dst(%dma_wait3A_143 : memref<128x128xf32, #tpu.memory_space<hbm>>)
      } else {
      }
      %add3A_79 = arith.constant 1 : i32
      %add3A_80 = arith.addi %add3A_45, %add3A_79 : i32
      %lt3A_81 = arith.constant 40 : i32
      %lt3A_82 = arith.cmpi slt, %add3A_80, %lt3A_81 : i32
      %convert_element_type3A_83 = arith.extui %lt3A_82 : i1 to i32
      %cond3A_84 = arith.constant 0 : i32
      %cond3A_85 = arith.cmpi ne, %convert_element_type3A_83, %cond3A_84 : i32
      scf.if %cond3A_85 {
        %add3A_129 = arith.constant 1 : i32
        %add3A_130 = arith.addi %add3A_45, %add3A_129 : i32
        %dma_start3A_131 = arith.constant 1 : i32
        %dma_start3A_132 = arith.constant 0 : i32
        %dma_start3A_133 = arith.constant 0 : i32
        %dma_start3A_134 = tpu.memref_slice %arg6[%dma_start3A_131, %dma_start3A_132, %dma_start3A_133] : memref<2x128x128xf32, #tpu.memory_space<vmem>> -> memref<1x128x128xf32, #tpu.memory_space<vmem>>
        %dma_start3A_135 = tpu.memref_squeeze %dma_start3A_134 : memref<1x128x128xf32, #tpu.memory_space<vmem>> -> memref<128x128xf32, #tpu.memory_space<vmem>>
        %dma_start3A_136 = arith.constant 0 : i32
        %dma_start3A_137 = tpu.memref_slice %arg5[%add3A_130, %dma_start3A_136] : memref<40x128xi32, #tpu.memory_space<vmem>> -> memref<1x128xi32, #tpu.memory_space<vmem>>
        %dma_start3A_138 = tpu.memref_squeeze %dma_start3A_137 : memref<1x128xi32, #tpu.memory_space<vmem>> -> memref<128xi32, #tpu.memory_space<vmem>>
        %dma_start3A_139 = arith.constant 0 : i32
        %dma_start3A_140 = arith.constant 0 : i32
        %dma_start3A_141 = tpu.memref_slice %arg7[%dma_start3A_139, %dma_start3A_140] : memref<10000x128xf32, #tpu.memory_space<vmem_shared>> -> memref<10000x128xf32, #tpu.memory_space<vmem_shared>>
        tpu.enqueue_indirect_dma source(%dma_start3A_141 : memref<10000x128xf32, #tpu.memory_space<vmem_shared>>) target(%dma_start3A_135 : memref<128x128xf32, #tpu.memory_space<vmem>>) offsets(%dma_start3A_138 : memref<128xi32, #tpu.memory_space<vmem>>) semaphore(%arg9 : memref<!tpu.dma_semaphore, #tpu.memory_space<semaphore_mem>>)
      } else {
      }
      %add3A_86 = arith.constant 1 : i32
      %add3A_87 = arith.addi %mul3A_43, %add3A_86 : i32
      %dma_wait3A_88 = arith.constant 1 : i32
      %dma_wait3A_89 = arith.constant 0 : i32
      %dma_wait3A_90 = arith.constant 0 : i32
      %dma_wait3A_91 = tpu.memref_slice %arg6[%dma_wait3A_88, %dma_wait3A_89, %dma_wait3A_90] : memref<2x128x128xf32, #tpu.memory_space<vmem>> -> memref<1x128x128xf32, #tpu.memory_space<vmem>>
      %dma_wait3A_92 = tpu.memref_squeeze %dma_wait3A_91 : memref<1x128x128xf32, #tpu.memory_space<vmem>> -> memref<128x128xf32, #tpu.memory_space<vmem>>
      %dma_wait3A_93 = arith.constant 0 : i32
      %dma_wait3A_94 = tpu.memref_slice %arg5[%add3A_87, %dma_wait3A_93] : memref<40x128xi32, #tpu.memory_space<vmem>> -> memref<1x128xi32, #tpu.memory_space<vmem>>
      %dma_wait3A_95 = tpu.memref_squeeze %dma_wait3A_94 : memref<1x128xi32, #tpu.memory_space<vmem>> -> memref<128xi32, #tpu.memory_space<vmem>>
      %dma_wait3A_96 = arith.constant 0 : i32
      %dma_wait3A_97 = arith.constant 0 : i32
      %dma_wait3A_98 = tpu.memref_slice %arg7[%dma_wait3A_96, %dma_wait3A_97] : memref<10000x128xf32, #tpu.memory_space<vmem_shared>> -> memref<10000x128xf32, #tpu.memory_space<vmem_shared>>
      tpu.wait_indirect_dma semaphore(%arg9 : memref<!tpu.dma_semaphore, #tpu.memory_space<semaphore_mem>>) src(%dma_wait3A_98 : memref<10000x128xf32, #tpu.memory_space<vmem_shared>>) dst(%dma_wait3A_92 : memref<128x128xf32, #tpu.memory_space<vmem>>)
      %mul3A_99 = arith.constant 40 : i32
      %mul3A_100 = arith.muli %add3A, %mul3A_99 : i32
      %add3A_101 = arith.addi %mul3A_100, %add3A_87 : i32
      %mul3A_102 = arith.constant 128 : i32
      %mul3A_103 = arith.muli %add3A_101, %mul3A_102 : i32
      %dma_start3A_104 = arith.constant 1 : i32
      %dma_start3A_105 = arith.constant 0 : i32
      %dma_start3A_106 = arith.constant 0 : i32
      %dma_start3A_107 = tpu.memref_slice %arg6[%dma_start3A_104, %dma_start3A_105, %dma_start3A_106] : memref<2x128x128xf32, #tpu.memory_space<vmem>> -> memref<1x128x128xf32, #tpu.memory_space<vmem>>
      %dma_start3A_108 = tpu.memref_squeeze %dma_start3A_107 : memref<1x128x128xf32, #tpu.memory_space<vmem>> -> memref<128x128xf32, #tpu.memory_space<vmem>>
      %dma_start3A_109 = arith.constant 0 : i32
      %dma_start3A_110 = tpu.memref_slice %arg4[%mul3A_103, %dma_start3A_109] : memref<163840x128xf32, #tpu.memory_space<hbm>> -> memref<128x128xf32, #tpu.memory_space<hbm>>
      %dma_start3A_111 = arith.constant 0 : i32
      %dma_start3A_112 = tpu.memref_slice %arg4[%mul3A_103, %dma_start3A_111] : memref<163840x128xf32, #tpu.memory_space<hbm>> -> memref<128x128xf32, #tpu.memory_space<hbm>>
      %dma_start3A_113 = arith.constant 0 : i32
      %dma_start3A_114 = arith.constant 0 : i32
      %dma_start3A_115 = tpu.memref_slice %arg6[%dma_start3A_104, %dma_start3A_113, %dma_start3A_114] : memref<2x128x128xf32, #tpu.memory_space<vmem>> -> memref<1x128x128xf32, #tpu.memory_space<vmem>>
      %dma_start3A_116 = tpu.memref_squeeze %dma_start3A_115 : memref<1x128x128xf32, #tpu.memory_space<vmem>> -> memref<128x128xf32, #tpu.memory_space<vmem>>
      tpu.enqueue_dma source(%dma_start3A_116 : memref<128x128xf32, #tpu.memory_space<vmem>>) target(%dma_start3A_112 : memref<128x128xf32, #tpu.memory_space<hbm>>) target_semaphore(%arg11 : memref<!tpu.dma_semaphore, #tpu.memory_space<semaphore_mem>>)
      %ge3A_117 = arith.constant 1 : i32
      %ge3A_118 = arith.cmpi sge, %add3A_87, %ge3A_117 : i32
      %convert_element_type3A_119 = arith.extui %ge3A_118 : i1 to i32
      %cond3A_120 = arith.constant 0 : i32
      %cond3A_121 = arith.cmpi ne, %convert_element_type3A_119, %cond3A_120 : i32
      scf.if %cond3A_121 {
        %sub3A = arith.constant 1 : i32
        %sub3A_129 = arith.subi %add3A_87, %sub3A : i32
        %mul3A_130 = arith.constant 40 : i32
        %mul3A_131 = arith.muli %add3A, %mul3A_130 : i32
        %add3A_132 = arith.addi %mul3A_131, %sub3A_129 : i32
        %mul3A_133 = arith.constant 128 : i32
        %mul3A_134 = arith.muli %add3A_132, %mul3A_133 : i32
        %dma_wait3A_135 = arith.constant 0 : i32
        %dma_wait3A_136 = arith.constant 0 : i32
        %dma_wait3A_137 = arith.constant 0 : i32
        %dma_wait3A_138 = tpu.memref_slice %arg6[%dma_wait3A_135, %dma_wait3A_136, %dma_wait3A_137] : memref<2x128x128xf32, #tpu.memory_space<vmem>> -> memref<1x128x128xf32, #tpu.memory_space<vmem>>
        %dma_wait3A_139 = tpu.memref_squeeze %dma_wait3A_138 : memref<1x128x128xf32, #tpu.memory_space<vmem>> -> memref<128x128xf32, #tpu.memory_space<vmem>>
        %dma_wait3A_140 = arith.constant 0 : i32
        %dma_wait3A_141 = tpu.memref_slice %arg4[%mul3A_134, %dma_wait3A_140] : memref<163840x128xf32, #tpu.memory_space<hbm>> -> memref<128x128xf32, #tpu.memory_space<hbm>>
        %dma_wait3A_142 = arith.constant 0 : i32
        %dma_wait3A_143 = tpu.memref_slice %arg4[%mul3A_134, %dma_wait3A_142] : memref<163840x128xf32, #tpu.memory_space<hbm>> -> memref<128x128xf32, #tpu.memory_space<hbm>>
        %dma_wait3A_144 = arith.constant 0 : i32
        %dma_wait3A_145 = arith.constant 0 : i32
        %dma_wait3A_146 = tpu.memref_slice %arg6[%dma_wait3A_135, %dma_wait3A_144, %dma_wait3A_145] : memref<2x128x128xf32, #tpu.memory_space<vmem>> -> memref<1x128x128xf32, #tpu.memory_space<vmem>>
        %dma_wait3A_147 = tpu.memref_squeeze %dma_wait3A_146 : memref<1x128x128xf32, #tpu.memory_space<vmem>> -> memref<128x128xf32, #tpu.memory_space<vmem>>
        tpu.wait_dma2 semaphore(%arg10 : memref<!tpu.dma_semaphore, #tpu.memory_space<semaphore_mem>>) src(%dma_wait3A_147 : memref<128x128xf32, #tpu.memory_space<vmem>>) dst(%dma_wait3A_143 : memref<128x128xf32, #tpu.memory_space<hbm>>)
      } else {
      }
      %add3A_122 = arith.constant 1 : i32
      %add3A_123 = arith.addi %add3A_87, %add3A_122 : i32
      %lt3A_124 = arith.constant 40 : i32
      %lt3A_125 = arith.cmpi slt, %add3A_123, %lt3A_124 : i32
      %convert_element_type3A_126 = arith.extui %lt3A_125 : i1 to i32
      %cond3A_127 = arith.constant 0 : i32
      %cond3A_128 = arith.cmpi ne, %convert_element_type3A_126, %cond3A_127 : i32
      scf.if %cond3A_128 {
        %add3A_129 = arith.constant 1 : i32
        %add3A_130 = arith.addi %add3A_87, %add3A_129 : i32
        %dma_start3A_131 = arith.constant 0 : i32
        %dma_start3A_132 = arith.constant 0 : i32
        %dma_start3A_133 = arith.constant 0 : i32
        %dma_start3A_134 = tpu.memref_slice %arg6[%dma_start3A_131, %dma_start3A_132, %dma_start3A_133] : memref<2x128x128xf32, #tpu.memory_space<vmem>> -> memref<1x128x128xf32, #tpu.memory_space<vmem>>
        %dma_start3A_135 = tpu.memref_squeeze %dma_start3A_134 : memref<1x128x128xf32, #tpu.memory_space<vmem>> -> memref<128x128xf32, #tpu.memory_space<vmem>>
        %dma_start3A_136 = arith.constant 0 : i32
        %dma_start3A_137 = tpu.memref_slice %arg5[%add3A_130, %dma_start3A_136] : memref<40x128xi32, #tpu.memory_space<vmem>> -> memref<1x128xi32, #tpu.memory_space<vmem>>
        %dma_start3A_138 = tpu.memref_squeeze %dma_start3A_137 : memref<1x128xi32, #tpu.memory_space<vmem>> -> memref<128xi32, #tpu.memory_space<vmem>>
        %dma_start3A_139 = arith.constant 0 : i32
        %dma_start3A_140 = arith.constant 0 : i32
        %dma_start3A_141 = tpu.memref_slice %arg7[%dma_start3A_139, %dma_start3A_140] : memref<10000x128xf32, #tpu.memory_space<vmem_shared>> -> memref<10000x128xf32, #tpu.memory_space<vmem_shared>>
        tpu.enqueue_indirect_dma source(%dma_start3A_141 : memref<10000x128xf32, #tpu.memory_space<vmem_shared>>) target(%dma_start3A_135 : memref<128x128xf32, #tpu.memory_space<vmem>>) offsets(%dma_start3A_138 : memref<128xi32, #tpu.memory_space<vmem>>) semaphore(%arg8 : memref<!tpu.dma_semaphore, #tpu.memory_space<semaphore_mem>>)
      } else {
      }
    }
    %scan3A_22 = arith.constant 20 : i32
    %mul3A_23 = arith.constant 40 : i32
    %mul3A_24 = arith.muli %add3A, %mul3A_23 : i32
    %add3A_25 = arith.constant 39 : i32
    %add3A_26 = arith.addi %mul3A_24, %add3A_25 : i32
    %mul3A_27 = arith.constant 128 : i32
    %mul3A_28 = arith.muli %add3A_26, %mul3A_27 : i32
    %dma_wait3A = arith.constant 1 : i32
    %dma_wait3A_29 = arith.constant 0 : i32
    %dma_wait3A_30 = arith.constant 0 : i32
    %dma_wait3A_31 = tpu.memref_slice %arg6[%dma_wait3A, %dma_wait3A_29, %dma_wait3A_30] : memref<2x128x128xf32, #tpu.memory_space<vmem>> -> memref<1x128x128xf32, #tpu.memory_space<vmem>>
    %dma_wait3A_32 = tpu.memref_squeeze %dma_wait3A_31 : memref<1x128x128xf32, #tpu.memory_space<vmem>> -> memref<128x128xf32, #tpu.memory_space<vmem>>
    %dma_wait3A_33 = arith.constant 0 : i32
    %dma_wait3A_34 = tpu.memref_slice %arg4[%mul3A_28, %dma_wait3A_33] : memref<163840x128xf32, #tpu.memory_space<hbm>> -> memref<128x128xf32, #tpu.memory_space<hbm>>
    %dma_wait3A_35 = arith.constant 0 : i32
    %dma_wait3A_36 = tpu.memref_slice %arg4[%mul3A_28, %dma_wait3A_35] : memref<163840x128xf32, #tpu.memory_space<hbm>> -> memref<128x128xf32, #tpu.memory_space<hbm>>
    %dma_wait3A_37 = arith.constant 0 : i32
    %dma_wait3A_38 = arith.constant 0 : i32
    %dma_wait3A_39 = tpu.memref_slice %arg6[%dma_wait3A, %dma_wait3A_37, %dma_wait3A_38] : memref<2x128x128xf32, #tpu.memory_space<vmem>> -> memref<1x128x128xf32, #tpu.memory_space<vmem>>
    %dma_wait3A_40 = tpu.memref_squeeze %dma_wait3A_39 : memref<1x128x128xf32, #tpu.memory_space<vmem>> -> memref<128x128xf32, #tpu.memory_space<vmem>>
    tpu.wait_dma2 semaphore(%arg11 : memref<!tpu.dma_semaphore, #tpu.memory_space<semaphore_mem>>) src(%dma_wait3A_40 : memref<128x128xf32, #tpu.memory_space<vmem>>) dst(%dma_wait3A_36 : memref<128x128xf32, #tpu.memory_space<hbm>>)
    return
  }
}

#map = affine_map<(d0, d1) -> (0, 0)>
#map1 = affine_map<(d0, d1) -> (0, 0, 0)>
module attributes {stable_mosaic.version = 14 : i64} {
  func.func @_scatter_body(%arg0: i32, %arg1: i32, %arg2: memref<163840x128xf32, #tpu.memory_space<hbm>>, %arg3: memref<32x40x128xi32, #tpu.memory_space<hbm>>, %arg4: memref<2x10112x128xf32, #tpu.memory_space<hbm>>, %arg5: memref<40x128xi32, #tpu.memory_space<vmem>>, %arg6: memref<2x128x128xf32, #tpu.memory_space<vmem>>, %arg7: memref<10112x128xf32, #tpu.memory_space<vmem_shared>>, %arg8: memref<!tpu.dma_semaphore, #tpu.memory_space<semaphore_mem>>, %arg9: memref<!tpu.dma_semaphore, #tpu.memory_space<semaphore_mem>>, %arg10: memref<!tpu.dma_semaphore, #tpu.memory_space<semaphore_mem>>, %arg11: memref<!tpu.dma_semaphore, #tpu.memory_space<semaphore_mem>>) attributes {dimension_semantics = [#tpu.dimension_semantics<core_parallel>, #tpu.dimension_semantics<subcore_parallel>], iteration_bounds = array<i64: 2, 16>, scalar_prefetch = 0 : i64, scratch_operands = 7 : i64, tpu.core_type = #tpu.core_type<sc_vector_subcore>, window_params = [{transform_indices = #map}, {transform_indices = #map1}, {transform_indices = #map1}]} {
    %mul3A = arith.constant 2 : i32
    %mul3A_0 = arith.muli %arg1, %mul3A : i32
    %add3A = arith.addi %mul3A_0, %arg0 : i32
    %scan3A = arith.constant 0 : i32
    %scan3A_1 = arith.constant 0 : i32
    %scan3A_2 = arith.constant 128 : i32
    %scan3A_3 = arith.addi %scan3A_1, %scan3A_2 : i32
    %scan3A_4 = arith.constant 1 : i32
    scf.for %scan3A_52 = %scan3A_1 to %scan3A_3 step %scan3A_4  : i32 {
      %scan3A_53 = arith.constant 0 : i32
      %scan3A_54 = arith.constant 8 : i32
      %scan3A_55 = arith.addi %scan3A_53, %scan3A_54 : i32
      %scan3A_56 = arith.constant 1 : i32
      scf.for %scan3A_58 = %scan3A_53 to %scan3A_55 step %scan3A_56  : i32 {
        %broadcast_in_dim3A = arith.constant 0.000000e+00 : f32
        %broadcast_in_dim3A_59 = vector.broadcast %broadcast_in_dim3A : f32 to vector<16xf32>
        %mul3A_60 = arith.constant 16 : i32
        %mul3A_61 = arith.muli %scan3A_58, %mul3A_60 : i32
        %swap3A = arith.constant 0 : i32
        %swap3A_62 = arith.index_cast %swap3A : i32 to index
        %swap3A_63 = arith.index_cast %scan3A_52 : i32 to index
        %swap3A_64 = arith.index_cast %mul3A_61 : i32 to index
        %swap3A_65 = tpu.vector_load %arg6[%swap3A_62, %swap3A_63, %swap3A_64] {strides = array<i32>} : memref<2x128x128xf32, #tpu.memory_space<vmem>>, vector<1x1x16xf32>,
        %swap3A_66 = vector.shape_cast %swap3A_65 : vector<1x1x16xf32> to vector<16xf32>
        %swap3A_67 = vector.shape_cast %broadcast_in_dim3A_59 : vector<16xf32> to vector<1x1x16xf32>
        tpu.vector_store %arg6[%swap3A_62, %swap3A_63, %swap3A_64], %swap3A_67 {strides = array<i32>} : memref<2x128x128xf32, #tpu.memory_space<vmem>>, vector<1x1x16xf32>,
      }
      %scan3A_57 = arith.constant 8 : i32
    }
    %scan3A_5 = arith.constant 128 : i32
    %mul3A_6 = arith.constant 632 : i32
    %mul3A_7 = arith.muli %arg1, %mul3A_6 : i32
    %scan3A_8 = arith.constant 0 : i32
    %scan3A_9 = arith.constant 0 : i32
    %scan3A_10 = arith.constant 4 : i32
    %scan3A_11 = arith.addi %scan3A_9, %scan3A_10 : i32
    %scan3A_12 = arith.constant 1 : i32
    scf.for %scan3A_52 = %scan3A_9 to %scan3A_11 step %scan3A_12  : i32 {
      %mul3A_53 = arith.constant 128 : i32
      %mul3A_54 = arith.muli %scan3A_52, %mul3A_53 : i32
      %add3A_55 = arith.addi %mul3A_7, %mul3A_54 : i32
      %run_scoped3A_56 = arith.constant 0 : i32
      "tpu.region"() ({
        %run_scoped3A_57 = tpu.sem_alloc : memref<!tpu.dma_semaphore, #tpu.memory_space<semaphore_mem>>
        %dma_start3A_58 = arith.constant 0 : i32
        %dma_start3A_59 = arith.constant 0 : i32
        %dma_start3A_60 = tpu.memref_slice %arg6[%run_scoped3A_56, %dma_start3A_58, %dma_start3A_59] : memref<2x128x128xf32, #tpu.memory_space<vmem>> -> memref<1x128x128xf32, #tpu.memory_space<vmem>>
        %dma_start3A_61 = tpu.memref_squeeze %dma_start3A_60 : memref<1x128x128xf32, #tpu.memory_space<vmem>> -> memref<128x128xf32, #tpu.memory_space<vmem>>
        %dma_start3A_62 = arith.constant 0 : i32
        %dma_start3A_63 = tpu.memref_slice %arg7[%add3A_55, %dma_start3A_62] : memref<10112x128xf32, #tpu.memory_space<vmem_shared>> -> memref<128x128xf32, #tpu.memory_space<vmem_shared>>
        %dma_start3A_64 = arith.constant 0 : i32
        %dma_start3A_65 = tpu.memref_slice %arg7[%add3A_55, %dma_start3A_64] : memref<10112x128xf32, #tpu.memory_space<vmem_shared>> -> memref<128x128xf32, #tpu.memory_space<vmem_shared>>
        %dma_start3A_66 = arith.constant 0 : i32
        %dma_start3A_67 = arith.constant 0 : i32
        %dma_start3A_68 = tpu.memref_slice %arg6[%run_scoped3A_56, %dma_start3A_66, %dma_start3A_67] : memref<2x128x128xf32, #tpu.memory_space<vmem>> -> memref<1x128x128xf32, #tpu.memory_space<vmem>>
        %dma_start3A_69 = tpu.memref_squeeze %dma_start3A_68 : memref<1x128x128xf32, #tpu.memory_space<vmem>> -> memref<128x128xf32, #tpu.memory_space<vmem>>
        tpu.enqueue_dma source(%dma_start3A_69 : memref<128x128xf32, #tpu.memory_space<vmem>>) target(%dma_start3A_65 : memref<128x128xf32, #tpu.memory_space<vmem_shared>>) target_semaphore(%run_scoped3A_57 : memref<!tpu.dma_semaphore, #tpu.memory_space<semaphore_mem>>)
        %dma_wait3A_70 = arith.constant 0 : i32
        %dma_wait3A_71 = arith.constant 0 : i32
        %dma_wait3A_72 = tpu.memref_slice %arg6[%run_scoped3A_56, %dma_wait3A_70, %dma_wait3A_71] : memref<2x128x128xf32, #tpu.memory_space<vmem>> -> memref<1x128x128xf32, #tpu.memory_space<vmem>>
        %dma_wait3A_73 = tpu.memref_squeeze %dma_wait3A_72 : memref<1x128x128xf32, #tpu.memory_space<vmem>> -> memref<128x128xf32, #tpu.memory_space<vmem>>
        %dma_wait3A_74 = arith.constant 0 : i32
        %dma_wait3A_75 = tpu.memref_slice %arg7[%add3A_55, %dma_wait3A_74] : memref<10112x128xf32, #tpu.memory_space<vmem_shared>> -> memref<128x128xf32, #tpu.memory_space<vmem_shared>>
        %dma_wait3A_76 = arith.constant 0 : i32
        %dma_wait3A_77 = tpu.memref_slice %arg7[%add3A_55, %dma_wait3A_76] : memref<10112x128xf32, #tpu.memory_space<vmem_shared>> -> memref<128x128xf32, #tpu.memory_space<vmem_shared>>
        %dma_wait3A_78 = arith.constant 0 : i32
        %dma_wait3A_79 = arith.constant 0 : i32
        %dma_wait3A_80 = tpu.memref_slice %arg6[%run_scoped3A_56, %dma_wait3A_78, %dma_wait3A_79] : memref<2x128x128xf32, #tpu.memory_space<vmem>> -> memref<1x128x128xf32, #tpu.memory_space<vmem>>
        %dma_wait3A_81 = tpu.memref_squeeze %dma_wait3A_80 : memref<1x128x128xf32, #tpu.memory_space<vmem>> -> memref<128x128xf32, #tpu.memory_space<vmem>>
        tpu.wait_dma2 semaphore(%run_scoped3A_57 : memref<!tpu.dma_semaphore, #tpu.memory_space<semaphore_mem>>) src(%dma_wait3A_81 : memref<128x128xf32, #tpu.memory_space<vmem>>) dst(%dma_wait3A_77 : memref<128x128xf32, #tpu.memory_space<vmem_shared>>)
        tpu.yield
      }) : () -> ()
    }
    %scan3A_13 = arith.constant 4 : i32
    %add3A_14 = arith.constant 512 : i32
    %add3A_15 = arith.addi %mul3A_7, %add3A_14 : i32
    %run_scoped3A = arith.constant 0 : i32
    "tpu.region"() ({
      %run_scoped3A_52 = tpu.sem_alloc : memref<!tpu.dma_semaphore, #tpu.memory_space<semaphore_mem>>
      %dma_start3A_53 = arith.constant 0 : i32
      %dma_start3A_54 = arith.constant 0 : i32
      %dma_start3A_55 = tpu.memref_slice %arg6[%run_scoped3A, %dma_start3A_53, %dma_start3A_54] : memref<2x128x128xf32, #tpu.memory_space<vmem>> -> memref<1x128x128xf32, #tpu.memory_space<vmem>>
      %dma_start3A_56 = tpu.memref_squeeze %dma_start3A_55 : memref<1x128x128xf32, #tpu.memory_space<vmem>> -> memref<128x128xf32, #tpu.memory_space<vmem>>
      %dma_start3A_57 = arith.constant 0 : i32
      %dma_start3A_58 = arith.constant 0 : i32
      %dma_start3A_59 = tpu.memref_slice %dma_start3A_56[%dma_start3A_57, %dma_start3A_58] : memref<128x128xf32, #tpu.memory_space<vmem>> -> memref<120x128xf32, #tpu.memory_space<vmem>>
      %dma_start3A_60 = arith.constant 0 : i32
      %dma_start3A_61 = tpu.memref_slice %arg7[%add3A_15, %dma_start3A_60] : memref<10112x128xf32, #tpu.memory_space<vmem_shared>> -> memref<120x128xf32, #tpu.memory_space<vmem_shared>>
      %dma_start3A_62 = arith.constant 0 : i32
      %dma_start3A_63 = tpu.memref_slice %arg7[%add3A_15, %dma_start3A_62] : memref<10112x128xf32, #tpu.memory_space<vmem_shared>> -> memref<120x128xf32, #tpu.memory_space<vmem_shared>>
      %dma_start3A_64 = arith.constant 0 : i32
      %dma_start3A_65 = arith.constant 0 : i32
      %dma_start3A_66 = tpu.memref_slice %arg6[%run_scoped3A, %dma_start3A_64, %dma_start3A_65] : memref<2x128x128xf32, #tpu.memory_space<vmem>> -> memref<1x128x128xf32, #tpu.memory_space<vmem>>
      %dma_start3A_67 = tpu.memref_squeeze %dma_start3A_66 : memref<1x128x128xf32, #tpu.memory_space<vmem>> -> memref<128x128xf32, #tpu.memory_space<vmem>>
      %dma_start3A_68 = arith.constant 0 : i32
      %dma_start3A_69 = arith.constant 0 : i32
      %dma_start3A_70 = tpu.memref_slice %dma_start3A_67[%dma_start3A_68, %dma_start3A_69] : memref<128x128xf32, #tpu.memory_space<vmem>> -> memref<120x128xf32, #tpu.memory_space<vmem>>
      tpu.enqueue_dma source(%dma_start3A_70 : memref<120x128xf32, #tpu.memory_space<vmem>>) target(%dma_start3A_63 : memref<120x128xf32, #tpu.memory_space<vmem_shared>>) target_semaphore(%run_scoped3A_52 : memref<!tpu.dma_semaphore, #tpu.memory_space<semaphore_mem>>)
      %dma_wait3A_71 = arith.constant 0 : i32
      %dma_wait3A_72 = arith.constant 0 : i32
      %dma_wait3A_73 = tpu.memref_slice %arg6[%run_scoped3A, %dma_wait3A_71, %dma_wait3A_72] : memref<2x128x128xf32, #tpu.memory_space<vmem>> -> memref<1x128x128xf32, #tpu.memory_space<vmem>>
      %dma_wait3A_74 = tpu.memref_squeeze %dma_wait3A_73 : memref<1x128x128xf32, #tpu.memory_space<vmem>> -> memref<128x128xf32, #tpu.memory_space<vmem>>
      %dma_wait3A_75 = arith.constant 0 : i32
      %dma_wait3A_76 = arith.constant 0 : i32
      %dma_wait3A_77 = tpu.memref_slice %dma_wait3A_74[%dma_wait3A_75, %dma_wait3A_76] : memref<128x128xf32, #tpu.memory_space<vmem>> -> memref<120x128xf32, #tpu.memory_space<vmem>>
      %dma_wait3A_78 = arith.constant 0 : i32
      %dma_wait3A_79 = tpu.memref_slice %arg7[%add3A_15, %dma_wait3A_78] : memref<10112x128xf32, #tpu.memory_space<vmem_shared>> -> memref<120x128xf32, #tpu.memory_space<vmem_shared>>
      %dma_wait3A_80 = arith.constant 0 : i32
      %dma_wait3A_81 = tpu.memref_slice %arg7[%add3A_15, %dma_wait3A_80] : memref<10112x128xf32, #tpu.memory_space<vmem_shared>> -> memref<120x128xf32, #tpu.memory_space<vmem_shared>>
      %dma_wait3A_82 = arith.constant 0 : i32
      %dma_wait3A_83 = arith.constant 0 : i32
      %dma_wait3A_84 = tpu.memref_slice %arg6[%run_scoped3A, %dma_wait3A_82, %dma_wait3A_83] : memref<2x128x128xf32, #tpu.memory_space<vmem>> -> memref<1x128x128xf32, #tpu.memory_space<vmem>>
      %dma_wait3A_85 = tpu.memref_squeeze %dma_wait3A_84 : memref<1x128x128xf32, #tpu.memory_space<vmem>> -> memref<128x128xf32, #tpu.memory_space<vmem>>
      %dma_wait3A_86 = arith.constant 0 : i32
      %dma_wait3A_87 = arith.constant 0 : i32
      %dma_wait3A_88 = tpu.memref_slice %dma_wait3A_85[%dma_wait3A_86, %dma_wait3A_87] : memref<128x128xf32, #tpu.memory_space<vmem>> -> memref<120x128xf32, #tpu.memory_space<vmem>>
      tpu.wait_dma2 semaphore(%run_scoped3A_52 : memref<!tpu.dma_semaphore, #tpu.memory_space<semaphore_mem>>) src(%dma_wait3A_88 : memref<120x128xf32, #tpu.memory_space<vmem>>) dst(%dma_wait3A_81 : memref<120x128xf32, #tpu.memory_space<vmem_shared>>)
      tpu.yield
    }) : () -> ()
    %barrier3A = arith.constant 0 : index
    tpu.barrier barrier_id(%barrier3A)
    "tpu.region"() ({
      %run_scoped3A_52 = tpu.sem_alloc : memref<!tpu.dma_semaphore, #tpu.memory_space<semaphore_mem>>
      %dma_start3A_53 = arith.constant 0 : i32
      %dma_start3A_54 = arith.constant 0 : i32
      %dma_start3A_55 = tpu.memref_slice %arg3[%add3A, %dma_start3A_53, %dma_start3A_54] : memref<32x40x128xi32, #tpu.memory_space<hbm>> -> memref<1x40x128xi32, #tpu.memory_space<hbm>>
      %dma_start3A_56 = tpu.memref_squeeze %dma_start3A_55 : memref<1x40x128xi32, #tpu.memory_space<hbm>> -> memref<40x128xi32, #tpu.memory_space<hbm>>
      %dma_start3A_57 = arith.constant 0 : i32
      %dma_start3A_58 = arith.constant 0 : i32
      %dma_start3A_59 = tpu.memref_slice %arg3[%add3A, %dma_start3A_57, %dma_start3A_58] : memref<32x40x128xi32, #tpu.memory_space<hbm>> -> memref<1x40x128xi32, #tpu.memory_space<hbm>>
      %dma_start3A_60 = tpu.memref_squeeze %dma_start3A_59 : memref<1x40x128xi32, #tpu.memory_space<hbm>> -> memref<40x128xi32, #tpu.memory_space<hbm>>
      tpu.enqueue_dma source(%dma_start3A_60 : memref<40x128xi32, #tpu.memory_space<hbm>>) target(%arg5 : memref<40x128xi32, #tpu.memory_space<vmem>>) target_semaphore(%run_scoped3A_52 : memref<!tpu.dma_semaphore, #tpu.memory_space<semaphore_mem>>)
      %dma_wait3A_61 = arith.constant 0 : i32
      %dma_wait3A_62 = arith.constant 0 : i32
      %dma_wait3A_63 = tpu.memref_slice %arg3[%add3A, %dma_wait3A_61, %dma_wait3A_62] : memref<32x40x128xi32, #tpu.memory_space<hbm>> -> memref<1x40x128xi32, #tpu.memory_space<hbm>>
      %dma_wait3A_64 = tpu.memref_squeeze %dma_wait3A_63 : memref<1x40x128xi32, #tpu.memory_space<hbm>> -> memref<40x128xi32, #tpu.memory_space<hbm>>
      %dma_wait3A_65 = arith.constant 0 : i32
      %dma_wait3A_66 = arith.constant 0 : i32
      %dma_wait3A_67 = tpu.memref_slice %arg3[%add3A, %dma_wait3A_65, %dma_wait3A_66] : memref<32x40x128xi32, #tpu.memory_space<hbm>> -> memref<1x40x128xi32, #tpu.memory_space<hbm>>
      %dma_wait3A_68 = tpu.memref_squeeze %dma_wait3A_67 : memref<1x40x128xi32, #tpu.memory_space<hbm>> -> memref<40x128xi32, #tpu.memory_space<hbm>>
      tpu.wait_dma2 semaphore(%run_scoped3A_52 : memref<!tpu.dma_semaphore, #tpu.memory_space<semaphore_mem>>) src(%dma_wait3A_68 : memref<40x128xi32, #tpu.memory_space<hbm>>) dst(%arg5 : memref<40x128xi32, #tpu.memory_space<vmem>>)
      tpu.yield
    }) : () -> ()
    %mul3A_16 = arith.constant 40 : i32
    %mul3A_17 = arith.muli %add3A, %mul3A_16 : i32
    %add3A_18 = arith.constant 0 : i32
    %add3A_19 = arith.addi %mul3A_17, %add3A_18 : i32
    %mul3A_20 = arith.constant 128 : i32
    %mul3A_21 = arith.muli %add3A_19, %mul3A_20 : i32
    %dma_start3A = arith.constant 0 : i32
    %dma_start3A_22 = arith.constant 0 : i32
    %dma_start3A_23 = arith.constant 0 : i32
    %dma_start3A_24 = tpu.memref_slice %arg6[%dma_start3A, %dma_start3A_22, %dma_start3A_23] : memref<2x128x128xf32, #tpu.memory_space<vmem>> -> memref<1x128x128xf32, #tpu.memory_space<vmem>>
    %dma_start3A_25 = tpu.memref_squeeze %dma_start3A_24 : memref<1x128x128xf32, #tpu.memory_space<vmem>> -> memref<128x128xf32, #tpu.memory_space<vmem>>
    %dma_start3A_26 = arith.constant 0 : i32
    %dma_start3A_27 = tpu.memref_slice %arg2[%mul3A_21, %dma_start3A_26] : memref<163840x128xf32, #tpu.memory_space<hbm>> -> memref<128x128xf32, #tpu.memory_space<hbm>>
    %dma_start3A_28 = arith.constant 0 : i32
    %dma_start3A_29 = arith.constant 0 : i32
    %dma_start3A_30 = tpu.memref_slice %arg6[%dma_start3A, %dma_start3A_28, %dma_start3A_29] : memref<2x128x128xf32, #tpu.memory_space<vmem>> -> memref<1x128x128xf32, #tpu.memory_space<vmem>>
    %dma_start3A_31 = tpu.memref_squeeze %dma_start3A_30 : memref<1x128x128xf32, #tpu.memory_space<vmem>> -> memref<128x128xf32, #tpu.memory_space<vmem>>
    %dma_start3A_32 = arith.constant 0 : i32
    %dma_start3A_33 = tpu.memref_slice %arg2[%mul3A_21, %dma_start3A_32] : memref<163840x128xf32, #tpu.memory_space<hbm>> -> memref<128x128xf32, #tpu.memory_space<hbm>>
    tpu.enqueue_dma source(%dma_start3A_33 : memref<128x128xf32, #tpu.memory_space<hbm>>) target(%dma_start3A_31 : memref<128x128xf32, #tpu.memory_space<vmem>>) target_semaphore(%arg8 : memref<!tpu.dma_semaphore, #tpu.memory_space<semaphore_mem>>)
    %scan3A_34 = arith.constant 0 : i32
    %scan3A_35 = arith.constant 0 : i32
    %scan3A_36 = arith.constant 20 : i32
    %scan3A_37 = arith.addi %scan3A_35, %scan3A_36 : i32
    %scan3A_38 = arith.constant 1 : i32
    scf.for %scan3A_52 = %scan3A_35 to %scan3A_37 step %scan3A_38  : i32 {
      %mul3A_53 = arith.constant 2 : i32
      %mul3A_54 = arith.muli %scan3A_52, %mul3A_53 : i32
      %add3A_55 = arith.constant 0 : i32
      %add3A_56 = arith.addi %mul3A_54, %add3A_55 : i32
      %mul3A_57 = arith.constant 40 : i32
      %mul3A_58 = arith.muli %add3A, %mul3A_57 : i32
      %add3A_59 = arith.addi %mul3A_58, %add3A_56 : i32
      %mul3A_60 = arith.constant 128 : i32
      %mul3A_61 = arith.muli %add3A_59, %mul3A_60 : i32
      %dma_wait3A_62 = arith.constant 0 : i32
      %dma_wait3A_63 = arith.constant 0 : i32
      %dma_wait3A_64 = arith.constant 0 : i32
      %dma_wait3A_65 = tpu.memref_slice %arg6[%dma_wait3A_62, %dma_wait3A_63, %dma_wait3A_64] : memref<2x128x128xf32, #tpu.memory_space<vmem>> -> memref<1x128x128xf32, #tpu.memory_space<vmem>>
      %dma_wait3A_66 = tpu.memref_squeeze %dma_wait3A_65 : memref<1x128x128xf32, #tpu.memory_space<vmem>> -> memref<128x128xf32, #tpu.memory_space<vmem>>
      %dma_wait3A_67 = arith.constant 0 : i32
      %dma_wait3A_68 = tpu.memref_slice %arg2[%mul3A_61, %dma_wait3A_67] : memref<163840x128xf32, #tpu.memory_space<hbm>> -> memref<128x128xf32, #tpu.memory_space<hbm>>
      %dma_wait3A_69 = arith.constant 0 : i32
      %dma_wait3A_70 = arith.constant 0 : i32
      %dma_wait3A_71 = tpu.memref_slice %arg6[%dma_wait3A_62, %dma_wait3A_69, %dma_wait3A_70] : memref<2x128x128xf32, #tpu.memory_space<vmem>> -> memref<1x128x128xf32, #tpu.memory_space<vmem>>
      %dma_wait3A_72 = tpu.memref_squeeze %dma_wait3A_71 : memref<1x128x128xf32, #tpu.memory_space<vmem>> -> memref<128x128xf32, #tpu.memory_space<vmem>>
      %dma_wait3A_73 = arith.constant 0 : i32
      %dma_wait3A_74 = tpu.memref_slice %arg2[%mul3A_61, %dma_wait3A_73] : memref<163840x128xf32, #tpu.memory_space<hbm>> -> memref<128x128xf32, #tpu.memory_space<hbm>>
      tpu.wait_dma2 semaphore(%arg8 : memref<!tpu.dma_semaphore, #tpu.memory_space<semaphore_mem>>) src(%dma_wait3A_74 : memref<128x128xf32, #tpu.memory_space<hbm>>) dst(%dma_wait3A_72 : memref<128x128xf32, #tpu.memory_space<vmem>>)
      %dma_start3A_75 = arith.constant 0 : i32
      %dma_start3A_76 = arith.constant 0 : i32
      %dma_start3A_77 = arith.constant 0 : i32
      %dma_start3A_78 = tpu.memref_slice %arg6[%dma_start3A_75, %dma_start3A_76, %dma_start3A_77] : memref<2x128x128xf32, #tpu.memory_space<vmem>> -> memref<1x128x128xf32, #tpu.memory_space<vmem>>
      %dma_start3A_79 = tpu.memref_squeeze %dma_start3A_78 : memref<1x128x128xf32, #tpu.memory_space<vmem>> -> memref<128x128xf32, #tpu.memory_space<vmem>>
      %dma_start3A_80 = arith.constant 0 : i32
      %dma_start3A_81 = tpu.memref_slice %arg5[%add3A_56, %dma_start3A_80] : memref<40x128xi32, #tpu.memory_space<vmem>> -> memref<1x128xi32, #tpu.memory_space<vmem>>
      %dma_start3A_82 = tpu.memref_squeeze %dma_start3A_81 : memref<1x128xi32, #tpu.memory_space<vmem>> -> memref<128xi32, #tpu.memory_space<vmem>>
      %dma_start3A_83 = arith.constant 0 : i32
      %dma_start3A_84 = arith.constant 0 : i32
      %dma_start3A_85 = tpu.memref_slice %arg7[%dma_start3A_83, %dma_start3A_84] : memref<10112x128xf32, #tpu.memory_space<vmem_shared>> -> memref<10112x128xf32, #tpu.memory_space<vmem_shared>>
      tpu.enqueue_indirect_dma source(%dma_start3A_79 : memref<128x128xf32, #tpu.memory_space<vmem>>) target(%dma_start3A_85 : memref<10112x128xf32, #tpu.memory_space<vmem_shared>>) offsets(%dma_start3A_82 : memref<128xi32, #tpu.memory_space<vmem>>) semaphore(%arg10 : memref<!tpu.dma_semaphore, #tpu.memory_space<semaphore_mem>>) {add = true}
      %ge3A = arith.constant 1 : i32
      %ge3A_86 = arith.cmpi sge, %add3A_56, %ge3A : i32
      %convert_element_type3A = arith.extui %ge3A_86 : i1 to i32
      %cond3A = arith.constant 0 : i32
      %cond3A_87 = arith.cmpi ne, %convert_element_type3A, %cond3A : i32
      scf.if %cond3A_87 {
        %sub3A = arith.constant 1 : i32
        %sub3A_137 = arith.subi %add3A_56, %sub3A : i32
        %dma_wait3A_138 = arith.constant 1 : i32
        %dma_wait3A_139 = arith.constant 0 : i32
        %dma_wait3A_140 = arith.constant 0 : i32
        %dma_wait3A_141 = tpu.memref_slice %arg6[%dma_wait3A_138, %dma_wait3A_139, %dma_wait3A_140] : memref<2x128x128xf32, #tpu.memory_space<vmem>> -> memref<1x128x128xf32, #tpu.memory_space<vmem>>
        %dma_wait3A_142 = tpu.memref_squeeze %dma_wait3A_141 : memref<1x128x128xf32, #tpu.memory_space<vmem>> -> memref<128x128xf32, #tpu.memory_space<vmem>>
        %dma_wait3A_143 = arith.constant 0 : i32
        %dma_wait3A_144 = tpu.memref_slice %arg5[%sub3A_137, %dma_wait3A_143] : memref<40x128xi32, #tpu.memory_space<vmem>> -> memref<1x128xi32, #tpu.memory_space<vmem>>
        %dma_wait3A_145 = tpu.memref_squeeze %dma_wait3A_144 : memref<1x128xi32, #tpu.memory_space<vmem>> -> memref<128xi32, #tpu.memory_space<vmem>>
        %dma_wait3A_146 = arith.constant 0 : i32
        %dma_wait3A_147 = arith.constant 0 : i32
        %dma_wait3A_148 = tpu.memref_slice %arg7[%dma_wait3A_146, %dma_wait3A_147] : memref<10112x128xf32, #tpu.memory_space<vmem_shared>> -> memref<10112x128xf32, #tpu.memory_space<vmem_shared>>
        tpu.wait_indirect_dma semaphore(%arg11 : memref<!tpu.dma_semaphore, #tpu.memory_space<semaphore_mem>>) src(%dma_wait3A_142 : memref<128x128xf32, #tpu.memory_space<vmem>>) dst(%dma_wait3A_148 : memref<10112x128xf32, #tpu.memory_space<vmem_shared>>)
      } else {
      }
      %add3A_88 = arith.constant 1 : i32
      %add3A_89 = arith.addi %add3A_56, %add3A_88 : i32
      %lt3A = arith.constant 40 : i32
      %lt3A_90 = arith.cmpi slt, %add3A_89, %lt3A : i32
      %convert_element_type3A_91 = arith.extui %lt3A_90 : i1 to i32
      %cond3A_92 = arith.constant 0 : i32
      %cond3A_93 = arith.cmpi ne, %convert_element_type3A_91, %cond3A_92 : i32
      scf.if %cond3A_93 {
        %add3A_137 = arith.constant 1 : i32
        %add3A_138 = arith.addi %add3A_56, %add3A_137 : i32
        %mul3A_139 = arith.constant 40 : i32
        %mul3A_140 = arith.muli %add3A, %mul3A_139 : i32
        %add3A_141 = arith.addi %mul3A_140, %add3A_138 : i32
        %mul3A_142 = arith.constant 128 : i32
        %mul3A_143 = arith.muli %add3A_141, %mul3A_142 : i32
        %dma_start3A_144 = arith.constant 1 : i32
        %dma_start3A_145 = arith.constant 0 : i32
        %dma_start3A_146 = arith.constant 0 : i32
        %dma_start3A_147 = tpu.memref_slice %arg6[%dma_start3A_144, %dma_start3A_145, %dma_start3A_146] : memref<2x128x128xf32, #tpu.memory_space<vmem>> -> memref<1x128x128xf32, #tpu.memory_space<vmem>>
        %dma_start3A_148 = tpu.memref_squeeze %dma_start3A_147 : memref<1x128x128xf32, #tpu.memory_space<vmem>> -> memref<128x128xf32, #tpu.memory_space<vmem>>
        %dma_start3A_149 = arith.constant 0 : i32
        %dma_start3A_150 = tpu.memref_slice %arg2[%mul3A_143, %dma_start3A_149] : memref<163840x128xf32, #tpu.memory_space<hbm>> -> memref<128x128xf32, #tpu.memory_space<hbm>>
        %dma_start3A_151 = arith.constant 0 : i32
        %dma_start3A_152 = arith.constant 0 : i32
        %dma_start3A_153 = tpu.memref_slice %arg6[%dma_start3A_144, %dma_start3A_151, %dma_start3A_152] : memref<2x128x128xf32, #tpu.memory_space<vmem>> -> memref<1x128x128xf32, #tpu.memory_space<vmem>>
        %dma_start3A_154 = tpu.memref_squeeze %dma_start3A_153 : memref<1x128x128xf32, #tpu.memory_space<vmem>> -> memref<128x128xf32, #tpu.memory_space<vmem>>
        %dma_start3A_155 = arith.constant 0 : i32
        %dma_start3A_156 = tpu.memref_slice %arg2[%mul3A_143, %dma_start3A_155] : memref<163840x128xf32, #tpu.memory_space<hbm>> -> memref<128x128xf32, #tpu.memory_space<hbm>>
        tpu.enqueue_dma source(%dma_start3A_156 : memref<128x128xf32, #tpu.memory_space<hbm>>) target(%dma_start3A_154 : memref<128x128xf32, #tpu.memory_space<vmem>>) target_semaphore(%arg9 : memref<!tpu.dma_semaphore, #tpu.memory_space<semaphore_mem>>)
      } else {
      }
      %add3A_94 = arith.constant 1 : i32
      %add3A_95 = arith.addi %mul3A_54, %add3A_94 : i32
      %mul3A_96 = arith.constant 40 : i32
      %mul3A_97 = arith.muli %add3A, %mul3A_96 : i32
      %add3A_98 = arith.addi %mul3A_97, %add3A_95 : i32
      %mul3A_99 = arith.constant 128 : i32
      %mul3A_100 = arith.muli %add3A_98, %mul3A_99 : i32
      %dma_wait3A_101 = arith.constant 1 : i32
      %dma_wait3A_102 = arith.constant 0 : i32
      %dma_wait3A_103 = arith.constant 0 : i32
      %dma_wait3A_104 = tpu.memref_slice %arg6[%dma_wait3A_101, %dma_wait3A_102, %dma_wait3A_103] : memref<2x128x128xf32, #tpu.memory_space<vmem>> -> memref<1x128x128xf32, #tpu.memory_space<vmem>>
      %dma_wait3A_105 = tpu.memref_squeeze %dma_wait3A_104 : memref<1x128x128xf32, #tpu.memory_space<vmem>> -> memref<128x128xf32, #tpu.memory_space<vmem>>
      %dma_wait3A_106 = arith.constant 0 : i32
      %dma_wait3A_107 = tpu.memref_slice %arg2[%mul3A_100, %dma_wait3A_106] : memref<163840x128xf32, #tpu.memory_space<hbm>> -> memref<128x128xf32, #tpu.memory_space<hbm>>
      %dma_wait3A_108 = arith.constant 0 : i32
      %dma_wait3A_109 = arith.constant 0 : i32
      %dma_wait3A_110 = tpu.memref_slice %arg6[%dma_wait3A_101, %dma_wait3A_108, %dma_wait3A_109] : memref<2x128x128xf32, #tpu.memory_space<vmem>> -> memref<1x128x128xf32, #tpu.memory_space<vmem>>
      %dma_wait3A_111 = tpu.memref_squeeze %dma_wait3A_110 : memref<1x128x128xf32, #tpu.memory_space<vmem>> -> memref<128x128xf32, #tpu.memory_space<vmem>>
      %dma_wait3A_112 = arith.constant 0 : i32
      %dma_wait3A_113 = tpu.memref_slice %arg2[%mul3A_100, %dma_wait3A_112] : memref<163840x128xf32, #tpu.memory_space<hbm>> -> memref<128x128xf32, #tpu.memory_space<hbm>>
      tpu.wait_dma2 semaphore(%arg9 : memref<!tpu.dma_semaphore, #tpu.memory_space<semaphore_mem>>) src(%dma_wait3A_113 : memref<128x128xf32, #tpu.memory_space<hbm>>) dst(%dma_wait3A_111 : memref<128x128xf32, #tpu.memory_space<vmem>>)
      %dma_start3A_114 = arith.constant 1 : i32
      %dma_start3A_115 = arith.constant 0 : i32
      %dma_start3A_116 = arith.constant 0 : i32
      %dma_start3A_117 = tpu.memref_slice %arg6[%dma_start3A_114, %dma_start3A_115, %dma_start3A_116] : memref<2x128x128xf32, #tpu.memory_space<vmem>> -> memref<1x128x128xf32, #tpu.memory_space<vmem>>
      %dma_start3A_118 = tpu.memref_squeeze %dma_start3A_117 : memref<1x128x128xf32, #tpu.memory_space<vmem>> -> memref<128x128xf32, #tpu.memory_space<vmem>>
      %dma_start3A_119 = arith.constant 0 : i32
      %dma_start3A_120 = tpu.memref_slice %arg5[%add3A_95, %dma_start3A_119] : memref<40x128xi32, #tpu.memory_space<vmem>> -> memref<1x128xi32, #tpu.memory_space<vmem>>
      %dma_start3A_121 = tpu.memref_squeeze %dma_start3A_120 : memref<1x128xi32, #tpu.memory_space<vmem>> -> memref<128xi32, #tpu.memory_space<vmem>>
      %dma_start3A_122 = arith.constant 0 : i32
      %dma_start3A_123 = arith.constant 0 : i32
      %dma_start3A_124 = tpu.memref_slice %arg7[%dma_start3A_122, %dma_start3A_123] : memref<10112x128xf32, #tpu.memory_space<vmem_shared>> -> memref<10112x128xf32, #tpu.memory_space<vmem_shared>>
      tpu.enqueue_indirect_dma source(%dma_start3A_118 : memref<128x128xf32, #tpu.memory_space<vmem>>) target(%dma_start3A_124 : memref<10112x128xf32, #tpu.memory_space<vmem_shared>>) offsets(%dma_start3A_121 : memref<128xi32, #tpu.memory_space<vmem>>) semaphore(%arg11 : memref<!tpu.dma_semaphore, #tpu.memory_space<semaphore_mem>>) {add = true}
      %ge3A_125 = arith.constant 1 : i32
      %ge3A_126 = arith.cmpi sge, %add3A_95, %ge3A_125 : i32
      %convert_element_type3A_127 = arith.extui %ge3A_126 : i1 to i32
      %cond3A_128 = arith.constant 0 : i32
      %cond3A_129 = arith.cmpi ne, %convert_element_type3A_127, %cond3A_128 : i32
      scf.if %cond3A_129 {
        %sub3A = arith.constant 1 : i32
        %sub3A_137 = arith.subi %add3A_95, %sub3A : i32
        %dma_wait3A_138 = arith.constant 0 : i32
        %dma_wait3A_139 = arith.constant 0 : i32
        %dma_wait3A_140 = arith.constant 0 : i32
        %dma_wait3A_141 = tpu.memref_slice %arg6[%dma_wait3A_138, %dma_wait3A_139, %dma_wait3A_140] : memref<2x128x128xf32, #tpu.memory_space<vmem>> -> memref<1x128x128xf32, #tpu.memory_space<vmem>>
        %dma_wait3A_142 = tpu.memref_squeeze %dma_wait3A_141 : memref<1x128x128xf32, #tpu.memory_space<vmem>> -> memref<128x128xf32, #tpu.memory_space<vmem>>
        %dma_wait3A_143 = arith.constant 0 : i32
        %dma_wait3A_144 = tpu.memref_slice %arg5[%sub3A_137, %dma_wait3A_143] : memref<40x128xi32, #tpu.memory_space<vmem>> -> memref<1x128xi32, #tpu.memory_space<vmem>>
        %dma_wait3A_145 = tpu.memref_squeeze %dma_wait3A_144 : memref<1x128xi32, #tpu.memory_space<vmem>> -> memref<128xi32, #tpu.memory_space<vmem>>
        %dma_wait3A_146 = arith.constant 0 : i32
        %dma_wait3A_147 = arith.constant 0 : i32
        %dma_wait3A_148 = tpu.memref_slice %arg7[%dma_wait3A_146, %dma_wait3A_147] : memref<10112x128xf32, #tpu.memory_space<vmem_shared>> -> memref<10112x128xf32, #tpu.memory_space<vmem_shared>>
        tpu.wait_indirect_dma semaphore(%arg10 : memref<!tpu.dma_semaphore, #tpu.memory_space<semaphore_mem>>) src(%dma_wait3A_142 : memref<128x128xf32, #tpu.memory_space<vmem>>) dst(%dma_wait3A_148 : memref<10112x128xf32, #tpu.memory_space<vmem_shared>>)
      } else {
      }
      %add3A_130 = arith.constant 1 : i32
      %add3A_131 = arith.addi %add3A_95, %add3A_130 : i32
      %lt3A_132 = arith.constant 40 : i32
      %lt3A_133 = arith.cmpi slt, %add3A_131, %lt3A_132 : i32
      %convert_element_type3A_134 = arith.extui %lt3A_133 : i1 to i32
      %cond3A_135 = arith.constant 0 : i32
      %cond3A_136 = arith.cmpi ne, %convert_element_type3A_134, %cond3A_135 : i32
      scf.if %cond3A_136 {
        %add3A_137 = arith.constant 1 : i32
        %add3A_138 = arith.addi %add3A_95, %add3A_137 : i32
        %mul3A_139 = arith.constant 40 : i32
        %mul3A_140 = arith.muli %add3A, %mul3A_139 : i32
        %add3A_141 = arith.addi %mul3A_140, %add3A_138 : i32
        %mul3A_142 = arith.constant 128 : i32
        %mul3A_143 = arith.muli %add3A_141, %mul3A_142 : i32
        %dma_start3A_144 = arith.constant 0 : i32
        %dma_start3A_145 = arith.constant 0 : i32
        %dma_start3A_146 = arith.constant 0 : i32
        %dma_start3A_147 = tpu.memref_slice %arg6[%dma_start3A_144, %dma_start3A_145, %dma_start3A_146] : memref<2x128x128xf32, #tpu.memory_space<vmem>> -> memref<1x128x128xf32, #tpu.memory_space<vmem>>
        %dma_start3A_148 = tpu.memref_squeeze %dma_start3A_147 : memref<1x128x128xf32, #tpu.memory_space<vmem>> -> memref<128x128xf32, #tpu.memory_space<vmem>>
        %dma_start3A_149 = arith.constant 0 : i32
        %dma_start3A_150 = tpu.memref_slice %arg2[%mul3A_143, %dma_start3A_149] : memref<163840x128xf32, #tpu.memory_space<hbm>> -> memref<128x128xf32, #tpu.memory_space<hbm>>
        %dma_start3A_151 = arith.constant 0 : i32
        %dma_start3A_152 = arith.constant 0 : i32
        %dma_start3A_153 = tpu.memref_slice %arg6[%dma_start3A_144, %dma_start3A_151, %dma_start3A_152] : memref<2x128x128xf32, #tpu.memory_space<vmem>> -> memref<1x128x128xf32, #tpu.memory_space<vmem>>
        %dma_start3A_154 = tpu.memref_squeeze %dma_start3A_153 : memref<1x128x128xf32, #tpu.memory_space<vmem>> -> memref<128x128xf32, #tpu.memory_space<vmem>>
        %dma_start3A_155 = arith.constant 0 : i32
        %dma_start3A_156 = tpu.memref_slice %arg2[%mul3A_143, %dma_start3A_155] : memref<163840x128xf32, #tpu.memory_space<hbm>> -> memref<128x128xf32, #tpu.memory_space<hbm>>
        tpu.enqueue_dma source(%dma_start3A_156 : memref<128x128xf32, #tpu.memory_space<hbm>>) target(%dma_start3A_154 : memref<128x128xf32, #tpu.memory_space<vmem>>) target_semaphore(%arg8 : memref<!tpu.dma_semaphore, #tpu.memory_space<semaphore_mem>>)
      } else {
      }
    }
    %scan3A_39 = arith.constant 20 : i32
    %dma_wait3A = arith.constant 1 : i32
    %dma_wait3A_40 = arith.constant 39 : i32
    %dma_wait3A_41 = arith.constant 0 : i32
    %dma_wait3A_42 = arith.constant 0 : i32
    %dma_wait3A_43 = tpu.memref_slice %arg6[%dma_wait3A, %dma_wait3A_41, %dma_wait3A_42] : memref<2x128x128xf32, #tpu.memory_space<vmem>> -> memref<1x128x128xf32, #tpu.memory_space<vmem>>
    %dma_wait3A_44 = tpu.memref_squeeze %dma_wait3A_43 : memref<1x128x128xf32, #tpu.memory_space<vmem>> -> memref<128x128xf32, #tpu.memory_space<vmem>>
    %dma_wait3A_45 = arith.constant 0 : i32
    %dma_wait3A_46 = tpu.memref_slice %arg5[%dma_wait3A_40, %dma_wait3A_45] : memref<40x128xi32, #tpu.memory_space<vmem>> -> memref<1x128xi32, #tpu.memory_space<vmem>>
    %dma_wait3A_47 = tpu.memref_squeeze %dma_wait3A_46 : memref<1x128xi32, #tpu.memory_space<vmem>> -> memref<128xi32, #tpu.memory_space<vmem>>
    %dma_wait3A_48 = arith.constant 0 : i32
    %dma_wait3A_49 = arith.constant 0 : i32
    %dma_wait3A_50 = tpu.memref_slice %arg7[%dma_wait3A_48, %dma_wait3A_49] : memref<10112x128xf32, #tpu.memory_space<vmem_shared>> -> memref<10112x128xf32, #tpu.memory_space<vmem_shared>>
    tpu.wait_indirect_dma semaphore(%arg11 : memref<!tpu.dma_semaphore, #tpu.memory_space<semaphore_mem>>) src(%dma_wait3A_44 : memref<128x128xf32, #tpu.memory_space<vmem>>) dst(%dma_wait3A_50 : memref<10112x128xf32, #tpu.memory_space<vmem_shared>>)
    %barrier3A_51 = arith.constant 0 : index
    tpu.barrier barrier_id(%barrier3A_51)
    "tpu.region"() ({
      %run_scoped3A_52 = tpu.sem_alloc : memref<!tpu.dma_semaphore, #tpu.memory_space<semaphore_mem>>
      %dma_start3A_53 = arith.constant 0 : i32
      %dma_start3A_54 = arith.constant 0 : i32
      %dma_start3A_55 = tpu.memref_slice %arg4[%arg0, %dma_start3A_53, %dma_start3A_54] : memref<2x10112x128xf32, #tpu.memory_space<hbm>> -> memref<1x10112x128xf32, #tpu.memory_space<hbm>>
      %dma_start3A_56 = tpu.memref_squeeze %dma_start3A_55 : memref<1x10112x128xf32, #tpu.memory_space<hbm>> -> memref<10112x128xf32, #tpu.memory_space<hbm>>
      %dma_start3A_57 = arith.constant 0 : i32
      %dma_start3A_58 = tpu.memref_slice %dma_start3A_56[%mul3A_7, %dma_start3A_57] : memref<10112x128xf32, #tpu.memory_space<hbm>> -> memref<632x128xf32, #tpu.memory_space<hbm>>
      %dma_start3A_59 = arith.constant 0 : i32
      %dma_start3A_60 = tpu.memref_slice %arg7[%mul3A_7, %dma_start3A_59] : memref<10112x128xf32, #tpu.memory_space<vmem_shared>> -> memref<632x128xf32, #tpu.memory_space<vmem_shared>>
      tpu.enqueue_dma source(%dma_start3A_60 : memref<632x128xf32, #tpu.memory_space<vmem_shared>>) target(%dma_start3A_58 : memref<632x128xf32, #tpu.memory_space<hbm>>) target_semaphore(%run_scoped3A_52 : memref<!tpu.dma_semaphore, #tpu.memory_space<semaphore_mem>>)
      %dma_wait3A_61 = arith.constant 0 : i32
      %dma_wait3A_62 = arith.constant 0 : i32
      %dma_wait3A_63 = tpu.memref_slice %arg4[%arg0, %dma_wait3A_61, %dma_wait3A_62] : memref<2x10112x128xf32, #tpu.memory_space<hbm>> -> memref<1x10112x128xf32, #tpu.memory_space<hbm>>
      %dma_wait3A_64 = tpu.memref_squeeze %dma_wait3A_63 : memref<1x10112x128xf32, #tpu.memory_space<hbm>> -> memref<10112x128xf32, #tpu.memory_space<hbm>>
      %dma_wait3A_65 = arith.constant 0 : i32
      %dma_wait3A_66 = tpu.memref_slice %dma_wait3A_64[%mul3A_7, %dma_wait3A_65] : memref<10112x128xf32, #tpu.memory_space<hbm>> -> memref<632x128xf32, #tpu.memory_space<hbm>>
      %dma_wait3A_67 = arith.constant 0 : i32
      %dma_wait3A_68 = tpu.memref_slice %arg7[%mul3A_7, %dma_wait3A_67] : memref<10112x128xf32, #tpu.memory_space<vmem_shared>> -> memref<632x128xf32, #tpu.memory_space<vmem_shared>>
      tpu.wait_dma2 semaphore(%run_scoped3A_52 : memref<!tpu.dma_semaphore, #tpu.memory_space<semaphore_mem>>) src(%dma_wait3A_68 : memref<632x128xf32, #tpu.memory_space<vmem_shared>>) dst(%dma_wait3A_66 : memref<632x128xf32, #tpu.memory_space<hbm>>)
      tpu.yield
    }) : () -> ()
    return
  }
}

module attributes {stable_mosaic.version = 14 : i64} {
  func.func @_pad_body(%arg0: i32, %arg1: memref<2x320000xi32, #tpu.memory_space<vmem>>, %arg2: memref<1x327680xi32, #tpu.memory_space<vmem>>, %arg3: memref<1x327680xi32, #tpu.memory_space<vmem>>) attributes {dimension_semantics = [#tpu.dimension_semantics<arbitrary>], iteration_bounds = array<i64: 1>, scalar_prefetch = 0 : i64, scratch_operands = 0 : i64, tpu.core_type = #tpu.core_type<tc>, window_params = [{pipeline_mode = #tpu.pipeline_mode<synchronous>, transform_indices = @transform_0, window_bounds = array<i64: 2, 320000>}, {pipeline_mode = #tpu.pipeline_mode<synchronous>, transform_indices = @transform_1, window_bounds = array<i64: 1, 327680>}, {pipeline_mode = #tpu.pipeline_mode<synchronous>, transform_indices = @transform_2, window_bounds = array<i64: 1, 327680>}]} {
    %get3A = arith.constant 0 : index
    %get3A_0 = arith.constant 0 : index
    %get3A_1 = vector.load %arg1[%get3A, %get3A_0] : memref<2x320000xi32, #tpu.memory_space<vmem>>, vector<1x320000xi32>
    %get3A_2 = vector.shape_cast %get3A_1 : vector<1x320000xi32> to vector<320000xi32>
    %swap3A = arith.constant 0 : index
    %swap3A_3 = arith.constant 0 : index
    %swap3A_4 = vector.load %arg2[%swap3A, %swap3A_3] : memref<1x327680xi32, #tpu.memory_space<vmem>>, vector<1x320000xi32>
    %swap3A_5 = vector.shape_cast %swap3A_4 : vector<1x320000xi32> to vector<320000xi32>
    %swap3A_6 = vector.shape_cast %get3A_2 : vector<320000xi32> to vector<1x320000xi32>
    tpu.vector_store %arg2[%swap3A, %swap3A_3], %swap3A_6 {strides = array<i32>} : memref<1x327680xi32, #tpu.memory_space<vmem>>, vector<1x320000xi32>,
    %get3A_7 = arith.constant 1 : index
    %get3A_8 = arith.constant 0 : index
    %get3A_9 = vector.load %arg1[%get3A_7, %get3A_8] : memref<2x320000xi32, #tpu.memory_space<vmem>>, vector<1x320000xi32>
    %get3A_10 = vector.shape_cast %get3A_9 : vector<1x320000xi32> to vector<320000xi32>
    %swap3A_11 = arith.constant 0 : index
    %swap3A_12 = arith.constant 0 : index
    %swap3A_13 = vector.load %arg3[%swap3A_11, %swap3A_12] : memref<1x327680xi32, #tpu.memory_space<vmem>>, vector<1x320000xi32>
    %swap3A_14 = vector.shape_cast %swap3A_13 : vector<1x320000xi32> to vector<320000xi32>
    %swap3A_15 = vector.shape_cast %get3A_10 : vector<320000xi32> to vector<1x320000xi32>
    tpu.vector_store %arg3[%swap3A_11, %swap3A_12], %swap3A_15 {strides = array<i32>} : memref<1x327680xi32, #tpu.memory_space<vmem>>, vector<1x320000xi32>,
    %broadcast_in_dim3A = arith.constant 0 : i32
    %broadcast_in_dim3A_16 = vector.broadcast %broadcast_in_dim3A : i32 to vector<7680xi32>
    %swap3A_17 = arith.constant 0 : index
    %swap3A_18 = arith.constant 320000 : index
    %swap3A_19 = vector.load %arg2[%swap3A_17, %swap3A_18] : memref<1x327680xi32, #tpu.memory_space<vmem>>, vector<1x7680xi32>
    %swap3A_20 = vector.shape_cast %swap3A_19 : vector<1x7680xi32> to vector<7680xi32>
    %swap3A_21 = vector.shape_cast %broadcast_in_dim3A_16 : vector<7680xi32> to vector<1x7680xi32>
    tpu.vector_store %arg2[%swap3A_17, %swap3A_18], %swap3A_21 {strides = array<i32>} : memref<1x327680xi32, #tpu.memory_space<vmem>>, vector<1x7680xi32>,
    %broadcast_in_dim3A_22 = arith.constant 10111 : i32
    %broadcast_in_dim3A_23 = vector.broadcast %broadcast_in_dim3A_22 : i32 to vector<7680xi32>
    %swap3A_24 = arith.constant 0 : index
    %swap3A_25 = arith.constant 320000 : index
    %swap3A_26 = vector.load %arg3[%swap3A_24, %swap3A_25] : memref<1x327680xi32, #tpu.memory_space<vmem>>, vector<1x7680xi32>
    %swap3A_27 = vector.shape_cast %swap3A_26 : vector<1x7680xi32> to vector<7680xi32>
    %swap3A_28 = vector.shape_cast %broadcast_in_dim3A_23 : vector<7680xi32> to vector<1x7680xi32>
    tpu.vector_store %arg3[%swap3A_24, %swap3A_25], %swap3A_28 {strides = array<i32>} : memref<1x327680xi32, #tpu.memory_space<vmem>>, vector<1x7680xi32>,
    return
  }
  func.func @transform_0(%arg0: i32) -> (i32, i32) {
    %c0_i32 = arith.constant 0 : i32
    %c0_i32_0 = arith.constant 0 : i32
    %c0_i32_1 = arith.constant 0 : i32
    return %c0_i32, %c0_i32_0 : i32, i32
  }
  func.func @transform_1(%arg0: i32) -> (i32, i32) {
    %c0_i32 = arith.constant 0 : i32
    %c0_i32_0 = arith.constant 0 : i32
    %c0_i32_1 = arith.constant 0 : i32
    return %c0_i32, %c0_i32_0 : i32, i32
  }
  func.func @transform_2(%arg0: i32) -> (i32, i32) {
    %c0_i32 = arith.constant 0 : i32
    %c0_i32_0 = arith.constant 0 : i32
    %c0_i32_1 = arith.constant 0 : i32
    return %c0_i32, %c0_i32_0 : i32, i32
  }
}

module attributes {stable_mosaic.version = 14 : i64} {
  func.func @_msg_body(%arg0: i32, %arg1: memref<4096x128xf32, #tpu.memory_space<vmem>>, %arg2: memref<4096x16xf32, #tpu.memory_space<vmem>>, %arg3: memref<4096x1xf32, #tpu.memory_space<vmem>>, %arg4: memref<16x128xf32, #tpu.memory_space<vmem>>, %arg5: memref<1x128xf32, #tpu.memory_space<vmem>>, %arg6: memref<4096x128xf32, #tpu.memory_space<vmem>>) attributes {dimension_semantics = [#tpu.dimension_semantics<arbitrary>], iteration_bounds = array<i64: 40>, scalar_prefetch = 0 : i64, scratch_operands = 0 : i64, tpu.core_type = #tpu.core_type<tc>, window_params = [{transform_indices = @transform_0, window_bounds = array<i64: 4096, 128>}, {transform_indices = @transform_1, window_bounds = array<i64: 4096, 16>}, {transform_indices = @transform_2, window_bounds = array<i64: 4096, 1>}, {pipeline_mode = #tpu.pipeline_mode<synchronous>, transform_indices = @transform_3, window_bounds = array<i64: 16, 128>}, {pipeline_mode = #tpu.pipeline_mode<synchronous>, transform_indices = @transform_4, window_bounds = array<i64: 1, 128>}, {transform_indices = @transform_5, window_bounds = array<i64: 4096, 128>}]} {
    %get3A = arith.constant 0 : index
    %get3A_0 = arith.constant 0 : index
    %get3A_1 = vector.load %arg2[%get3A, %get3A_0] : memref<4096x16xf32, #tpu.memory_space<vmem>>, vector<4096x16xf32>
    %get3A_2 = arith.constant 0 : index
    %get3A_3 = arith.constant 0 : index
    %get3A_4 = vector.load %arg4[%get3A_2, %get3A_3] : memref<16x128xf32, #tpu.memory_space<vmem>>, vector<16x128xf32>
    %dot_general3A = arith.constant dense<0.000000e+00> : vector<4096x128xf32>
    %dot_general3A_5 = tpu.matmul %get3A_1, %get3A_4, %dot_general3A {dimension_numbers = #tpu.dot_dimension_numbers<[1], [0], [0], [1], [0, 0, 1, 1], [], []>, transpose_lhs_hint = false} : vector<4096x16xf32>, vector<16x128xf32>, vector<4096x128xf32> -> vector<4096x128xf32>
    %get3A_6 = arith.constant 0 : index
    %get3A_7 = arith.constant 0 : index
    %get3A_8 = vector.load %arg5[%get3A_6, %get3A_7] : memref<1x128xf32, #tpu.memory_space<vmem>>, vector<1x128xf32>
    %add3A = vector.broadcast %get3A_8 : vector<1x128xf32> to vector<4096x128xf32>
    %add3A_9 = arith.addf %dot_general3A_5, %add3A : vector<4096x128xf32>
    %get3A_10 = arith.constant 0 : index
    %get3A_11 = arith.constant 0 : index
    %get3A_12 = vector.load %arg1[%get3A_10, %get3A_11] : memref<4096x128xf32, #tpu.memory_space<vmem>>, vector<4096x128xf32>
    %add3A_13 = arith.addf %get3A_12, %add3A_9 : vector<4096x128xf32>
    %mul3A = arith.constant 0.0356774069 : f32
    %mul3A_14 = vector.broadcast %mul3A : f32 to vector<4096x128xf32>
    %mul3A_15 = arith.mulf %mul3A_14, %add3A_13 : vector<4096x128xf32>
    %mul3A_16 = arith.mulf %mul3A_15, %add3A_13 : vector<4096x128xf32>
    %add3A_17 = arith.constant 0.797884583 : f32
    %add3A_18 = vector.broadcast %add3A_17 : f32 to vector<4096x128xf32>
    %add3A_19 = arith.addf %add3A_18, %mul3A_16 : vector<4096x128xf32>
    %mul3A_20 = arith.mulf %add3A_13, %add3A_19 : vector<4096x128xf32>
    %mul3A_21 = arith.constant -2.000000e+00 : f32
    %mul3A_22 = vector.broadcast %mul3A_21 : f32 to vector<4096x128xf32>
    %mul3A_23 = arith.mulf %mul3A_22, %mul3A_20 : vector<4096x128xf32>
    %exp3A = math.exp %mul3A_23 : vector<4096x128xf32>
    %add3A_24 = arith.constant 1.000000e+00 : f32
    %add3A_25 = vector.broadcast %add3A_24 : f32 to vector<4096x128xf32>
    %add3A_26 = arith.addf %add3A_25, %exp3A : vector<4096x128xf32>
    %div3A = arith.divf %add3A_13, %add3A_26 : vector<4096x128xf32>
    %get3A_27 = arith.constant 0 : index
    %get3A_28 = arith.constant 0 : index
    %get3A_29 = vector.load %arg3[%get3A_27, %get3A_28] : memref<4096x1xf32, #tpu.memory_space<vmem>>, vector<4096x1xf32>
    %mul3A_30 = vector.broadcast %get3A_29 : vector<4096x1xf32> to vector<4096x128xf32>
    %mul3A_31 = arith.mulf %div3A, %mul3A_30 : vector<4096x128xf32>
    %swap3A = arith.constant 0 : index
    %swap3A_32 = arith.constant 0 : index
    %swap3A_33 = vector.load %arg6[%swap3A, %swap3A_32] : memref<4096x128xf32, #tpu.memory_space<vmem>>, vector<4096x128xf32>
    tpu.vector_store %arg6[%swap3A, %swap3A_32], %mul3A_31 {strides = array<i32>} : memref<4096x128xf32, #tpu.memory_space<vmem>>, vector<4096x128xf32>,
    return
  }
  func.func @transform_0(%arg0: i32) -> (i32, i32) {
    %c0_i32 = arith.constant 0 : i32
    %c0_i32_0 = arith.constant 0 : i32
    return %arg0, %c0_i32 : i32, i32
  }
  func.func @transform_1(%arg0: i32) -> (i32, i32) {
    %c0_i32 = arith.constant 0 : i32
    %c0_i32_0 = arith.constant 0 : i32
    return %arg0, %c0_i32 : i32, i32
  }
  func.func @transform_2(%arg0: i32) -> (i32, i32) {
    %c0_i32 = arith.constant 0 : i32
    %c0_i32_0 = arith.constant 0 : i32
    return %arg0, %c0_i32 : i32, i32
  }
  func.func @transform_3(%arg0: i32) -> (i32, i32) {
    %c0_i32 = arith.constant 0 : i32
    %c0_i32_0 = arith.constant 0 : i32
    %c0_i32_1 = arith.constant 0 : i32
    return %c0_i32, %c0_i32_0 : i32, i32
  }
  func.func @transform_4(%arg0: i32) -> (i32, i32) {
    %c0_i32 = arith.constant 0 : i32
    %c0_i32_0 = arith.constant 0 : i32
    %c0_i32_1 = arith.constant 0 : i32
    return %c0_i32, %c0_i32_0 : i32, i32
  }
  func.func @transform_5(%arg0: i32) -> (i32, i32) {
    %c0_i32 = arith.constant 0 : i32
    %c0_i32_0 = arith.constant 0 : i32
    return %arg0, %c0_i32 : i32, i32
  }
}

module attributes {stable_mosaic.version = 14 : i64} {
  func.func @_msg_body(%arg0: i32, %arg1: memref<4096x128xf32, #tpu.memory_space<vmem>>, %arg2: memref<4096x16xf32, #tpu.memory_space<vmem>>, %arg3: memref<4096x1xf32, #tpu.memory_space<vmem>>, %arg4: memref<16x128xf32, #tpu.memory_space<vmem>>, %arg5: memref<1x128xf32, #tpu.memory_space<vmem>>, %arg6: memref<4096x128xf32, #tpu.memory_space<vmem>>) attributes {dimension_semantics = [#tpu.dimension_semantics<arbitrary>], iteration_bounds = array<i64: 39>, scalar_prefetch = 0 : i64, scratch_operands = 0 : i64, tpu.core_type = #tpu.core_type<tc>, window_params = [{transform_indices = @transform_0, window_bounds = array<i64: 4096, 128>}, {transform_indices = @transform_1, window_bounds = array<i64: 4096, 16>}, {transform_indices = @transform_2, window_bounds = array<i64: 4096, 1>}, {pipeline_mode = #tpu.pipeline_mode<synchronous>, transform_indices = @transform_3, window_bounds = array<i64: 16, 128>}, {pipeline_mode = #tpu.pipeline_mode<synchronous>, transform_indices = @transform_4, window_bounds = array<i64: 1, 128>}, {transform_indices = @transform_5, window_bounds = array<i64: 4096, 128>}]} {
    %get3A = arith.constant 0 : index
    %get3A_0 = arith.constant 0 : index
    %get3A_1 = vector.load %arg2[%get3A, %get3A_0] : memref<4096x16xf32, #tpu.memory_space<vmem>>, vector<4096x16xf32>
    %get3A_2 = arith.constant 0 : index
    %get3A_3 = arith.constant 0 : index
    %get3A_4 = vector.load %arg4[%get3A_2, %get3A_3] : memref<16x128xf32, #tpu.memory_space<vmem>>, vector<16x128xf32>
    %dot_general3A = arith.constant dense<0.000000e+00> : vector<4096x128xf32>
    %dot_general3A_5 = tpu.matmul %get3A_1, %get3A_4, %dot_general3A {dimension_numbers = #tpu.dot_dimension_numbers<[1], [0], [0], [1], [0, 0, 1, 1], [], []>, transpose_lhs_hint = false} : vector<4096x16xf32>, vector<16x128xf32>, vector<4096x128xf32> -> vector<4096x128xf32>
    %get3A_6 = arith.constant 0 : index
    %get3A_7 = arith.constant 0 : index
    %get3A_8 = vector.load %arg5[%get3A_6, %get3A_7] : memref<1x128xf32, #tpu.memory_space<vmem>>, vector<1x128xf32>
    %add3A = vector.broadcast %get3A_8 : vector<1x128xf32> to vector<4096x128xf32>
    %add3A_9 = arith.addf %dot_general3A_5, %add3A : vector<4096x128xf32>
    %get3A_10 = arith.constant 0 : index
    %get3A_11 = arith.constant 0 : index
    %get3A_12 = vector.load %arg1[%get3A_10, %get3A_11] : memref<4096x128xf32, #tpu.memory_space<vmem>>, vector<4096x128xf32>
    %add3A_13 = arith.addf %get3A_12, %add3A_9 : vector<4096x128xf32>
    %mul3A = arith.constant 0.0356774069 : f32
    %mul3A_14 = vector.broadcast %mul3A : f32 to vector<4096x128xf32>
    %mul3A_15 = arith.mulf %mul3A_14, %add3A_13 : vector<4096x128xf32>
    %mul3A_16 = arith.mulf %mul3A_15, %add3A_13 : vector<4096x128xf32>
    %add3A_17 = arith.constant 0.797884583 : f32
    %add3A_18 = vector.broadcast %add3A_17 : f32 to vector<4096x128xf32>
    %add3A_19 = arith.addf %add3A_18, %mul3A_16 : vector<4096x128xf32>
    %mul3A_20 = arith.mulf %add3A_13, %add3A_19 : vector<4096x128xf32>
    %mul3A_21 = arith.constant -2.000000e+00 : f32
    %mul3A_22 = vector.broadcast %mul3A_21 : f32 to vector<4096x128xf32>
    %mul3A_23 = arith.mulf %mul3A_22, %mul3A_20 : vector<4096x128xf32>
    %exp3A = math.exp %mul3A_23 : vector<4096x128xf32>
    %add3A_24 = arith.constant 1.000000e+00 : f32
    %add3A_25 = vector.broadcast %add3A_24 : f32 to vector<4096x128xf32>
    %add3A_26 = arith.addf %add3A_25, %exp3A : vector<4096x128xf32>
    %div3A = arith.divf %add3A_13, %add3A_26 : vector<4096x128xf32>
    %get3A_27 = arith.constant 0 : index
    %get3A_28 = arith.constant 0 : index
    %get3A_29 = vector.load %arg3[%get3A_27, %get3A_28] : memref<4096x1xf32, #tpu.memory_space<vmem>>, vector<4096x1xf32>
    %mul3A_30 = vector.broadcast %get3A_29 : vector<4096x1xf32> to vector<4096x128xf32>
    %mul3A_31 = arith.mulf %div3A, %mul3A_30 : vector<4096x128xf32>
    %swap3A = arith.constant 0 : index
    %swap3A_32 = arith.constant 0 : index
    %swap3A_33 = vector.load %arg6[%swap3A, %swap3A_32] : memref<4096x128xf32, #tpu.memory_space<vmem>>, vector<4096x128xf32>
    tpu.vector_store %arg6[%swap3A, %swap3A_32], %mul3A_31 {strides = array<i32>} : memref<4096x128xf32, #tpu.memory_space<vmem>>, vector<4096x128xf32>,
    return
  }
  func.func @transform_0(%arg0: i32) -> (i32, i32) {
    %c0_i32 = arith.constant 0 : i32
    %c0_i32_0 = arith.constant 0 : i32
    return %arg0, %c0_i32 : i32, i32
  }
  func.func @transform_1(%arg0: i32) -> (i32, i32) {
    %c0_i32 = arith.constant 0 : i32
    %c0_i32_0 = arith.constant 0 : i32
    return %arg0, %c0_i32 : i32, i32
  }
  func.func @transform_2(%arg0: i32) -> (i32, i32) {
    %c0_i32 = arith.constant 0 : i32
    %c0_i32_0 = arith.constant 0 : i32
    return %arg0, %c0_i32 : i32, i32
  }
  func.func @transform_3(%arg0: i32) -> (i32, i32) {
    %c0_i32 = arith.constant 0 : i32
    %c0_i32_0 = arith.constant 0 : i32
    %c0_i32_1 = arith.constant 0 : i32
    return %c0_i32, %c0_i32_0 : i32, i32
  }
  func.func @transform_4(%arg0: i32) -> (i32, i32) {
    %c0_i32 = arith.constant 0 : i32
    %c0_i32_0 = arith.constant 0 : i32
    %c0_i32_1 = arith.constant 0 : i32
    return %c0_i32, %c0_i32_0 : i32, i32
  }
  func.func @transform_5(%arg0: i32) -> (i32, i32) {
    %c0_i32 = arith.constant 0 : i32
    %c0_i32_0 = arith.constant 0 : i32
    return %arg0, %c0_i32 : i32, i32
  }
}

module attributes {stable_mosaic.version = 14 : i64} {
  func.func @_mlp_body(%arg0: i32, %arg1: memref<1x1xf32, #tpu.memory_space<smem>>, %arg2: memref<1000x128xf32, #tpu.memory_space<vmem>>, %arg3: memref<2x1000x128xf32, #tpu.memory_space<vmem>>, %arg4: memref<2x1000x128xf32, #tpu.memory_space<vmem>>, %arg5: memref<128x128xf32, #tpu.memory_space<vmem>>, %arg6: memref<1x128xf32, #tpu.memory_space<vmem>>, %arg7: memref<128x128xf32, #tpu.memory_space<vmem>>, %arg8: memref<1x128xf32, #tpu.memory_space<vmem>>, %arg9: memref<1000x128xf32, #tpu.memory_space<vmem>>) attributes {dimension_semantics = [#tpu.dimension_semantics<arbitrary>], iteration_bounds = array<i64: 10>, scalar_prefetch = 0 : i64, scratch_operands = 0 : i64, tpu.core_type = #tpu.core_type<tc>, window_params = [{transform_indices = @transform_0, window_bounds = array<i64: 1, 1>}, {transform_indices = @transform_1, window_bounds = array<i64: 1000, 128>}, {transform_indices = @transform_2, window_bounds = array<i64: 2, 1000, 128>}, {transform_indices = @transform_3, window_bounds = array<i64: 2, 1000, 128>}, {pipeline_mode = #tpu.pipeline_mode<synchronous>, transform_indices = @transform_4, window_bounds = array<i64: 128, 128>}, {pipeline_mode = #tpu.pipeline_mode<synchronous>, transform_indices = @transform_5, window_bounds = array<i64: 1, 128>}, {pipeline_mode = #tpu.pipeline_mode<synchronous>, transform_indices = @transform_6, window_bounds = array<i64: 128, 128>}, {pipeline_mode = #tpu.pipeline_mode<synchronous>, transform_indices = @transform_7, window_bounds = array<i64: 1, 128>}, {transform_indices = @transform_8, window_bounds = array<i64: 1000, 128>}]} {
    %get3A = arith.constant 0 : index
    %get3A_0 = arith.constant 0 : index
    %get3A_1 = memref.load %arg1[%get3A, %get3A_0] : memref<1x1xf32, #tpu.memory_space<smem>>
    %get3A_2 = arith.constant 0 : index
    %get3A_3 = arith.constant 0 : index
    %get3A_4 = vector.load %arg2[%get3A_2, %get3A_3] : memref<1000x128xf32, #tpu.memory_space<vmem>>, vector<1000x128xf32>
    %mul3A = vector.broadcast %get3A_1 : f32 to vector<1000x128xf32>
    %mul3A_5 = arith.mulf %mul3A, %get3A_4 : vector<1000x128xf32>
    %get3A_6 = arith.constant 0 : index
    %get3A_7 = arith.constant 0 : index
    %get3A_8 = arith.constant 0 : index
    %get3A_9 = vector.load %arg3[%get3A_6, %get3A_7, %get3A_8] : memref<2x1000x128xf32, #tpu.memory_space<vmem>>, vector<1x1000x128xf32>
    %get3A_10 = vector.shape_cast %get3A_9 : vector<1x1000x128xf32> to vector<1000x128xf32>
    %add3A = arith.addf %mul3A_5, %get3A_10 : vector<1000x128xf32>
    %get3A_11 = arith.constant 1 : index
    %get3A_12 = arith.constant 0 : index
    %get3A_13 = arith.constant 0 : index
    %get3A_14 = vector.load %arg3[%get3A_11, %get3A_12, %get3A_13] : memref<2x1000x128xf32, #tpu.memory_space<vmem>>, vector<1x1000x128xf32>
    %get3A_15 = vector.shape_cast %get3A_14 : vector<1x1000x128xf32> to vector<1000x128xf32>
    %add3A_16 = arith.addf %add3A, %get3A_15 : vector<1000x128xf32>
    %get3A_17 = arith.constant 0 : index
    %get3A_18 = arith.constant 0 : index
    %get3A_19 = arith.constant 0 : index
    %get3A_20 = vector.load %arg4[%get3A_17, %get3A_18, %get3A_19] : memref<2x1000x128xf32, #tpu.memory_space<vmem>>, vector<1x1000x128xf32>
    %get3A_21 = vector.shape_cast %get3A_20 : vector<1x1000x128xf32> to vector<1000x128xf32>
    %add3A_22 = arith.addf %add3A_16, %get3A_21 : vector<1000x128xf32>
    %get3A_23 = arith.constant 1 : index
    %get3A_24 = arith.constant 0 : index
    %get3A_25 = arith.constant 0 : index
    %get3A_26 = vector.load %arg4[%get3A_23, %get3A_24, %get3A_25] : memref<2x1000x128xf32, #tpu.memory_space<vmem>>, vector<1x1000x128xf32>
    %get3A_27 = vector.shape_cast %get3A_26 : vector<1x1000x128xf32> to vector<1000x128xf32>
    %add3A_28 = arith.addf %add3A_22, %get3A_27 : vector<1000x128xf32>
    %get3A_29 = arith.constant 0 : index
    %get3A_30 = arith.constant 0 : index
    %get3A_31 = vector.load %arg5[%get3A_29, %get3A_30] : memref<128x128xf32, #tpu.memory_space<vmem>>, vector<128x128xf32>
    %dot_general3A = arith.constant dense<0.000000e+00> : vector<1000x128xf32>
    %dot_general3A_32 = tpu.matmul %add3A_28, %get3A_31, %dot_general3A {dimension_numbers = #tpu.dot_dimension_numbers<[1], [0], [0], [1], [0, 0, 1, 1], [], []>, transpose_lhs_hint = false} : vector<1000x128xf32>, vector<128x128xf32>, vector<1000x128xf32> -> vector<1000x128xf32>
    %get3A_33 = arith.constant 0 : index
    %get3A_34 = arith.constant 0 : index
    %get3A_35 = vector.load %arg6[%get3A_33, %get3A_34] : memref<1x128xf32, #tpu.memory_space<vmem>>, vector<1x128xf32>
    %add3A_36 = vector.broadcast %get3A_35 : vector<1x128xf32> to vector<1000x128xf32>
    %add3A_37 = arith.addf %dot_general3A_32, %add3A_36 : vector<1000x128xf32>
    %abs3A = math.absf %add3A_37 : vector<1000x128xf32>
    %mul3A_38 = arith.constant 0.707106769 : f32
    %mul3A_39 = vector.broadcast %mul3A_38 : f32 to vector<1000x128xf32>
    %mul3A_40 = arith.mulf %abs3A, %mul3A_39 : vector<1000x128xf32>
    %mul3A_41 = arith.constant 0.327591091 : f32
    %mul3A_42 = vector.broadcast %mul3A_41 : f32 to vector<1000x128xf32>
    %mul3A_43 = arith.mulf %mul3A_42, %mul3A_40 : vector<1000x128xf32>
    %add3A_44 = arith.constant 1.000000e+00 : f32
    %add3A_45 = vector.broadcast %add3A_44 : f32 to vector<1000x128xf32>
    %add3A_46 = arith.addf %add3A_45, %mul3A_43 : vector<1000x128xf32>
    %div3A = arith.constant 1.000000e+00 : f32
    %div3A_47 = vector.broadcast %div3A : f32 to vector<1000x128xf32>
    %div3A_48 = arith.divf %div3A_47, %add3A_46 : vector<1000x128xf32>
    %mul3A_49 = arith.constant 1.06140542 : f32
    %mul3A_50 = vector.broadcast %mul3A_49 : f32 to vector<1000x128xf32>
    %mul3A_51 = arith.mulf %mul3A_50, %div3A_48 : vector<1000x128xf32>
    %sub3A = arith.constant 1.45315206 : f32
    %sub3A_52 = vector.broadcast %sub3A : f32 to vector<1000x128xf32>
    %sub3A_53 = arith.subf %mul3A_51, %sub3A_52 : vector<1000x128xf32>
    %mul3A_54 = arith.mulf %sub3A_53, %div3A_48 : vector<1000x128xf32>
    %add3A_55 = arith.constant 1.42141378 : f32
    %add3A_56 = vector.broadcast %add3A_55 : f32 to vector<1000x128xf32>
    %add3A_57 = arith.addf %mul3A_54, %add3A_56 : vector<1000x128xf32>
    %mul3A_58 = arith.mulf %add3A_57, %div3A_48 : vector<1000x128xf32>
    %sub3A_59 = arith.constant 0.284496725 : f32
    %sub3A_60 = vector.broadcast %sub3A_59 : f32 to vector<1000x128xf32>
    %sub3A_61 = arith.subf %mul3A_58, %sub3A_60 : vector<1000x128xf32>
    %mul3A_62 = arith.mulf %sub3A_61, %div3A_48 : vector<1000x128xf32>
    %add3A_63 = arith.constant 0.254829586 : f32
    %add3A_64 = vector.broadcast %add3A_63 : f32 to vector<1000x128xf32>
    %add3A_65 = arith.addf %mul3A_62, %add3A_64 : vector<1000x128xf32>
    %mul3A_66 = arith.mulf %add3A_65, %div3A_48 : vector<1000x128xf32>
    %neg3A = arith.constant 0.000000e+00 : f32
    %neg3A_67 = vector.broadcast %neg3A : f32 to vector<1000x128xf32>
    %neg3A_68 = arith.subf %neg3A_67, %mul3A_40 : vector<1000x128xf32>
    %mul3A_69 = arith.mulf %neg3A_68, %mul3A_40 : vector<1000x128xf32>
    %exp3A = math.exp %mul3A_69 : vector<1000x128xf32>
    %mul3A_70 = arith.mulf %mul3A_66, %exp3A : vector<1000x128xf32>
    %sub3A_71 = arith.constant 1.000000e+00 : f32
    %sub3A_72 = vector.broadcast %sub3A_71 : f32 to vector<1000x128xf32>
    %sub3A_73 = arith.subf %sub3A_72, %mul3A_70 : vector<1000x128xf32>
    %sign3A = tpu.bitcast %add3A_37 : vector<1000x128xf32> -> vector<1000x128xi32>
    %sign3A_74 = arith.constant -2147483648 : i32
    %sign3A_75 = vector.broadcast %sign3A_74 : i32 to vector<1000x128xi32>
    %sign3A_76 = arith.andi %sign3A, %sign3A_75 : vector<1000x128xi32>
    %sign3A_77 = arith.constant 1065353216 : i32
    %sign3A_78 = vector.broadcast %sign3A_77 : i32 to vector<1000x128xi32>
    %sign3A_79 = arith.ori %sign3A_78, %sign3A_76 : vector<1000x128xi32>
    %sign3A_80 = tpu.bitcast %sign3A_79 : vector<1000x128xi32> -> vector<1000x128xf32>
    %sign3A_81 = math.absf %add3A_37 : vector<1000x128xf32>
    %sign3A_82 = arith.constant 0.000000e+00 : f32
    %sign3A_83 = vector.broadcast %sign3A_82 : f32 to vector<1000x128xf32>
    %sign3A_84 = arith.cmpf ogt, %sign3A_81, %sign3A_83 : vector<1000x128xf32>
    %sign3A_85 = arith.select %sign3A_84, %sign3A_80, %add3A_37 : vector<1000x128xi1>, vector<1000x128xf32>
    %mul3A_86 = arith.mulf %sign3A_85, %sub3A_73 : vector<1000x128xf32>
    %mul3A_87 = arith.constant 5.000000e-01 : f32
    %mul3A_88 = vector.broadcast %mul3A_87 : f32 to vector<1000x128xf32>
    %mul3A_89 = arith.mulf %mul3A_88, %add3A_37 : vector<1000x128xf32>
    %add3A_90 = arith.constant 1.000000e+00 : f32
    %add3A_91 = vector.broadcast %add3A_90 : f32 to vector<1000x128xf32>
    %add3A_92 = arith.addf %add3A_91, %mul3A_86 : vector<1000x128xf32>
    %mul3A_93 = arith.mulf %mul3A_89, %add3A_92 : vector<1000x128xf32>
    %get3A_94 = arith.constant 0 : index
    %get3A_95 = arith.constant 0 : index
    %get3A_96 = vector.load %arg7[%get3A_94, %get3A_95] : memref<128x128xf32, #tpu.memory_space<vmem>>, vector<128x128xf32>
    %dot_general3A_97 = arith.constant dense<0.000000e+00> : vector<1000x128xf32>
    %dot_general3A_98 = tpu.matmul %mul3A_93, %get3A_96, %dot_general3A_97 {dimension_numbers = #tpu.dot_dimension_numbers<[1], [0], [0], [1], [0, 0, 1, 1], [], []>, transpose_lhs_hint = false} : vector<1000x128xf32>, vector<128x128xf32>, vector<1000x128xf32> -> vector<1000x128xf32>
    %get3A_99 = arith.constant 0 : index
    %get3A_100 = arith.constant 0 : index
    %get3A_101 = vector.load %arg8[%get3A_99, %get3A_100] : memref<1x128xf32, #tpu.memory_space<vmem>>, vector<1x128xf32>
    %add3A_102 = vector.broadcast %get3A_101 : vector<1x128xf32> to vector<1000x128xf32>
    %add3A_103 = arith.addf %dot_general3A_98, %add3A_102 : vector<1000x128xf32>
    %swap3A = arith.constant 0 : index
    %swap3A_104 = arith.constant 0 : index
    %swap3A_105 = vector.load %arg9[%swap3A, %swap3A_104] : memref<1000x128xf32, #tpu.memory_space<vmem>>, vector<1000x128xf32>
    tpu.vector_store %arg9[%swap3A, %swap3A_104], %add3A_103 {strides = array<i32>} : memref<1000x128xf32, #tpu.memory_space<vmem>>, vector<1000x128xf32>,
    return
  }
  func.func @transform_0(%arg0: i32) -> (i32, i32) {
    %c0_i32 = arith.constant 0 : i32
    %c0_i32_0 = arith.constant 0 : i32
    %c0_i32_1 = arith.constant 0 : i32
    return %c0_i32, %c0_i32_0 : i32, i32
  }
  func.func @transform_1(%arg0: i32) -> (i32, i32) {
    %c0_i32 = arith.constant 0 : i32
    %c0_i32_0 = arith.constant 0 : i32
    return %arg0, %c0_i32 : i32, i32
  }
  func.func @transform_2(%arg0: i32) -> (i32, i32, i32) {
    %c0_i32 = arith.constant 0 : i32
    %c0_i32_0 = arith.constant 0 : i32
    %c0_i32_1 = arith.constant 0 : i32
    return %c0_i32, %arg0, %c0_i32_0 : i32, i32, i32
  }
  func.func @transform_3(%arg0: i32) -> (i32, i32, i32) {
    %c0_i32 = arith.constant 0 : i32
    %c0_i32_0 = arith.constant 0 : i32
    %c0_i32_1 = arith.constant 0 : i32
    return %c0_i32, %arg0, %c0_i32_0 : i32, i32, i32
  }
  func.func @transform_4(%arg0: i32) -> (i32, i32) {
    %c0_i32 = arith.constant 0 : i32
    %c0_i32_0 = arith.constant 0 : i32
    %c0_i32_1 = arith.constant 0 : i32
    return %c0_i32, %c0_i32_0 : i32, i32
  }
  func.func @transform_5(%arg0: i32) -> (i32, i32) {
    %c0_i32 = arith.constant 0 : i32
    %c0_i32_0 = arith.constant 0 : i32
    %c0_i32_1 = arith.constant 0 : i32
    return %c0_i32, %c0_i32_0 : i32, i32
  }
  func.func @transform_6(%arg0: i32) -> (i32, i32) {
    %c0_i32 = arith.constant 0 : i32
    %c0_i32_0 = arith.constant 0 : i32
    %c0_i32_1 = arith.constant 0 : i32
    return %c0_i32, %c0_i32_0 : i32, i32
  }
  func.func @transform_7(%arg0: i32) -> (i32, i32) {
    %c0_i32 = arith.constant 0 : i32
    %c0_i32_0 = arith.constant 0 : i32
    %c0_i32_1 = arith.constant 0 : i32
    return %c0_i32, %c0_i32_0 : i32, i32
  }
  func.func @transform_8(%arg0: i32) -> (i32, i32) {
    %c0_i32 = arith.constant 0 : i32
    %c0_i32_0 = arith.constant 0 : i32
    return %arg0, %c0_i32 : i32, i32
  }
}

</mosaic_0001>

<sc_bundles>
// kernel: kernel.10.cloned.1.call-start
scs
__scs_entry_jumppad:
0x0: {  	(pc) =	sbr.rel $0x88, $3  }
0x1: {  	(tag) =	ssettag $0x0;
	lr =	simm.s32 $0x1  }
0x2: {  	[smem:$0x3F96] =	sst lr;
	_ =	strace $0xD0000000  }
0x3: {  	_ = 	snop  }
0x4: {  	_ = 	snop  }
0x5: {  	_ = 	snop  }
0x6: {  	_ = 	snop  }
0x7: {  	_ = 	snop  }
__scs_overlays_trampoline_lowered:
0x8: {  	[smem:$0x3FA5] =	sst s0  }
0x9: {  	[smem:$0x3FA6] =	sst s1  }
0xa: {  	[smem:$0x3FA7] =	sst s2  }
0xb: {  	[smem:$0x3FA8] =	sst s3  }
0xc: {  	[smem:$0x3FA9] =	sst s4  }
0xd: {  	[smem:$0x3FAA] =	sst s5  }
0xe: {  	[smem:$0x3FAB] =	sst s6  }
0xf: {  	[smem:$0x3FAC] =	sst s7  }
0x10: {  	[smem:$0x3FAD] =	sst s8  }
0x11: {  	[smem:$0x3FAE] =	sst s9;
	s0 =	simm.s32 @!p0 $0x0  }
0x12: {  	s1 =	sld [smem:$0x3F94];
	s0 =	simm.s32 @p0 $0x1  }
0x13: {  	[smem:$0x3FAF] =	sst s0;
	s0 =	simm.s32 @!p1 $0x0  }
0x14: {  	s2 =	sld [smem:$0x3F93];
	s0 =	simm.s32 @p1 $0x1  }
0x15: {  	[smem:$0x3FB0] =	sst s0;
	s0 =	simm.s32 @!p2 $0x0  }
0x16: {  	s3 =	sld [smem:$0x3FDB];
	s0 =	simm.s32 @p2 $0x1  }
0x17: {  	s4 =	simm.s32 $0x1BF5;
	[smem:$0x3FB2] =	sst s0  }
0x18: {  	s0 =	sld [smem:$0x3F95];
	_ =	swait.ge [sflag:s4], $0x0  }
0x19: {  	s7 =	sld [smem:$0x3F96]  }
0x1a: {  	s8 =	sadd.s32 $0xFFFFE003, lr  }
0x1b: {  	s9 =	sadd.s32 $0xFFFFFEF7, lr;
	s5 =	simm.s32 $0xFFFFFFFF;
	p2 =	slt.u32 s8, $0xFFFFF086  }
0x1c: {  	p1 =	slt.u32 s9, $0xF7A;
	s5 =	simm.s32 @!p2 $0x0  }
0x1d: {  	s5 =	simm.s32 @p1 $0x1;
	p0 =	seq.s32 s7, s2  }
0x1e: {  	s7 =	smul.u32 @!p0 $0xF7A, s2;
	p2 =	seq.s32 @!p0 s5, $0x0  }
0x1f: {  	s9 =	smul.u32 $0xF7A, s1;
	s8 =	simm.s32 @!p0 $0x1BF5;
	p2 =	por !p2, p0  }
0x20: {  	[sflag:s8] =	ssyncset.s32 @!p0 $0xFFFFF086;
	s6 =	sadd.s32 @!p0 s3, s7;
	s7 =	simm.s32 @!p0 $0x108  }
0x21: {  	s3 =	sadd.s32 s3, s9;
	s6 =	sadd.s32 @!p0 $0x88, s6;
	s7 =	simm.s32 @p2 $0x1082  }
0x22: {  	[simem:s7], [sflag:s8] =	dma.local @!p0 [hbm:s6], $0xF7A  }
0x23: {  	s9 =	sor.u32 $0xD0000000, s2;
	s6 =	simm.s32 $0x108;
	_ =	swait.ge @!p0 [sflag:s8], $0x0  }
0x24: {  	s3 =	sadd.s32 $0x88, s3;
	s6 =	simm.s32 @!p1 $0x1082;
	[sflag:s4] =	ssyncset.s32 $0xFFFFF086  }
0x25: {  	[simem:s6], [sflag:s4] =	dma.local [hbm:s3], $0xF7A  }
0x26: {  	[smem:$0x3F96] =	sst s1;
	(tag) =	ssettag s2;
	_ =	strace s9  }
0x27: {  	s1 =	sld [smem:$0x3FA6]  }
0x28: {  	s2 =	sld [smem:$0x3FA7]  }
0x29: {  	s4 =	sld [smem:$0x3FA9]  }
0x2a: {  	p0 =	seq.s32 s5, $0x0;
	s5 =	sld [smem:$0x3FAA]  }
0x2b: {  	s6 =	sld [smem:$0x3FAB]  }
0x2c: {  	s7 =	sld [smem:$0x3FAC]  }
0x2d: {  	s3 =	simm.s32 $0x108;
	s8 =	sld [smem:$0x3FAD]  }
0x2e: {  	s3 =	simm.s32 @!p0 $0x1082;
	s9 =	sld [smem:$0x3FAE]  }
0x2f: {  	lr =	sadd.s32 s0, s3;
	s0 =	sld [smem:$0x3FA5]  }
0x30: {  	s3 =	sld [smem:$0x3FA8]  }
0x31: {  	[smem:$0x3FB1] =	sst s10  }
0x32: {  	s10 =	sld [smem:$0x3FAF];
	_ =	sdelay $0x3  }
0x33: {  	p0 =	seq.s32 s10, $0x1;
	s10 =	sld [smem:$0x3FB1];
	_ =	sdelay $0x3  }
0x34: {  	[smem:$0x3FB1] =	sst s10  }
0x35: {  	s10 =	sld [smem:$0x3FB0];
	_ =	sdelay $0x3  }
0x36: {  	p1 =	seq.s32 s10, $0x1;
	s10 =	sld [smem:$0x3FB1];
	_ =	sdelay $0x3  }
0x37: {  	[smem:$0x3FB1] =	sst s10  }
0x38: {  	s10 =	sld [smem:$0x3FB2]  }
0x39: {  	_ = 	snop;
	(pc) =	sbr.ind lr, $3  }
0x3a: {  	_ = 	snop  }
0x3b: {  	_ = 	snop  }
0x3c: {  	p2 =	seq.s32 s10, $0x1;
	s10 =	sld [smem:$0x3FB1]  }
0x3d: {  	_ =	shalt  }
0x3e: {  	_ =	shalt  }
0x3f: {  	_ =	shalt  }
0x40: {  	_ =	shalt  }
0x41: {  	_ =	shalt  }
0x42: {  	_ =	shalt  }
0x43: {  	_ =	shalt  }
0x44: {  	_ =	shalt  }
0x45: {  	_ =	shalt  }
0x46: {  	_ =	shalt  }
0x47: {  	_ =	shalt  }
0x48: {  	_ =	shalt  }
0x49: {  	_ =	shalt  }
0x4a: {  	_ =	shalt  }
0x4b: {  	_ =	shalt  }
0x4c: {  	_ =	shalt  }
0x4d: {  	_ =	shalt  }
0x4e: {  	_ =	shalt  }
0x4f: {  	_ =	shalt  }
0x50: {  	_ =	shalt  }
0x51: {  	_ =	shalt  }
0x52: {  	_ =	shalt  }
0x53: {  	_ =	shalt  }
0x54: {  	_ =	shalt  }
0x55: {  	_ =	shalt  }
0x56: {  	_ =	shalt  }
0x57: {  	_ =	shalt  }
0x58: {  	_ =	shalt  }
0x59: {  	_ =	shalt  }
0x5a: {  	_ =	shalt  }
0x5b: {  	_ =	shalt  }
0x5c: {  	_ =	shalt  }
0x5d: {  	_ =	shalt  }
0x5e: {  	_ =	shalt  }
0x5f: {  	_ =	shalt  }
0x60: {  	_ =	shalt  }
0x61: {  	_ =	shalt  }
0x62: {  	_ =	shalt  }
0x63: {  	_ =	shalt  }
0x64: {  	_ =	shalt  }
0x65: {  	_ =	shalt  }
0x66: {  	_ =	shalt  }
0x67: {  	_ =	shalt  }
0x68: {  	_ =	shalt  }
0x69: {  	_ =	shalt  }
0x6a: {  	_ =	shalt  }
0x6b: {  	_ =	shalt  }
0x6c: {  	_ =	shalt  }
0x6d: {  	_ =	shalt  }
0x6e: {  	_ =	shalt  }
0x6f: {  	_ =	shalt  }
0x70: {  	_ =	shalt  }
0x71: {  	_ =	shalt  }
0x72: {  	_ =	shalt  }
0x73: {  	_ =	shalt  }
0x74: {  	_ =	shalt  }
0x75: {  	_ =	shalt  }
0x76: {  	_ =	shalt  }
0x77: {  	_ =	shalt  }
0x78: {  	_ =	shalt  }
0x79: {  	_ =	shalt  }
0x7a: {  	_ =	shalt  }
0x7b: {  	_ =	shalt  }
0x7c: {  	_ =	shalt  }
0x7d: {  	_ =	shalt  }
0x7e: {  	_ =	shalt  }
0x7f: {  	_ =	shalt  }
0x80: {  	_ =	shalt  }
0x81: {  	_ =	shalt  }
0x82: {  	_ =	shalt  }
0x83: {  	_ =	shalt  }
0x84: {  	_ =	shalt  }
0x85: {  	_ =	shalt  }
0x86: {  	_ =	shalt  }
0x87: {  	_ =	shalt  }
.Lfunc_end0:
.L_simem_size_0:
called_computation_lowered:
.L_overlay_start_0:
0x88: {  	s2 =	sld [smem:$0x3FD9]  }
0x89: {  	s3 =	sld [smem:$0x3FFE];
	_ =	sdelay $0x1  }
0x8a: {  	s1 =	srdreg.scid  }
0x8b: {  	s0 =	sand.u32 $0x1, s1  }
0x8c: {  	s17 =	sshll.u32 s0, $0xA;
	s2 =	sadd.s32 s3, s2  }
0x8d: {  	s2 =	sadd.s32 s2, s17  }
0x8e: {  	[smem:$0x3FBD] =	sst s2  }
0x8f: {  	_ = 	snop  }
0x90: {  	s2 =	sld [smem:$0x3FC9];
	(tm) =	ssettm $0x1  }
0x91: {  	s18 =	sld [smem:$0x3FFB];
	_ =	sdelay $0x3  }
0x92: {  	_ =	strace s18  }
0x93: {  	s3 =	sld [smem:$0x3FFC];
	_ =	sdelay $0x3  }
0x94: {  	_ =	strace s3  }
0x95: {  	s3 =	sld [smem:$0x3FFD];
	_ =	sdelay $0x3  }
0x96: {  	_ =	strace s3  }
0x97: {  	_ =	strace $0x8FFFFFFF  }
0x98: {  	s19 =	sld [smem:$0x3FDB];
	_ =	sdelay $0x1  }
0x99: {  	s4 =	simm.s32 $_scs_section_size  }
0x9a: {  	s5 =	simm.s32 $_size__tile_overlayer_lowered;
	s6 =	simm.s32 $_tile_overlayer_lowered  }
0x9b: {  	s22 =	simm.s32 $0x1BFF;
	s21 =	sshll.u32 s6, $0x1;
	s3 =	sadd.s32 s4, s19  }
0x9c: {  	s7 =	simm.s32 $0x0;
	s20 =	sshll.u32 s5, $0x1;
	s5 =	sadd.s32 s21, s3  }
0x9d: {  	[timem:s7], [sflag:s22] =	dma.local [hbm:s5], s20  }
0x9e: {  	_ =	swait.ge [sflag:s22], s20  }
0x9f: {  	s4 =	ssub.s32 $0x0, s20;
	[sflag:s22] =	ssyncset.done $0x0  }
0xa0: {  	[sflag:s22] =	ssyncadd.s32 s4;
	_ =	sdelay $0x1  }
0xa1: {  	s23 =	simm.s32 $0x1B8B  }
0xa2: {  	_ =	swait.ge [sflag:s23], $0x1  }
0xa3: {  	[sflag:s23] =	ssyncset.done $0x0  }
0xa4: {  	s25 =	simm.s32 $0x1B8E;
	s24 =	sld [smem:$0x3FFE];
	[sflag:s23] =	ssyncadd.s32 $0xFFFFFFFF  }
0xa5: {  	s26 =	simm.s32 $execute0_lowered;
	[smem:$0x3FD2] =	sst s25  }
0xa6: {  	s5 =	sshll.u32 s26, $0x1;
	_ =	strace $0x80000046;
	[dreg:$0x1] =	wrdreg $0xFFFFFFFF  }
0xa7: {  	s28 =	simm.s32 $_size_execute0_lowered;
	s3 =	sadd.s32 s3, s5;
	[dreg:$0x0] =	wrdreg $0x0  }
0xa8: {  	s5 =	sshll.u32 s28, $0x1;
	[dreg:$0x2] =	wrdreg s3  }
0xa9: {  	[dreg:$0x3] =	wrdreg s5  }
0xaa: {  	[dreg:$0x4] =	wrdreg $0xC0  }
0xab: {  	_ =	task [dreg:s7], $0x5FFFF  }
0xac: {  	[dreg:$0x1] =	wrdreg $0xFFFFFFFF  }
0xad: {  	[dreg:$0x0] =	wrdreg $0x60  }
0xae: {  	[dreg:$0x2] =	wrdreg s2  }
0xaf: {  	[dreg:$0x3] =	wrdreg s24  }
0xb0: {  	[dreg:$0x4] =	wrdreg $0x94000  }
0xb1: {  	[dreg:$0x5] =	wrdreg $0xA  }
0xb2: {  	_ =	task.clear_ibuf [dreg:s7], $0x6FFFF;
	_ =	strace $0x90000046  }
0xb3: {  	s29 =	simm.s32 $0xA;
	_ =	strace $0x80000048  }
0xb4: {  	_ =	swait.ge [sflag:s29], $0x1  }
0xb5: {  	[sflag:s29] =	ssyncadd.s32 $0xFFFFFFFF  }
0xb6: {  	_ =	strace $0x90000048  }
0xb7: {  	_ =	sfence  }
0xb8: {  	s30 =	sld [smem:$0x0];
	_ =	sdelay $0x2  }
0xb9: {  	s31 =	sshll.u32 s1, $0xD;
	s1 =	sshrl.u32 s1, $0x2  }
0xba: {  	s3 =	sand.u32 $0x4000, s31;
	s1 =	sadd.s32 s1, s30  }
0xbb: {  	s0 =	sor.u32 s3, s0;
	s1 =	sshll.u32 s1, $0x11  }
0xbc: {  	s0 =	sor.u32 s1, s0  }
0xbd: {  	s0 =	sadd.s32 $0x8F2B, s0  }
0xbe: {  	[sflag:s0] =	ssyncadd.remote.s32 $0x1  }
0xbf: {  	_ =	sfence.sel $0xFFFF  }
0xc0: {  	[dreg:$0x0] =	wrdreg $0xFFFFFFFF;
	(pc) =	sbr.abs _section_cstart, $3  }
0xc1: {  	[dreg:$0x1] =	wrdreg $0xFFFFFFFF  }
0xc2: {  	_ =	task.clear_ibuf [dreg:s7], $0x2FFFF;
	_ =	strace $0x9FFFFFFF  }
0xc3: {  	(tm) =	ssettm $0x7FFFFFFF  }
tec
execute0_lowered:
.L_overlay_start_1:
0x0: {  	(tag) =	ssettag $0x1  }
0x1: {  	s5 =	rddreg [dreg:$0x0]  }
0x2: {  	s4 =	rddreg [dreg:$0x1];
	s1 =	srdreg.scid  }
0x3: {  	s0 =	stileid.u32;
	s2 =	rddreg [dreg:$0x2];
	s3 =	simm.s32 $0x0  }
0x4: {  	s16 =	simm.s32 $0x80;
	s17 =	simm.s32 $0x1400;
	s18 =	simm.s32 $0x1  }
0x5: {  	s19 =	simm.s32 $0x5400;
	s20 =	simm.s32 $0x2;
	s21 =	simm.s32 $0x3  }
0x6: {  	s22 =	simm.s32 $0x100;
	s23 =	simm.s32 $0x4;
	s8 =	smul.u32 $0x4F000, s0  }
0x7: {  	s24 =	simm.s32 $0x0;
	s9 =	sand.u32 $0x1, s1;
	s12 =	smul.u32 $0x2780, s0  }
0x8: {  	s6 =	sshll.u32 s0, $0x1;
	s1 =	rddreg [dreg:$0x3];
	s26 =	smul.u32 $0x50, s0  }
0x9: {  	[smem:$0x7FF] =	sst s3;
	s10 =	sadd.s32 $0x8400, s4;
	s29 =	smul.u32 $0x28000, s0  }
0xa: {  	p0 =	seq.s32 s0, $0xF;
	s7 =	sor.u32 s9, s6;
	s13 =	smul.u32 $0x28, s9  }
0xb: {  	_ =	strace $0x80000047;
	s25 =	ssub.s32 $0x2, s9;
	s30 =	smul.u32 $0x14000, s9  }
0xc: {  	s6 =	smul.u32 $0x280, s7;
	s11 =	sshrl.u32 s25, $0x1;
	s8 =	sshrl.u32 s8, $0x2  }
0xd: {  	s15 =	smul.u32 $0x14000, s7;
	s11 =	ssub.s32 s25, s11;
	s14 =	sadd.s32 s8, s2  }
0xe: {  	s28 =	sadd.s32 s13, s26;
	s13 =	sadd.s32 s29, s10;
	s6 =	sadd.s32 s6, s4  }
0xf: {  	s4 =	sadd.s32 s5, s12;
	s12 =	sadd.s32 $0x128400, s2;
	s5 =	sadd.s32 $0x25080, s5  }
.Ltmp0:
0x10: {  	s7 =	smax.u32 s11, $0x1;
	s8 =	sadd.s32 s10, s15;
	(pc) =	sbr.rel .LBB2_1-.Ltmp0, $4  }
0x11: {  	s11 =	sshll.u32 s28, $0xB;
	s31 =	sadd.s32 s30, s13;
	s13 =	sshll.u32 @!p0 s0, $0x6  }
0x12: {  	s14 =	sshrl.u32 @!p0 s14, $0x3;
	s15 =	simm.s32 $0x5;
	s6 =	sadd.s32 $0x3400, s6  }
0x13: {  	s9 =	sadd.s32 $0x800, s8;
	s11 =	sadd.s32 s11, s10;
	s12 =	sshrl.u32 @p0 s12, $0x3  }
0x14: {  	s13 =	sor.u32 @!p0 $0x1C05, s13;
	s10 =	sadd.s32 $0x1800, s11;
	s11 =	sadd.s32 $0x1000, s31  }
.LBB2_4:
0x15: {  	s24 =	sadd.s32 $0x1, s24  }
0x16: {  	p1 =	sne.s32 s24, s7  }
.Ltmp1:
0x17: {  	_ = 	snop;
	(pc) =	sbr.rel @!p1 .LBB2_5-.Ltmp1, $4  }
0x18: {  	_ = 	snop  }
0x19: {  	_ =	swait.ge [sflag:s23], $0x4000  }
0x1a: {  	[sflag:s23] =	ssyncset.done $0x0  }
0x1b: {  	[sflag:s23] =	ssyncadd.s32 $0xFFFFC000  }
.LBB2_1:
0x1c: {  	s25 =	simm.s32 @p0 $0x1FC5  }
0x1d: {  	[spmem:s12], [sflag:s25] =	dma.local @p0 [hbm:s5], $0x2080  }
0x1e: {  	s25 =	simm.s32 @p0 $0x5  }
0x1f: {  	_ =	swait.ge @p0 [sflag:s25], $0x2080  }
0x20: {  	[sflag:s25] =	ssyncset.done @p0 $0x0  }
0x21: {  	[sflag:s25] =	ssyncadd.s32 @p0 $0xFFFFDF80;
	s25 =	simm.s32 @!p0 $0x5  }
0x22: {  	[spmem:s14], [sflag:s13] =	dma.local @!p0 [hbm:s4], $0x2780  }
0x23: {  	_ =	swait.ge @!p0 [sflag:s25], $0x2780  }
0x24: {  	[sflag:s25] =	ssyncset.done @!p0 $0x0  }
0x25: {  	[sflag:s25] =	ssyncadd.s32 @!p0 $0xFFFFD880  }
0x26: {  	[tilespmem:s3], [sflag:$0x5] =	stream.linear.gather [hbm4b:s6+s3], $0x1400, $0x38;
	[tilespmem:$0x1CC80] =	vst v63  }
0x27: {  	_ =	swait.ge [sflag:s15], $0x1400  }
0x28: {  	[sflag:s15] =	ssyncset.done $0x0  }
0x29: {  	[sflag:s15] =	ssyncadd.s32 $0xFFFFEC00  }
0x2a: {  	[bflag:$0x0] =	sbarrier.arrive $0xFFFF  }
0x2b: {  	[tilespmem:s17], [sflag:$0x1] =	stream.indirect.gather [spmem:s2], $0x80, s3, s16, $0xb8;
	[tilespmem:$0x1CC80] =	vst v63  }
0x2c: {  	_ =	swait.ge [sflag:s18], $0x4000  }
0x2d: {  	[sflag:s18] =	ssyncset.done $0x0  }
0x2e: {  	[sflag:s18] =	ssyncadd.s32 $0xFFFFC000  }
0x2f: {  	[hbm4b:s8+s3] =	stream.linear.scatter [tilespmem:s17], [sflag:$0x3], $0x4000, $0x38;
	[tilespmem:$0x1CC80] =	vst v63  }
0x30: {  	_ = 	snop  }
0x31: {  	[tilespmem:s19], [sflag:$0x2] =	stream.indirect.gather [spmem:s2], $0x80, s16, s16, $0xb8;
	[tilespmem:$0x1CC80] =	vst v63  }
0x32: {  	_ =	swait.ge [sflag:s20], $0x4000  }
0x33: {  	[sflag:s20] =	ssyncset.done $0x0  }
0x34: {  	[sflag:s20] =	ssyncadd.s32 $0xFFFFC000  }
0x35: {  	[hbm4b:s9+s3] =	stream.linear.scatter [tilespmem:s19], [sflag:$0x4], $0x4000, $0x38;
	[tilespmem:$0x1CC80] =	vst v63  }
0x36: {  	_ =	swait.ge [sflag:s21], $0x4000  }
0x37: {  	[sflag:s21] =	ssyncset.done $0x0  }
0x38: {  	s26 =	simm.s32 $0x0;
	s25 =	simm.s32 $0x200;
	[sflag:s21] =	ssyncadd.s32 $0xFFFFC000  }
0x39: {  	[tilespmem:s17], [sflag:$0x1] =	stream.indirect.gather [spmem:s2], $0x80, s22, s16, $0xb8;
	[tilespmem:$0x1CC80] =	vst v63  }
.LBB2_2:
0x3a: {  	_ =	swait.ge [sflag:s18], $0x4000  }
0x3b: {  	[sflag:s18] =	ssyncset.done $0x0  }
0x3c: {  	s28 =	sadd.s32 s26, s11;
	[sflag:s18] =	ssyncadd.s32 $0xFFFFC000  }
0x3d: {  	[hbm4b:s28+s3] =	stream.linear.scatter [tilespmem:s17], [sflag:$0x3], $0x4000, $0x38;
	[tilespmem:$0x1CC80] =	vst v63  }
0x3e: {  	_ =	swait.ge [sflag:s23], $0x4000  }
0x3f: {  	[sflag:s23] =	ssyncset.done $0x0  }
0x40: {  	s30 =	sadd.s32 $0xFFFFFF80, s25;
	[sflag:s23] =	ssyncadd.s32 $0xFFFFC000  }
0x41: {  	[tilespmem:s19], [sflag:$0x2] =	stream.indirect.gather [spmem:s2], $0x80, s30, s16, $0xb8;
	[tilespmem:$0x1CC80] =	vst v63  }
0x42: {  	_ =	swait.ge [sflag:s20], $0x4000  }
0x43: {  	p1 =	seq.s32 s26, $0x12000;
	[sflag:s20] =	ssyncset.done $0x0  }
.Ltmp2:
0x44: {  	s31 =	sadd.s32 s26, s10;
	[sflag:s20] =	ssyncadd.s32 $0xFFFFC000;
	(pc) =	sbr.rel @p1 .LBB2_4-.Ltmp2, $4  }
0x45: {  	[hbm4b:s31+s3] =	stream.linear.scatter [tilespmem:s19], [sflag:$0x4], $0x4000, $0x38;
	[tilespmem:$0x1CC80] =	vst v63  }
0x46: {  	_ =	swait.ge [sflag:s21], $0x4000  }
0x47: {  	[sflag:s21] =	ssyncset.done $0x0  }
0x48: {  	[sflag:s21] =	ssyncadd.s32 $0xFFFFC000  }
.Ltmp3:
0x49: {  	(pc) =	sbr.rel .LBB2_2-.Ltmp3, $3  }
0x4a: {  	_ =	sdelay $0x1  }
0x4b: {  	[tilespmem:s17], [sflag:$0x1] =	stream.indirect.gather [spmem:s2], $0x80, s25, s16, $0xb8;
	[tilespmem:$0x1CC80] =	vst v63  }
0x4c: {  	s25 =	sadd.s32 $0x100, s25;
	s26 =	sadd.s32 $0x1000, s26  }
.LBB2_5:
0x4d: {  	_ =	sfence.sel $0x180000  }
0x4e: {  	[bflag:$0x0] =	sbarrier.arrive $0xFFFF  }
0x4f: {  	p0 =	sne.s32 s0, $0x0;
	_ =	strace $0x90000047  }
0x50: {  	s0 =	sadd.s32 @!p0 $0x100000, s1;
	[bflag:$0x2] =	sbarrier.arrive $0xFFFF  }
0x51: {  	[sflag:s0] =	ssyncadd.tile.s32 @!p0 $0x1;
	_ =	shalt  }
.Lfunc_end2:
_tile_overlayer_lowered:
.L_overlay_start_2:
0x52: {  	(tag) =	ssettag $0x2  }
0x53: {  	s0 =	rddreg [dreg:$0x0];
	s2 =	stileid.u32  }
0x54: {  	s1 =	rddreg [dreg:$0x1];
	p0 =	sne.s32 s2, $0x0  }
0x55: {  	s3 =	rddreg [dreg:$0x2];
	[bflag:$0x3] =	sbarrier.arrive $0xFFFF;
	s2 =	simm.s32 @!p0 $0x1C05  }
0x56: {  	[timem:s3], [sflag:s2] =	dma.local @!p0 [hbm:s0], s1  }
0x57: {  	s0 =	simm.s32 @!p0 $0x5  }
0x58: {  	_ =	swait.ge @!p0 [sflag:s0], s1  }
0x59: {  	s1 =	ssub.s32 @!p0 $0x0, s1;
	[sflag:s0] =	ssyncset.done @!p0 $0x0  }
0x5a: {  	[sflag:s0] =	ssyncadd.s32 @!p0 s1  }
0x5b: {  	[bflag:$0x3] =	sbarrier.arrive $0xFFFF  }
0x5c: {  	_ =	shalt  }

// kernel: kernel.13.cloned.1.call-start
scs
__scs_entry_jumppad:
0x0: {  	(pc) =	sbr.rel $0x88, $3  }
0x1: {  	(tag) =	ssettag $0x0;
	lr =	simm.s32 $0x1  }
0x2: {  	[smem:$0x3F96] =	sst lr;
	_ =	strace $0xD0000000  }
0x3: {  	_ = 	snop  }
0x4: {  	_ = 	snop  }
0x5: {  	_ = 	snop  }
0x6: {  	_ = 	snop  }
0x7: {  	_ = 	snop  }
__scs_overlays_trampoline_lowered:
0x8: {  	[smem:$0x3FA5] =	sst s0  }
0x9: {  	[smem:$0x3FA6] =	sst s1  }
0xa: {  	[smem:$0x3FA7] =	sst s2  }
0xb: {  	[smem:$0x3FA8] =	sst s3  }
0xc: {  	[smem:$0x3FA9] =	sst s4  }
0xd: {  	[smem:$0x3FAA] =	sst s5  }
0xe: {  	[smem:$0x3FAB] =	sst s6  }
0xf: {  	[smem:$0x3FAC] =	sst s7  }
0x10: {  	[smem:$0x3FAD] =	sst s8  }
0x11: {  	[smem:$0x3FAE] =	sst s9;
	s0 =	simm.s32 @!p0 $0x0  }
0x12: {  	s1 =	sld [smem:$0x3F94];
	s0 =	simm.s32 @p0 $0x1  }
0x13: {  	[smem:$0x3FAF] =	sst s0;
	s0 =	simm.s32 @!p1 $0x0  }
0x14: {  	s2 =	sld [smem:$0x3F93];
	s0 =	simm.s32 @p1 $0x1  }
0x15: {  	[smem:$0x3FB0] =	sst s0;
	s0 =	simm.s32 @!p2 $0x0  }
0x16: {  	s3 =	sld [smem:$0x3FDB];
	s0 =	simm.s32 @p2 $0x1  }
0x17: {  	s4 =	simm.s32 $0x1BF5;
	[smem:$0x3FB2] =	sst s0  }
0x18: {  	s0 =	sld [smem:$0x3F95];
	_ =	swait.ge [sflag:s4], $0x0  }
0x19: {  	s7 =	sld [smem:$0x3F96]  }
0x1a: {  	s8 =	sadd.s32 $0xFFFFE003, lr  }
0x1b: {  	s9 =	sadd.s32 $0xFFFFFEF7, lr;
	s5 =	simm.s32 $0xFFFFFFFF;
	p2 =	slt.u32 s8, $0xFFFFF086  }
0x1c: {  	p1 =	slt.u32 s9, $0xF7A;
	s5 =	simm.s32 @!p2 $0x0  }
0x1d: {  	s5 =	simm.s32 @p1 $0x1;
	p0 =	seq.s32 s7, s2  }
0x1e: {  	s7 =	smul.u32 @!p0 $0xF7A, s2;
	p2 =	seq.s32 @!p0 s5, $0x0  }
0x1f: {  	s9 =	smul.u32 $0xF7A, s1;
	s8 =	simm.s32 @!p0 $0x1BF5;
	p2 =	por !p2, p0  }
0x20: {  	[sflag:s8] =	ssyncset.s32 @!p0 $0xFFFFF086;
	s6 =	sadd.s32 @!p0 s3, s7;
	s7 =	simm.s32 @!p0 $0x108  }
0x21: {  	s3 =	sadd.s32 s3, s9;
	s6 =	sadd.s32 @!p0 $0x88, s6;
	s7 =	simm.s32 @p2 $0x1082  }
0x22: {  	[simem:s7], [sflag:s8] =	dma.local @!p0 [hbm:s6], $0xF7A  }
0x23: {  	s9 =	sor.u32 $0xD0000000, s2;
	s6 =	simm.s32 $0x108;
	_ =	swait.ge @!p0 [sflag:s8], $0x0  }
0x24: {  	s3 =	sadd.s32 $0x88, s3;
	s6 =	simm.s32 @!p1 $0x1082;
	[sflag:s4] =	ssyncset.s32 $0xFFFFF086  }
0x25: {  	[simem:s6], [sflag:s4] =	dma.local [hbm:s3], $0xF7A  }
0x26: {  	[smem:$0x3F96] =	sst s1;
	(tag) =	ssettag s2;
	_ =	strace s9  }
0x27: {  	s1 =	sld [smem:$0x3FA6]  }
0x28: {  	s2 =	sld [smem:$0x3FA7]  }
0x29: {  	s4 =	sld [smem:$0x3FA9]  }
0x2a: {  	p0 =	seq.s32 s5, $0x0;
	s5 =	sld [smem:$0x3FAA]  }
0x2b: {  	s6 =	sld [smem:$0x3FAB]  }
0x2c: {  	s7 =	sld [smem:$0x3FAC]  }
0x2d: {  	s3 =	simm.s32 $0x108;
	s8 =	sld [smem:$0x3FAD]  }
0x2e: {  	s3 =	simm.s32 @!p0 $0x1082;
	s9 =	sld [smem:$0x3FAE]  }
0x2f: {  	lr =	sadd.s32 s0, s3;
	s0 =	sld [smem:$0x3FA5]  }
0x30: {  	s3 =	sld [smem:$0x3FA8]  }
0x31: {  	[smem:$0x3FB1] =	sst s10  }
0x32: {  	s10 =	sld [smem:$0x3FAF];
	_ =	sdelay $0x3  }
0x33: {  	p0 =	seq.s32 s10, $0x1;
	s10 =	sld [smem:$0x3FB1];
	_ =	sdelay $0x3  }
0x34: {  	[smem:$0x3FB1] =	sst s10  }
0x35: {  	s10 =	sld [smem:$0x3FB0];
	_ =	sdelay $0x3  }
0x36: {  	p1 =	seq.s32 s10, $0x1;
	s10 =	sld [smem:$0x3FB1];
	_ =	sdelay $0x3  }
0x37: {  	[smem:$0x3FB1] =	sst s10  }
0x38: {  	s10 =	sld [smem:$0x3FB2]  }
0x39: {  	_ = 	snop;
	(pc) =	sbr.ind lr, $3  }
0x3a: {  	_ = 	snop  }
0x3b: {  	_ = 	snop  }
0x3c: {  	p2 =	seq.s32 s10, $0x1;
	s10 =	sld [smem:$0x3FB1]  }
0x3d: {  	_ =	shalt  }
0x3e: {  	_ =	shalt  }
0x3f: {  	_ =	shalt  }
0x40: {  	_ =	shalt  }
0x41: {  	_ =	shalt  }
0x42: {  	_ =	shalt  }
0x43: {  	_ =	shalt  }
0x44: {  	_ =	shalt  }
0x45: {  	_ =	shalt  }
0x46: {  	_ =	shalt  }
0x47: {  	_ =	shalt  }
0x48: {  	_ =	shalt  }
0x49: {  	_ =	shalt  }
0x4a: {  	_ =	shalt  }
0x4b: {  	_ =	shalt  }
0x4c: {  	_ =	shalt  }
0x4d: {  	_ =	shalt  }
0x4e: {  	_ =	shalt  }
0x4f: {  	_ =	shalt  }
0x50: {  	_ =	shalt  }
0x51: {  	_ =	shalt  }
0x52: {  	_ =	shalt  }
0x53: {  	_ =	shalt  }
0x54: {  	_ =	shalt  }
0x55: {  	_ =	shalt  }
0x56: {  	_ =	shalt  }
0x57: {  	_ =	shalt  }
0x58: {  	_ =	shalt  }
0x59: {  	_ =	shalt  }
0x5a: {  	_ =	shalt  }
0x5b: {  	_ =	shalt  }
0x5c: {  	_ =	shalt  }
0x5d: {  	_ =	shalt  }
0x5e: {  	_ =	shalt  }
0x5f: {  	_ =	shalt  }
0x60: {  	_ =	shalt  }
0x61: {  	_ =	shalt  }
0x62: {  	_ =	shalt  }
0x63: {  	_ =	shalt  }
0x64: {  	_ =	shalt  }
0x65: {  	_ =	shalt  }
0x66: {  	_ =	shalt  }
0x67: {  	_ =	shalt  }
0x68: {  	_ =	shalt  }
0x69: {  	_ =	shalt  }
0x6a: {  	_ =	shalt  }
0x6b: {  	_ =	shalt  }
0x6c: {  	_ =	shalt  }
0x6d: {  	_ =	shalt  }
0x6e: {  	_ =	shalt  }
0x6f: {  	_ =	shalt  }
0x70: {  	_ =	shalt  }
0x71: {  	_ =	shalt  }
0x72: {  	_ =	shalt  }
0x73: {  	_ =	shalt  }
0x74: {  	_ =	shalt  }
0x75: {  	_ =	shalt  }
0x76: {  	_ =	shalt  }
0x77: {  	_ =	shalt  }
0x78: {  	_ =	shalt  }
0x79: {  	_ =	shalt  }
0x7a: {  	_ =	shalt  }
0x7b: {  	_ =	shalt  }
0x7c: {  	_ =	shalt  }
0x7d: {  	_ =	shalt  }
0x7e: {  	_ =	shalt  }
0x7f: {  	_ =	shalt  }
0x80: {  	_ =	shalt  }
0x81: {  	_ =	shalt  }
0x82: {  	_ =	shalt  }
0x83: {  	_ =	shalt  }
0x84: {  	_ =	shalt  }
0x85: {  	_ =	shalt  }
0x86: {  	_ =	shalt  }
0x87: {  	_ =	shalt  }
.Lfunc_end0:
.L_simem_size_0:
called_computation.1_lowered:
.L_overlay_start_0:
0x88: {  	s2 =	sld [smem:$0x3FD9]  }
0x89: {  	s3 =	sld [smem:$0x3FFE];
	_ =	sdelay $0x1  }
0x8a: {  	s1 =	srdreg.scid  }
0x8b: {  	s0 =	sand.u32 $0x1, s1  }
0x8c: {  	s17 =	sshll.u32 s0, $0xA;
	s2 =	sadd.s32 s3, s2  }
0x8d: {  	s2 =	sadd.s32 s2, s17  }
0x8e: {  	[smem:$0x3FBD] =	sst s2  }
0x8f: {  	_ = 	snop  }
0x90: {  	s18 =	sld [smem:$0x3FC9];
	(tm) =	ssettm $0x1  }
0x91: {  	s19 =	sld [smem:$0x3FFB];
	_ =	sdelay $0x3  }
0x92: {  	_ =	strace s19  }
0x93: {  	s2 =	sld [smem:$0x3FFC];
	_ =	sdelay $0x3  }
0x94: {  	_ =	strace s2  }
0x95: {  	s2 =	sld [smem:$0x3FFD];
	_ =	sdelay $0x3  }
0x96: {  	_ =	strace s2  }
0x97: {  	_ =	strace $0x8FFFFFFF  }
0x98: {  	s20 =	sld [smem:$0x3FDB];
	_ =	sdelay $0x1  }
0x99: {  	s4 =	simm.s32 $_scs_section_size  }
0x9a: {  	s5 =	simm.s32 $_size__tile_overlayer_lowered;
	s6 =	simm.s32 $_tile_overlayer_lowered  }
0x9b: {  	s7 =	simm.s32 $0x1BFF;
	s21 =	sshll.u32 s6, $0x1;
	s4 =	sadd.s32 s4, s20  }
0x9c: {  	s22 =	simm.s32 $0x0;
	s5 =	sshll.u32 s5, $0x1;
	s6 =	sadd.s32 s21, s4  }
0x9d: {  	[timem:s22], [sflag:s7] =	dma.local [hbm:s6], s5  }
0x9e: {  	_ =	swait.ge [sflag:s7], s5  }
0x9f: {  	s5 =	ssub.s32 $0x0, s5;
	[sflag:s7] =	ssyncset.done $0x0  }
0xa0: {  	[sflag:s7] =	ssyncadd.s32 s5;
	_ =	sdelay $0x1  }
0xa1: {  	s23 =	simm.s32 $0x1B8B  }
0xa2: {  	_ =	swait.ge [sflag:s23], $0x1  }
0xa3: {  	[sflag:s23] =	ssyncset.done $0x0  }
0xa4: {  	[sflag:s23] =	ssyncadd.s32 $0xFFFFFFFF  }
0xa5: {  	s5 =	sld [smem:$0x0]  }
0xa6: {  	s6 =	sand.u32 $0xFFFFFFFE, s1  }
0xa7: {  	p0 =	sne.s32 s1, s6  }
0xa8: {  	s6 =	sshll.u32 @p0 s6, $0xE  }
0xa9: {  	s6 =	sadd.s32 @p0 $0x11B8D, s6;
	s7 =	sshll.u32 @p0 s5, $0x11  }
0xaa: {  	s6 =	sor.u32 @p0 s7, s6  }
0xab: {  	[sflag:s6] =	ssyncadd.remote.s32 @p0 $0x1;
	_ =	sdelay $0x1  }
0xac: {  	s6 =	simm.s32 @p0 $0x1B8D  }
0xad: {  	_ =	swait.eq @p0 [sflag:s6], $0x1  }
0xae: {  	[sflag:s6] =	ssyncadd.s32 @p0 $0xFFFFFFFF  }
0xaf: {  	s7 =	sshll.u32 @!p0 s1, $0xE  }
0xb0: {  	s7 =	sor.u32 @!p0 $0x4000, s7;
	s6 =	simm.s32 @!p0 $0x1B8D  }
0xb1: {  	s5 =	sshll.u32 @!p0 s5, $0x11;
	s7 =	sadd.s32 @!p0 $0x11B8D, s7;
	_ =	swait.eq @!p0 [sflag:s6], $0x1  }
0xb2: {  	s5 =	sor.u32 @!p0 s5, s7;
	[sflag:s6] =	ssyncadd.s32 @!p0 $0xFFFFFFFF  }
0xb3: {  	s25 =	simm.s32 $0x1B8E;
	s24 =	sld [smem:$0x3FFE];
	[sflag:s5] =	ssyncadd.remote.s32 @!p0 $0x1  }
0xb4: {  	s26 =	simm.s32 $execute0_lowered;
	[smem:$0x3FD2] =	sst s25  }
0xb5: {  	s6 =	sshll.u32 s26, $0x1;
	_ =	strace $0x80000049;
	[dreg:$0x1] =	wrdreg $0xFFFFFFFF  }
0xb6: {  	s28 =	simm.s32 $_size_execute0_lowered;
	s4 =	sadd.s32 s4, s6;
	[dreg:$0x0] =	wrdreg $0x0  }
0xb7: {  	s6 =	sshll.u32 s28, $0x1;
	[dreg:$0x2] =	wrdreg s4  }
0xb8: {  	[dreg:$0x3] =	wrdreg s6  }
0xb9: {  	[dreg:$0x4] =	wrdreg $0xC0  }
0xba: {  	_ =	task [dreg:s22], $0x5FFFF  }
0xbb: {  	[dreg:$0x1] =	wrdreg $0xFFFFFFFF  }
0xbc: {  	[dreg:$0x0] =	wrdreg $0x60  }
0xbd: {  	[dreg:$0x2] =	wrdreg s18  }
0xbe: {  	[dreg:$0x3] =	wrdreg s24  }
0xbf: {  	[dreg:$0x4] =	wrdreg $0x94000  }
0xc0: {  	[dreg:$0x5] =	wrdreg $0x9  }
0xc1: {  	_ =	task.clear_ibuf [dreg:s22], $0x6FFFF;
	_ =	strace $0x90000049  }
0xc2: {  	s29 =	simm.s32 $0x9;
	_ =	strace $0x8000004B  }
0xc3: {  	_ =	swait.ge [sflag:s29], $0x1  }
0xc4: {  	[sflag:s29] =	ssyncadd.s32 $0xFFFFFFFF  }
0xc5: {  	_ =	strace $0x9000004B  }
0xc6: {  	_ =	sfence  }
0xc7: {  	s30 =	sld [smem:$0x0];
	_ =	sdelay $0x2  }
0xc8: {  	s31 =	sshll.u32 s1, $0xD;
	s1 =	sshrl.u32 s1, $0x2  }
0xc9: {  	s4 =	sand.u32 $0x4000, s31;
	s1 =	sadd.s32 s1, s30  }
0xca: {  	s0 =	sor.u32 s4, s0;
	s1 =	sshll.u32 s1, $0x11  }
0xcb: {  	s0 =	sor.u32 s1, s0  }
0xcc: {  	s0 =	sadd.s32 $0x8F2B, s0  }
0xcd: {  	[sflag:s0] =	ssyncadd.remote.s32 $0x1  }
0xce: {  	_ =	sfence.sel $0xFFFF  }
0xcf: {  	[dreg:$0x0] =	wrdreg $0xFFFFFFFF;
	(pc) =	sbr.abs _section_cstart, $3  }
0xd0: {  	[dreg:$0x1] =	wrdreg $0xFFFFFFFF  }
0xd1: {  	_ =	task.clear_ibuf [dreg:s22], $0x2FFFF;
	_ =	strace $0x9FFFFFFF  }
0xd2: {  	(tm) =	ssettm $0x7FFFFFFF  }
0xd3: {  	_ =	shalt  }
tec
execute0_lowered:
.L_overlay_start_1:
0x0: {  	(tag) =	ssettag $0x1  }
0x1: {  	s5 =	rddreg [dreg:$0x0]  }
0x2: {  	s4 =	rddreg [dreg:$0x1];
	s1 =	srdreg.scid  }
0x3: {  	s0 =	stileid.u32;
	s2 =	rddreg [dreg:$0x2];
	s3 =	simm.s32 $0x0  }
0x4: {  	s16 =	simm.s32 $0x80;
	s17 =	simm.s32 $0x1400;
	s18 =	simm.s32 $0x1  }
0x5: {  	s19 =	simm.s32 $0x5400;
	s20 =	simm.s32 $0x2;
	s21 =	simm.s32 $0x3  }
0x6: {  	s22 =	simm.s32 $0x100;
	s23 =	simm.s32 $0x4;
	s8 =	smul.u32 $0x4F000, s0  }
0x7: {  	s24 =	simm.s32 $0x0;
	s9 =	sand.u32 $0x1, s1;
	s12 =	smul.u32 $0x2780, s0  }
0x8: {  	s6 =	sshll.u32 s0, $0x1;
	s1 =	rddreg [dreg:$0x3];
	s26 =	smul.u32 $0x50, s0  }
0x9: {  	[smem:$0x7FF] =	sst s3;
	s10 =	sadd.s32 $0x28D400, s4;
	s29 =	smul.u32 $0x28000, s0  }
0xa: {  	p0 =	seq.s32 s0, $0xF;
	s7 =	sor.u32 s9, s6;
	s13 =	smul.u32 $0x28, s9  }
0xb: {  	_ =	strace $0x8000004A;
	s25 =	ssub.s32 $0x2, s9;
	s30 =	smul.u32 $0x14000, s9  }
0xc: {  	s6 =	smul.u32 $0x280, s7;
	s11 =	sshrl.u32 s25, $0x1;
	s8 =	sshrl.u32 s8, $0x2  }
0xd: {  	s15 =	smul.u32 $0x14000, s7;
	s11 =	ssub.s32 s25, s11;
	s14 =	sadd.s32 s8, s2  }
0xe: {  	s28 =	sadd.s32 s13, s26;
	s13 =	sadd.s32 s29, s10;
	s6 =	sadd.s32 s6, s4  }
0xf: {  	s4 =	sadd.s32 s5, s12;
	s12 =	sadd.s32 $0x128400, s2;
	s5 =	sadd.s32 $0x25080, s5  }
.Ltmp0:
0x10: {  	s7 =	smax.u32 s11, $0x1;
	s8 =	sadd.s32 s10, s15;
	(pc) =	sbr.rel .LBB2_1-.Ltmp0, $4  }
0x11: {  	s11 =	sshll.u32 s28, $0xB;
	s31 =	sadd.s32 s30, s13;
	s13 =	sshll.u32 @!p0 s0, $0x6  }
0x12: {  	s14 =	sshrl.u32 @!p0 s14, $0x3;
	s15 =	simm.s32 $0x5;
	s6 =	sadd.s32 $0x288400, s6  }
0x13: {  	s9 =	sadd.s32 $0x800, s8;
	s11 =	sadd.s32 s11, s10;
	s12 =	sshrl.u32 @p0 s12, $0x3  }
0x14: {  	s13 =	sor.u32 @!p0 $0x1C05, s13;
	s10 =	sadd.s32 $0x1800, s11;
	s11 =	sadd.s32 $0x1000, s31  }
.LBB2_4:
0x15: {  	s24 =	sadd.s32 $0x1, s24  }
0x16: {  	p1 =	sne.s32 s24, s7  }
.Ltmp1:
0x17: {  	_ = 	snop;
	(pc) =	sbr.rel @!p1 .LBB2_5-.Ltmp1, $4  }
0x18: {  	_ = 	snop  }
0x19: {  	_ =	swait.ge [sflag:s23], $0x4000  }
0x1a: {  	[sflag:s23] =	ssyncset.done $0x0  }
0x1b: {  	[sflag:s23] =	ssyncadd.s32 $0xFFFFC000  }
.LBB2_1:
0x1c: {  	s25 =	simm.s32 @p0 $0x1FC5  }
0x1d: {  	[spmem:s12], [sflag:s25] =	dma.local @p0 [hbm:s5], $0x2080  }
0x1e: {  	s25 =	simm.s32 @p0 $0x5  }
0x1f: {  	_ =	swait.ge @p0 [sflag:s25], $0x2080  }
0x20: {  	[sflag:s25] =	ssyncset.done @p0 $0x0  }
0x21: {  	[sflag:s25] =	ssyncadd.s32 @p0 $0xFFFFDF80;
	s25 =	simm.s32 @!p0 $0x5  }
0x22: {  	[spmem:s14], [sflag:s13] =	dma.local @!p0 [hbm:s4], $0x2780  }
0x23: {  	_ =	swait.ge @!p0 [sflag:s25], $0x2780  }
0x24: {  	[sflag:s25] =	ssyncset.done @!p0 $0x0  }
0x25: {  	[sflag:s25] =	ssyncadd.s32 @!p0 $0xFFFFD880  }
0x26: {  	[tilespmem:s3], [sflag:$0x5] =	stream.linear.gather [hbm4b:s6+s3], $0x1400, $0x38;
	[tilespmem:$0x1CC80] =	vst v63  }
0x27: {  	_ =	swait.ge [sflag:s15], $0x1400  }
0x28: {  	[sflag:s15] =	ssyncset.done $0x0  }
0x29: {  	[sflag:s15] =	ssyncadd.s32 $0xFFFFEC00  }
0x2a: {  	[bflag:$0x0] =	sbarrier.arrive $0xFFFF  }
0x2b: {  	[tilespmem:s17], [sflag:$0x1] =	stream.indirect.gather [spmem:s2], $0x80, s3, s16, $0xb8;
	[tilespmem:$0x1CC80] =	vst v63  }
0x2c: {  	_ =	swait.ge [sflag:s18], $0x4000  }
0x2d: {  	[sflag:s18] =	ssyncset.done $0x0  }
0x2e: {  	[sflag:s18] =	ssyncadd.s32 $0xFFFFC000  }
0x2f: {  	[hbm4b:s8+s3] =	stream.linear.scatter [tilespmem:s17], [sflag:$0x3], $0x4000, $0x38;
	[tilespmem:$0x1CC80] =	vst v63  }
0x30: {  	_ = 	snop  }
0x31: {  	[tilespmem:s19], [sflag:$0x2] =	stream.indirect.gather [spmem:s2], $0x80, s16, s16, $0xb8;
	[tilespmem:$0x1CC80] =	vst v63  }
0x32: {  	_ =	swait.ge [sflag:s20], $0x4000  }
0x33: {  	[sflag:s20] =	ssyncset.done $0x0  }
0x34: {  	[sflag:s20] =	ssyncadd.s32 $0xFFFFC000  }
0x35: {  	[hbm4b:s9+s3] =	stream.linear.scatter [tilespmem:s19], [sflag:$0x4], $0x4000, $0x38;
	[tilespmem:$0x1CC80] =	vst v63  }
0x36: {  	_ =	swait.ge [sflag:s21], $0x4000  }
0x37: {  	[sflag:s21] =	ssyncset.done $0x0  }
0x38: {  	s26 =	simm.s32 $0x0;
	s25 =	simm.s32 $0x200;
	[sflag:s21] =	ssyncadd.s32 $0xFFFFC000  }
0x39: {  	[tilespmem:s17], [sflag:$0x1] =	stream.indirect.gather [spmem:s2], $0x80, s22, s16, $0xb8;
	[tilespmem:$0x1CC80] =	vst v63  }
.LBB2_2:
0x3a: {  	_ =	swait.ge [sflag:s18], $0x4000  }
0x3b: {  	[sflag:s18] =	ssyncset.done $0x0  }
0x3c: {  	s28 =	sadd.s32 s26, s11;
	[sflag:s18] =	ssyncadd.s32 $0xFFFFC000  }
0x3d: {  	[hbm4b:s28+s3] =	stream.linear.scatter [tilespmem:s17], [sflag:$0x3], $0x4000, $0x38;
	[tilespmem:$0x1CC80] =	vst v63  }
0x3e: {  	_ =	swait.ge [sflag:s23], $0x4000  }
0x3f: {  	[sflag:s23] =	ssyncset.done $0x0  }
0x40: {  	s30 =	sadd.s32 $0xFFFFFF80, s25;
	[sflag:s23] =	ssyncadd.s32 $0xFFFFC000  }
0x41: {  	[tilespmem:s19], [sflag:$0x2] =	stream.indirect.gather [spmem:s2], $0x80, s30, s16, $0xb8;
	[tilespmem:$0x1CC80] =	vst v63  }
0x42: {  	_ =	swait.ge [sflag:s20], $0x4000  }
0x43: {  	p1 =	seq.s32 s26, $0x12000;
	[sflag:s20] =	ssyncset.done $0x0  }
.Ltmp2:
0x44: {  	s31 =	sadd.s32 s26, s10;
	[sflag:s20] =	ssyncadd.s32 $0xFFFFC000;
	(pc) =	sbr.rel @p1 .LBB2_4-.Ltmp2, $4  }
0x45: {  	[hbm4b:s31+s3] =	stream.linear.scatter [tilespmem:s19], [sflag:$0x4], $0x4000, $0x38;
	[tilespmem:$0x1CC80] =	vst v63  }
0x46: {  	_ =	swait.ge [sflag:s21], $0x4000  }
0x47: {  	[sflag:s21] =	ssyncset.done $0x0  }
0x48: {  	[sflag:s21] =	ssyncadd.s32 $0xFFFFC000  }
.Ltmp3:
0x49: {  	(pc) =	sbr.rel .LBB2_2-.Ltmp3, $3  }
0x4a: {  	_ =	sdelay $0x1  }
0x4b: {  	[tilespmem:s17], [sflag:$0x1] =	stream.indirect.gather [spmem:s2], $0x80, s25, s16, $0xb8;
	[tilespmem:$0x1CC80] =	vst v63  }
0x4c: {  	s25 =	sadd.s32 $0x100, s25;
	s26 =	sadd.s32 $0x1000, s26  }
.LBB2_5:
0x4d: {  	_ =	sfence.sel $0x180000  }
0x4e: {  	[bflag:$0x0] =	sbarrier.arrive $0xFFFF  }
0x4f: {  	p0 =	sne.s32 s0, $0x0;
	_ =	strace $0x9000004A  }
0x50: {  	s0 =	sadd.s32 @!p0 $0x100000, s1;
	[bflag:$0x2] =	sbarrier.arrive $0xFFFF  }
0x51: {  	[sflag:s0] =	ssyncadd.tile.s32 @!p0 $0x1;
	_ =	shalt  }
.Lfunc_end2:
_tile_overlayer_lowered:
.L_overlay_start_2:
0x52: {  	(tag) =	ssettag $0x2  }
0x53: {  	s0 =	rddreg [dreg:$0x0];
	s2 =	stileid.u32  }
0x54: {  	s1 =	rddreg [dreg:$0x1];
	p0 =	sne.s32 s2, $0x0  }
0x55: {  	s3 =	rddreg [dreg:$0x2];
	[bflag:$0x3] =	sbarrier.arrive $0xFFFF;
	s2 =	simm.s32 @!p0 $0x1C05  }
0x56: {  	[timem:s3], [sflag:s2] =	dma.local @!p0 [hbm:s0], s1  }
0x57: {  	s0 =	simm.s32 @!p0 $0x5  }
0x58: {  	_ =	swait.ge @!p0 [sflag:s0], s1  }
0x59: {  	s1 =	ssub.s32 @!p0 $0x0, s1;
	[sflag:s0] =	ssyncset.done @!p0 $0x0  }
0x5a: {  	[sflag:s0] =	ssyncadd.s32 @!p0 s1  }
0x5b: {  	[bflag:$0x3] =	sbarrier.arrive $0xFFFF  }
0x5c: {  	_ =	shalt  }

// kernel: kernel.16.cloned.1.call-start
scs
__scs_entry_jumppad:
0x0: {  	(pc) =	sbr.rel $0x88, $3  }
0x1: {  	(tag) =	ssettag $0x0;
	lr =	simm.s32 $0x1  }
0x2: {  	[smem:$0x3F96] =	sst lr;
	_ =	strace $0xD0000000  }
0x3: {  	_ = 	snop  }
0x4: {  	_ = 	snop  }
0x5: {  	_ = 	snop  }
0x6: {  	_ = 	snop  }
0x7: {  	_ = 	snop  }
__scs_overlays_trampoline_lowered:
0x8: {  	[smem:$0x3FA5] =	sst s0  }
0x9: {  	[smem:$0x3FA6] =	sst s1  }
0xa: {  	[smem:$0x3FA7] =	sst s2  }
0xb: {  	[smem:$0x3FA8] =	sst s3  }
0xc: {  	[smem:$0x3FA9] =	sst s4  }
0xd: {  	[smem:$0x3FAA] =	sst s5  }
0xe: {  	[smem:$0x3FAB] =	sst s6  }
0xf: {  	[smem:$0x3FAC] =	sst s7  }
0x10: {  	[smem:$0x3FAD] =	sst s8  }
0x11: {  	[smem:$0x3FAE] =	sst s9;
	s0 =	simm.s32 @!p0 $0x0  }
0x12: {  	s1 =	sld [smem:$0x3F94];
	s0 =	simm.s32 @p0 $0x1  }
0x13: {  	[smem:$0x3FAF] =	sst s0;
	s0 =	simm.s32 @!p1 $0x0  }
0x14: {  	s2 =	sld [smem:$0x3F93];
	s0 =	simm.s32 @p1 $0x1  }
0x15: {  	[smem:$0x3FB0] =	sst s0;
	s0 =	simm.s32 @!p2 $0x0  }
0x16: {  	s3 =	sld [smem:$0x3FDB];
	s0 =	simm.s32 @p2 $0x1  }
0x17: {  	s4 =	simm.s32 $0x1BF5;
	[smem:$0x3FB2] =	sst s0  }
0x18: {  	s0 =	sld [smem:$0x3F95];
	_ =	swait.ge [sflag:s4], $0x0  }
0x19: {  	s7 =	sld [smem:$0x3F96]  }
0x1a: {  	s8 =	sadd.s32 $0xFFFFE003, lr  }
0x1b: {  	s9 =	sadd.s32 $0xFFFFFEF7, lr;
	s5 =	simm.s32 $0xFFFFFFFF;
	p2 =	slt.u32 s8, $0xFFFFF086  }
0x1c: {  	p1 =	slt.u32 s9, $0xF7A;
	s5 =	simm.s32 @!p2 $0x0  }
0x1d: {  	s5 =	simm.s32 @p1 $0x1;
	p0 =	seq.s32 s7, s2  }
0x1e: {  	s7 =	smul.u32 @!p0 $0xF7A, s2;
	p2 =	seq.s32 @!p0 s5, $0x0  }
0x1f: {  	s9 =	smul.u32 $0xF7A, s1;
	s8 =	simm.s32 @!p0 $0x1BF5;
	p2 =	por !p2, p0  }
0x20: {  	[sflag:s8] =	ssyncset.s32 @!p0 $0xFFFFF086;
	s6 =	sadd.s32 @!p0 s3, s7;
	s7 =	simm.s32 @!p0 $0x108  }
0x21: {  	s3 =	sadd.s32 s3, s9;
	s6 =	sadd.s32 @!p0 $0x88, s6;
	s7 =	simm.s32 @p2 $0x1082  }
0x22: {  	[simem:s7], [sflag:s8] =	dma.local @!p0 [hbm:s6], $0xF7A  }
0x23: {  	s9 =	sor.u32 $0xD0000000, s2;
	s6 =	simm.s32 $0x108;
	_ =	swait.ge @!p0 [sflag:s8], $0x0  }
0x24: {  	s3 =	sadd.s32 $0x88, s3;
	s6 =	simm.s32 @!p1 $0x1082;
	[sflag:s4] =	ssyncset.s32 $0xFFFFF086  }
0x25: {  	[simem:s6], [sflag:s4] =	dma.local [hbm:s3], $0xF7A  }
0x26: {  	[smem:$0x3F96] =	sst s1;
	(tag) =	ssettag s2;
	_ =	strace s9  }
0x27: {  	s1 =	sld [smem:$0x3FA6]  }
0x28: {  	s2 =	sld [smem:$0x3FA7]  }
0x29: {  	s4 =	sld [smem:$0x3FA9]  }
0x2a: {  	p0 =	seq.s32 s5, $0x0;
	s5 =	sld [smem:$0x3FAA]  }
0x2b: {  	s6 =	sld [smem:$0x3FAB]  }
0x2c: {  	s7 =	sld [smem:$0x3FAC]  }
0x2d: {  	s3 =	simm.s32 $0x108;
	s8 =	sld [smem:$0x3FAD]  }
0x2e: {  	s3 =	simm.s32 @!p0 $0x1082;
	s9 =	sld [smem:$0x3FAE]  }
0x2f: {  	lr =	sadd.s32 s0, s3;
	s0 =	sld [smem:$0x3FA5]  }
0x30: {  	s3 =	sld [smem:$0x3FA8]  }
0x31: {  	[smem:$0x3FB1] =	sst s10  }
0x32: {  	s10 =	sld [smem:$0x3FAF];
	_ =	sdelay $0x3  }
0x33: {  	p0 =	seq.s32 s10, $0x1;
	s10 =	sld [smem:$0x3FB1];
	_ =	sdelay $0x3  }
0x34: {  	[smem:$0x3FB1] =	sst s10  }
0x35: {  	s10 =	sld [smem:$0x3FB0];
	_ =	sdelay $0x3  }
0x36: {  	p1 =	seq.s32 s10, $0x1;
	s10 =	sld [smem:$0x3FB1];
	_ =	sdelay $0x3  }
0x37: {  	[smem:$0x3FB1] =	sst s10  }
0x38: {  	s10 =	sld [smem:$0x3FB2]  }
0x39: {  	_ = 	snop;
	(pc) =	sbr.ind lr, $3  }
0x3a: {  	_ = 	snop  }
0x3b: {  	_ = 	snop  }
0x3c: {  	p2 =	seq.s32 s10, $0x1;
	s10 =	sld [smem:$0x3FB1]  }
0x3d: {  	_ =	shalt  }
0x3e: {  	_ =	shalt  }
0x3f: {  	_ =	shalt  }
0x40: {  	_ =	shalt  }
0x41: {  	_ =	shalt  }
0x42: {  	_ =	shalt  }
0x43: {  	_ =	shalt  }
0x44: {  	_ =	shalt  }
0x45: {  	_ =	shalt  }
0x46: {  	_ =	shalt  }
0x47: {  	_ =	shalt  }
0x48: {  	_ =	shalt  }
0x49: {  	_ =	shalt  }
0x4a: {  	_ =	shalt  }
0x4b: {  	_ =	shalt  }
0x4c: {  	_ =	shalt  }
0x4d: {  	_ =	shalt  }
0x4e: {  	_ =	shalt  }
0x4f: {  	_ =	shalt  }
0x50: {  	_ =	shalt  }
0x51: {  	_ =	shalt  }
0x52: {  	_ =	shalt  }
0x53: {  	_ =	shalt  }
0x54: {  	_ =	shalt  }
0x55: {  	_ =	shalt  }
0x56: {  	_ =	shalt  }
0x57: {  	_ =	shalt  }
0x58: {  	_ =	shalt  }
0x59: {  	_ =	shalt  }
0x5a: {  	_ =	shalt  }
0x5b: {  	_ =	shalt  }
0x5c: {  	_ =	shalt  }
0x5d: {  	_ =	shalt  }
0x5e: {  	_ =	shalt  }
0x5f: {  	_ =	shalt  }
0x60: {  	_ =	shalt  }
0x61: {  	_ =	shalt  }
0x62: {  	_ =	shalt  }
0x63: {  	_ =	shalt  }
0x64: {  	_ =	shalt  }
0x65: {  	_ =	shalt  }
0x66: {  	_ =	shalt  }
0x67: {  	_ =	shalt  }
0x68: {  	_ =	shalt  }
0x69: {  	_ =	shalt  }
0x6a: {  	_ =	shalt  }
0x6b: {  	_ =	shalt  }
0x6c: {  	_ =	shalt  }
0x6d: {  	_ =	shalt  }
0x6e: {  	_ =	shalt  }
0x6f: {  	_ =	shalt  }
0x70: {  	_ =	shalt  }
0x71: {  	_ =	shalt  }
0x72: {  	_ =	shalt  }
0x73: {  	_ =	shalt  }
0x74: {  	_ =	shalt  }
0x75: {  	_ =	shalt  }
0x76: {  	_ =	shalt  }
0x77: {  	_ =	shalt  }
0x78: {  	_ =	shalt  }
0x79: {  	_ =	shalt  }
0x7a: {  	_ =	shalt  }
0x7b: {  	_ =	shalt  }
0x7c: {  	_ =	shalt  }
0x7d: {  	_ =	shalt  }
0x7e: {  	_ =	shalt  }
0x7f: {  	_ =	shalt  }
0x80: {  	_ =	shalt  }
0x81: {  	_ =	shalt  }
0x82: {  	_ =	shalt  }
0x83: {  	_ =	shalt  }
0x84: {  	_ =	shalt  }
0x85: {  	_ =	shalt  }
0x86: {  	_ =	shalt  }
0x87: {  	_ =	shalt  }
.Lfunc_end0:
.L_simem_size_0:
called_computation.2_lowered:
.L_overlay_start_0:
0x88: {  	s2 =	sld [smem:$0x3FD9]  }
0x89: {  	s3 =	sld [smem:$0x3FFE];
	_ =	sdelay $0x1  }
0x8a: {  	s1 =	srdreg.scid  }
0x8b: {  	s0 =	sand.u32 $0x1, s1  }
0x8c: {  	s17 =	sshll.u32 s0, $0xA;
	s2 =	sadd.s32 s3, s2  }
0x8d: {  	s2 =	sadd.s32 s2, s17  }
0x8e: {  	[smem:$0x3FBD] =	sst s2  }
0x8f: {  	_ = 	snop  }
0x90: {  	(tm) =	ssettm $0x1  }
0x91: {  	s18 =	sld [smem:$0x3FFB];
	_ =	sdelay $0x3  }
0x92: {  	_ =	strace s18  }
0x93: {  	s2 =	sld [smem:$0x3FFC];
	_ =	sdelay $0x3  }
0x94: {  	_ =	strace s2  }
0x95: {  	s2 =	sld [smem:$0x3FFD];
	_ =	sdelay $0x3  }
0x96: {  	_ =	strace s2  }
0x97: {  	_ =	strace $0x8FFFFFFF  }
0x98: {  	s19 =	sld [smem:$0x3FDB];
	_ =	sdelay $0x1  }
0x99: {  	s20 =	simm.s32 $_scs_section_size  }
0x9a: {  	s4 =	simm.s32 $_size__tile_overlayer_lowered;
	s5 =	simm.s32 $_tile_overlayer_lowered  }
0x9b: {  	s6 =	simm.s32 $0x1BFF;
	s21 =	sshll.u32 s5, $0x1;
	s3 =	sadd.s32 s20, s19  }
0x9c: {  	s22 =	simm.s32 $0x0;
	s4 =	sshll.u32 s4, $0x1;
	s5 =	sadd.s32 s21, s3  }
0x9d: {  	[timem:s22], [sflag:s6] =	dma.local [hbm:s5], s4  }
0x9e: {  	_ =	swait.ge [sflag:s6], s4  }
0x9f: {  	s4 =	ssub.s32 $0x0, s4;
	[sflag:s6] =	ssyncset.done $0x0  }
0xa0: {  	[sflag:s6] =	ssyncadd.s32 s4;
	_ =	sdelay $0x1  }
0xa1: {  	s23 =	simm.s32 $0x1B8B  }
0xa2: {  	_ =	swait.ge [sflag:s23], $0x1  }
0xa3: {  	[sflag:s23] =	ssyncset.done $0x0  }
0xa4: {  	[sflag:s23] =	ssyncadd.s32 $0xFFFFFFFF  }
0xa5: {  	s4 =	sld [smem:$0x0]  }
0xa6: {  	s5 =	sand.u32 $0xFFFFFFFE, s1  }
0xa7: {  	p0 =	sne.s32 s1, s5  }
0xa8: {  	s5 =	sshll.u32 @p0 s5, $0xE  }
0xa9: {  	s5 =	sadd.s32 @p0 $0x11B8D, s5;
	s6 =	sshll.u32 @p0 s4, $0x11  }
0xaa: {  	s5 =	sor.u32 @p0 s6, s5  }
0xab: {  	[sflag:s5] =	ssyncadd.remote.s32 @p0 $0x1;
	_ =	sdelay $0x1  }
0xac: {  	s5 =	simm.s32 @p0 $0x1B8D  }
0xad: {  	_ =	swait.eq @p0 [sflag:s5], $0x1  }
0xae: {  	[sflag:s5] =	ssyncadd.s32 @p0 $0xFFFFFFFF  }
0xaf: {  	s6 =	sshll.u32 @!p0 s1, $0xE  }
0xb0: {  	s6 =	sor.u32 @!p0 $0x4000, s6;
	s5 =	simm.s32 @!p0 $0x1B8D  }
0xb1: {  	s4 =	sshll.u32 @!p0 s4, $0x11;
	s6 =	sadd.s32 @!p0 $0x11B8D, s6;
	_ =	swait.eq @!p0 [sflag:s5], $0x1  }
0xb2: {  	s4 =	sor.u32 @!p0 s4, s6;
	[sflag:s5] =	ssyncadd.s32 @!p0 $0xFFFFFFFF  }
0xb3: {  	s25 =	simm.s32 $0x1B8E;
	s24 =	sld [smem:$0x3FFE];
	[sflag:s4] =	ssyncadd.remote.s32 @!p0 $0x1  }
0xb4: {  	s26 =	simm.s32 $execute0_lowered;
	[smem:$0x3FD2] =	sst s25  }
0xb5: {  	s5 =	sshll.u32 s26, $0x1;
	_ =	strace $0x8000004C;
	[dreg:$0x1] =	wrdreg $0xFFFFFFFF  }
0xb6: {  	s28 =	simm.s32 $_size_execute0_lowered;
	s3 =	sadd.s32 s3, s5;
	[dreg:$0x0] =	wrdreg $0x0  }
0xb7: {  	s5 =	sshll.u32 s28, $0x1;
	[dreg:$0x2] =	wrdreg s3  }
0xb8: {  	[dreg:$0x3] =	wrdreg s5  }
0xb9: {  	[dreg:$0x4] =	wrdreg $0xC0  }
0xba: {  	_ =	task [dreg:s22], $0x5FFFF  }
0xbb: {  	[dreg:$0x1] =	wrdreg $0xFFFFFFFF  }
0xbc: {  	[dreg:$0x0] =	wrdreg $0x60  }
0xbd: {  	[dreg:$0x2] =	wrdreg s24  }
0xbe: {  	[dreg:$0x3] =	wrdreg $0x94000  }
0xbf: {  	[dreg:$0x4] =	wrdreg $0xA  }
0xc0: {  	_ =	task.clear_ibuf [dreg:s22], $0x5FFFF;
	_ =	strace $0x9000004C  }
0xc1: {  	s29 =	simm.s32 $0xA;
	_ =	strace $0x8000004E  }
0xc2: {  	_ =	swait.ge [sflag:s29], $0x1  }
0xc3: {  	[sflag:s29] =	ssyncadd.s32 $0xFFFFFFFF  }
0xc4: {  	_ =	strace $0x9000004E  }
0xc5: {  	_ =	sfence  }
0xc6: {  	s30 =	sld [smem:$0x0];
	_ =	sdelay $0x2  }
0xc7: {  	s31 =	sshll.u32 s1, $0xD;
	s1 =	sshrl.u32 s1, $0x2  }
0xc8: {  	s4 =	sand.u32 $0x4000, s31;
	s1 =	sadd.s32 s1, s30  }
0xc9: {  	s0 =	sor.u32 s4, s0;
	s1 =	sshll.u32 s1, $0x11  }
0xca: {  	s0 =	sor.u32 s1, s0  }
0xcb: {  	s0 =	sadd.s32 $0x8F2B, s0  }
0xcc: {  	[sflag:s0] =	ssyncadd.remote.s32 $0x1  }
0xcd: {  	_ =	sfence.sel $0xFFFF  }
0xce: {  	[dreg:$0x0] =	wrdreg $0xFFFFFFFF;
	(pc) =	sbr.abs _section_cstart, $3  }
0xcf: {  	[dreg:$0x1] =	wrdreg $0xFFFFFFFF  }
0xd0: {  	_ =	task.clear_ibuf [dreg:s22], $0x2FFFF;
	_ =	strace $0x9FFFFFFF  }
0xd1: {  	(tm) =	ssettm $0x7FFFFFFF  }
tec
execute0_lowered:
.L_overlay_start_1:
0x0: {  	(tag) =	ssettag $0x1  }
0x1: {  	s4 =	rddreg [dreg:$0x0];
	s1 =	srdreg.scid  }
0x2: {  	s0 =	stileid.u32;
	s2 =	rddreg [dreg:$0x1]  }
0x3: {  	s3 =	simm.s32 $0x0;
	s16 =	simm.s32 $0x1400;
	s17 =	simm.s32 $0x5  }
0x4: {  	s18 =	simm.s32 $0x1;
	s19 =	simm.s32 $0x80;
	s20 =	simm.s32 $0x5400  }
0x5: {  	s21 =	simm.s32 $0x2;
	s22 =	simm.s32 $0x3;
	s9 =	smul.u32 $0x4F000, s0  }
0x6: {  	s23 =	simm.s32 $0x4;
	s7 =	sand.u32 $0x1, s1;
	s12 =	smul.u32 $0x50, s0  }
0x7: {  	s5 =	sshll.u32 s0, $0x1;
	s1 =	rddreg [dreg:$0x2];
	s25 =	smul.u32 $0x2780, s0  }
0x8: {  	[smem:$0x7FF] =	sst s3;
	s14 =	sadd.s32 $0xA12400, s4;
	s8 =	smul.u32 $0x27800, s7  }
0x9: {  	s5 =	sor.u32 s7, s5;
	s31 =	ssub.s32 $0x2, s7;
	s13 =	smul.u32 $0x28, s7  }
0xa: {  	_ =	strace $0x8000004D;
	s6 =	smul.u32 $0x280, s5;
	s10 =	sshrl.u32 s31, $0x1  }
0xb: {  	s9 =	sshrl.u32 s9, $0x2;
	s11 =	smul.u32 $0x14000, s5;
	s8 =	sadd.s32 s8, s4  }
0xc: {  	s10 =	ssub.s32 s31, s10;
	s12 =	sadd.s32 s13, s12;
	s6 =	sadd.s32 s6, s4  }
0xd: {  	s4 =	sadd.s32 s9, s2;
	s7 =	sadd.s32 s14, s11;
	s24 =	sadd.s32 $0x3400, s8  }
.Ltmp0:
0xe: {  	s8 =	smax.u32 s10, $0x1;
	s15 =	sshll.u32 s12, $0xB;
	(pc) =	sbr.rel .LBB2_1-.Ltmp0, $4  }
0xf: {  	s5 =	sadd.s32 $0x10000, s4;
	s6 =	sadd.s32 $0xA0D400, s6;
	s9 =	sadd.s32 $0x4000, s4  }
0x10: {  	s10 =	sadd.s32 $0x8000, s4;
	s11 =	sadd.s32 $0xC000, s4;
	s12 =	sadd.s32 $0x800, s7  }
0x11: {  	s13 =	sadd.s32 $0x1000, s7;
	s15 =	sadd.s32 s15, s14;
	s24 =	sadd.s32 s25, s24  }
0x12: {  	v0 =	vimm.f32 $0.0e+00;
	s25 =	simm.s32 $0x0;
	s14 =	sadd.s32 $0x2000, s15;
	s15 =	sadd.s32 $0x1800, s15  }
.LBB2_6:
0x13: {  	_ =	swait.ge [sflag:s23], $0x4000  }
0x14: {  	s26 =	sshll.u32 s0, $0x6;
	s25 =	sadd.s32 $0x1, s25;
	[sflag:s23] =	ssyncset.done $0x0  }
0x15: {  	s28 =	sshrl.u32 s4, $0x3;
	p0 =	sne.s32 s25, s8;
	[sflag:s23] =	ssyncadd.s32 $0xFFFFC000  }
.Ltmp1:
0x16: {  	s26 =	sor.u32 $0x1C05, s26;
	[bflag:$0x0] =	sbarrier.arrive $0xFFFF;
	(pc) =	sbr.rel @!p0 .LBB2_7-.Ltmp1, $4  }
0x17: {  	[hbm:s24], [sflag:s26] =	dma.local [spmem:s28], $0x2780  }
0x18: {  	_ =	swait.ge [sflag:s17], $0x2780  }
0x19: {  	[sflag:s17] =	ssyncset.done $0x0  }
0x1a: {  	[sflag:s17] =	ssyncadd.s32 $0xFFFFD880  }
.LBB2_1:
0x1b: {  	s26 =	simm.s32 $0x0;
	s28 =	simm.s32 $0x200  }
.LBB2_2:
0x1c: {  	p0 =	sne.s32 s28, $0xFE00;
	[tilespmem:s26+$0x1470] =	vst v0  }
0x1d: {  	[tilespmem:s26+$0x1400] =	vst v0  }
0x1e: {  	[tilespmem:s26+$0x1410] =	vst v0  }
.Ltmp2:
0x1f: {  	[tilespmem:s26+$0x1420] =	vst v0;
	(pc) =	sbr.rel @p0 .LBB2_2-.Ltmp2, $4  }
0x20: {  	[tilespmem:s26+$0x1430] =	vst v0  }
0x21: {  	[tilespmem:s26+$0x1440] =	vst v0  }
0x22: {  	[tilespmem:s26+$0x1450] =	vst v0  }
0x23: {  	[tilespmem:s26+$0x1460] =	vst v0;
	s26 =	sshra.s32 s28, $0x2;
	s28 =	sadd.s32 $0x200, s28  }
0x24: {  	[tilespmem:s26+$0x1470] =	vst v0  }
0x25: {  	[tilespmem:s26+$0x1400] =	vst v0  }
0x26: {  	[tilespmem:s26+$0x1410] =	vst v0  }
0x27: {  	[tilespmem:s26+$0x1420] =	vst v0  }
0x28: {  	[tilespmem:s26+$0x1430] =	vst v0  }
0x29: {  	[tilespmem:s26+$0x1440] =	vst v0  }
0x2a: {  	[tilespmem:s26+$0x1450] =	vst v0  }
0x2b: {  	[tilespmem:s26+$0x1460] =	vst v0  }
0x2c: {  	[spmem:s4] =	stream.linear.scatter [tilespmem:s16], [sflag:$0x5], $0x4000, $0x38;
	[tilespmem:$0x1D000] =	vst v63  }
0x2d: {  	_ =	swait.ge [sflag:s17], $0x4000  }
0x2e: {  	[sflag:s17] =	ssyncset.done $0x0  }
0x2f: {  	[sflag:s17] =	ssyncadd.s32 $0xFFFFC000  }
0x30: {  	[spmem:s9] =	stream.linear.scatter [tilespmem:s16], [sflag:$0x5], $0x4000, $0x38;
	[tilespmem:$0x1D000] =	vst v63  }
0x31: {  	_ =	swait.ge [sflag:s17], $0x4000  }
0x32: {  	[sflag:s17] =	ssyncset.done $0x0  }
0x33: {  	[sflag:s17] =	ssyncadd.s32 $0xFFFFC000  }
0x34: {  	[spmem:s10] =	stream.linear.scatter [tilespmem:s16], [sflag:$0x5], $0x4000, $0x38;
	[tilespmem:$0x1D000] =	vst v63  }
0x35: {  	_ =	swait.ge [sflag:s17], $0x4000  }
0x36: {  	[sflag:s17] =	ssyncset.done $0x0  }
0x37: {  	[sflag:s17] =	ssyncadd.s32 $0xFFFFC000  }
0x38: {  	[spmem:s11] =	stream.linear.scatter [tilespmem:s16], [sflag:$0x5], $0x4000, $0x38;
	[tilespmem:$0x1D000] =	vst v63  }
0x39: {  	_ =	swait.ge [sflag:s17], $0x4000  }
0x3a: {  	[sflag:s17] =	ssyncset.done $0x0  }
0x3b: {  	[sflag:s17] =	ssyncadd.s32 $0xFFFFC000  }
0x3c: {  	[spmem:s5] =	stream.linear.scatter [tilespmem:s16], [sflag:$0x5], $0x3C00, $0x38;
	[tilespmem:$0x1D000] =	vst v63  }
0x3d: {  	_ =	swait.ge [sflag:s17], $0x3C00  }
0x3e: {  	[sflag:s17] =	ssyncset.done $0x0  }
0x3f: {  	[sflag:s17] =	ssyncadd.s32 $0xFFFFC400  }
0x40: {  	s26 =	simm.s32 $0x0;
	[bflag:$0x0] =	sbarrier.arrive $0xFFFF  }
0x41: {  	[tilespmem:s26], [sflag:$0x5] =	stream.linear.gather [hbm4b:s6+s26], $0x1400, $0x38;
	[tilespmem:$0x1D000] =	vst v63  }
0x42: {  	_ =	swait.ge [sflag:s17], $0x1400  }
0x43: {  	[sflag:s17] =	ssyncset.done $0x0  }
0x44: {  	[sflag:s17] =	ssyncadd.s32 $0xFFFFEC00  }
0x45: {  	[tilespmem:s16], [sflag:$0x1] =	stream.linear.gather [hbm4b:s7+s26], $0x4000, $0x38;
	[tilespmem:$0x1D000] =	vst v63  }
0x46: {  	_ =	swait.ge [sflag:s18], $0x4000  }
0x47: {  	[sflag:s18] =	ssyncset.done $0x0  }
0x48: {  	[sflag:s18] =	ssyncadd.s32 $0xFFFFC000  }
0x49: {  	[spmem:s2] =	stream.indirect.scatter.add.f32 [tilespmem:s16], [sflag:$0x3], $0x80, s26, s19, $0xb8;
	[tilespmem:$0x1D000] =	vst v63  }
0x4a: {  	_ = 	snop  }
0x4b: {  	[tilespmem:s20], [sflag:$0x2] =	stream.linear.gather [hbm4b:s12+s26], $0x4000, $0x38;
	[tilespmem:$0x1D000] =	vst v63  }
0x4c: {  	_ =	swait.ge [sflag:s21], $0x4000  }
0x4d: {  	[sflag:s21] =	ssyncset.done $0x0  }
0x4e: {  	[sflag:s21] =	ssyncadd.s32 $0xFFFFC000  }
0x4f: {  	[spmem:s2] =	stream.indirect.scatter.add.f32 [tilespmem:s20], [sflag:$0x4], $0x80, s19, s19, $0xb8;
	[tilespmem:$0x1D000] =	vst v63  }
0x50: {  	_ =	swait.ge [sflag:s22], $0x4000  }
0x51: {  	[sflag:s22] =	ssyncset.done $0x0  }
0x52: {  	s28 =	simm.s32 $0x100;
	[sflag:s22] =	ssyncadd.s32 $0xFFFFC000  }
0x53: {  	[tilespmem:s16], [sflag:$0x1] =	stream.linear.gather [hbm4b:s13+s26], $0x4000, $0x38;
	[tilespmem:$0x1D000] =	vst v63  }
.LBB2_4:
0x54: {  	_ =	swait.ge [sflag:s18], $0x4000  }
0x55: {  	[sflag:s18] =	ssyncset.done $0x0  }
0x56: {  	[sflag:s18] =	ssyncadd.s32 $0xFFFFC000  }
0x57: {  	[spmem:s2] =	stream.indirect.scatter.add.f32 [tilespmem:s16], [sflag:$0x3], $0x80, s28, s19, $0xb8;
	[tilespmem:$0x1D000] =	vst v63  }
0x58: {  	_ =	swait.ge [sflag:s23], $0x4000  }
0x59: {  	[sflag:s23] =	ssyncset.done $0x0  }
0x5a: {  	s29 =	sadd.s32 s26, s15;
	[sflag:s23] =	ssyncadd.s32 $0xFFFFC000  }
0x5b: {  	[tilespmem:s20], [sflag:$0x2] =	stream.linear.gather [hbm4b:s29+s3], $0x4000, $0x38;
	[tilespmem:$0x1D000] =	vst v63  }
0x5c: {  	_ =	swait.ge [sflag:s21], $0x4000  }
0x5d: {  	p0 =	seq.s32 s26, $0x12000;
	[sflag:s21] =	ssyncset.done $0x0  }
.Ltmp3:
0x5e: {  	s31 =	sadd.s32 $0x80, s28;
	[sflag:s21] =	ssyncadd.s32 $0xFFFFC000;
	(pc) =	sbr.rel @p0 .LBB2_6-.Ltmp3, $4  }
0x5f: {  	[spmem:s2] =	stream.indirect.scatter.add.f32 [tilespmem:s20], [sflag:$0x4], $0x80, s31, s19, $0xb8;
	[tilespmem:$0x1D000] =	vst v63  }
0x60: {  	_ =	swait.ge [sflag:s22], $0x4000  }
0x61: {  	[sflag:s22] =	ssyncset.done $0x0  }
0x62: {  	[sflag:s22] =	ssyncadd.s32 $0xFFFFC000  }
.Ltmp4:
0x63: {  	(pc) =	sbr.rel .LBB2_4-.Ltmp4, $3  }
0x64: {  	_ =	sdelay $0x1  }
0x65: {  	s29 =	sadd.s32 s26, s14;
	s28 =	sadd.s32 $0x100, s28;
	s26 =	sadd.s32 $0x1000, s26  }
0x66: {  	[tilespmem:s16], [sflag:$0x1] =	stream.linear.gather [hbm4b:s29+s3], $0x4000, $0x38;
	[tilespmem:$0x1D000] =	vst v63  }
.LBB2_7:
0x67: {  	_ =	sfence.sel $0x180000  }
0x68: {  	[bflag:$0x0] =	sbarrier.arrive $0xFFFF  }
0x69: {  	p0 =	sne.s32 s0, $0x0;
	_ =	strace $0x9000004D  }
0x6a: {  	s0 =	sadd.s32 @!p0 $0x100000, s1;
	[bflag:$0x2] =	sbarrier.arrive $0xFFFF  }
0x6b: {  	[sflag:s0] =	ssyncadd.tile.s32 @!p0 $0x1;
	_ =	shalt  }
.Lfunc_end2:
_tile_overlayer_lowered:
.L_overlay_start_2:
0x6c: {  	(tag) =	ssettag $0x2  }
0x6d: {  	s0 =	rddreg [dreg:$0x0];
	s2 =	stileid.u32  }
0x6e: {  	s1 =	rddreg [dreg:$0x1];
	p0 =	sne.s32 s2, $0x0  }
0x6f: {  	s3 =	rddreg [dreg:$0x2];
	[bflag:$0x3] =	sbarrier.arrive $0xFFFF;
	s2 =	simm.s32 @!p0 $0x1C05  }
0x70: {  	[timem:s3], [sflag:s2] =	dma.local @!p0 [hbm:s0], s1  }
0x71: {  	s0 =	simm.s32 @!p0 $0x5  }
0x72: {  	_ =	swait.ge @!p0 [sflag:s0], s1  }
0x73: {  	s1 =	ssub.s32 @!p0 $0x0, s1;
	[sflag:s0] =	ssyncset.done @!p0 $0x0  }
0x74: {  	[sflag:s0] =	ssyncadd.s32 @!p0 s1  }
0x75: {  	[bflag:$0x3] =	sbarrier.arrive $0xFFFF  }
0x76: {  	_ =	shalt  }

// kernel: kernel.19.cloned.1.call-start
scs
__scs_entry_jumppad:
0x0: {  	(pc) =	sbr.rel $0x88, $3  }
0x1: {  	(tag) =	ssettag $0x0;
	lr =	simm.s32 $0x1  }
0x2: {  	[smem:$0x3F96] =	sst lr;
	_ =	strace $0xD0000000  }
0x3: {  	_ = 	snop  }
0x4: {  	_ = 	snop  }
0x5: {  	_ = 	snop  }
0x6: {  	_ = 	snop  }
0x7: {  	_ = 	snop  }
__scs_overlays_trampoline_lowered:
0x8: {  	[smem:$0x3FA5] =	sst s0  }
0x9: {  	[smem:$0x3FA6] =	sst s1  }
0xa: {  	[smem:$0x3FA7] =	sst s2  }
0xb: {  	[smem:$0x3FA8] =	sst s3  }
0xc: {  	[smem:$0x3FA9] =	sst s4  }
0xd: {  	[smem:$0x3FAA] =	sst s5  }
0xe: {  	[smem:$0x3FAB] =	sst s6  }
0xf: {  	[smem:$0x3FAC] =	sst s7  }
0x10: {  	[smem:$0x3FAD] =	sst s8  }
0x11: {  	[smem:$0x3FAE] =	sst s9;
	s0 =	simm.s32 @!p0 $0x0  }
0x12: {  	s1 =	sld [smem:$0x3F94];
	s0 =	simm.s32 @p0 $0x1  }
0x13: {  	[smem:$0x3FAF] =	sst s0;
	s0 =	simm.s32 @!p1 $0x0  }
0x14: {  	s2 =	sld [smem:$0x3F93];
	s0 =	simm.s32 @p1 $0x1  }
0x15: {  	[smem:$0x3FB0] =	sst s0;
	s0 =	simm.s32 @!p2 $0x0  }
0x16: {  	s3 =	sld [smem:$0x3FDB];
	s0 =	simm.s32 @p2 $0x1  }
0x17: {  	s4 =	simm.s32 $0x1BF5;
	[smem:$0x3FB2] =	sst s0  }
0x18: {  	s0 =	sld [smem:$0x3F95];
	_ =	swait.ge [sflag:s4], $0x0  }
0x19: {  	s7 =	sld [smem:$0x3F96]  }
0x1a: {  	s8 =	sadd.s32 $0xFFFFE003, lr  }
0x1b: {  	s9 =	sadd.s32 $0xFFFFFEF7, lr;
	s5 =	simm.s32 $0xFFFFFFFF;
	p2 =	slt.u32 s8, $0xFFFFF086  }
0x1c: {  	p1 =	slt.u32 s9, $0xF7A;
	s5 =	simm.s32 @!p2 $0x0  }
0x1d: {  	s5 =	simm.s32 @p1 $0x1;
	p0 =	seq.s32 s7, s2  }
0x1e: {  	s7 =	smul.u32 @!p0 $0xF7A, s2;
	p2 =	seq.s32 @!p0 s5, $0x0  }
0x1f: {  	s9 =	smul.u32 $0xF7A, s1;
	s8 =	simm.s32 @!p0 $0x1BF5;
	p2 =	por !p2, p0  }
0x20: {  	[sflag:s8] =	ssyncset.s32 @!p0 $0xFFFFF086;
	s6 =	sadd.s32 @!p0 s3, s7;
	s7 =	simm.s32 @!p0 $0x108  }
0x21: {  	s3 =	sadd.s32 s3, s9;
	s6 =	sadd.s32 @!p0 $0x88, s6;
	s7 =	simm.s32 @p2 $0x1082  }
0x22: {  	[simem:s7], [sflag:s8] =	dma.local @!p0 [hbm:s6], $0xF7A  }
0x23: {  	s9 =	sor.u32 $0xD0000000, s2;
	s6 =	simm.s32 $0x108;
	_ =	swait.ge @!p0 [sflag:s8], $0x0  }
0x24: {  	s3 =	sadd.s32 $0x88, s3;
	s6 =	simm.s32 @!p1 $0x1082;
	[sflag:s4] =	ssyncset.s32 $0xFFFFF086  }
0x25: {  	[simem:s6], [sflag:s4] =	dma.local [hbm:s3], $0xF7A  }
0x26: {  	[smem:$0x3F96] =	sst s1;
	(tag) =	ssettag s2;
	_ =	strace s9  }
0x27: {  	s1 =	sld [smem:$0x3FA6]  }
0x28: {  	s2 =	sld [smem:$0x3FA7]  }
0x29: {  	s4 =	sld [smem:$0x3FA9]  }
0x2a: {  	p0 =	seq.s32 s5, $0x0;
	s5 =	sld [smem:$0x3FAA]  }
0x2b: {  	s6 =	sld [smem:$0x3FAB]  }
0x2c: {  	s7 =	sld [smem:$0x3FAC]  }
0x2d: {  	s3 =	simm.s32 $0x108;
	s8 =	sld [smem:$0x3FAD]  }
0x2e: {  	s3 =	simm.s32 @!p0 $0x1082;
	s9 =	sld [smem:$0x3FAE]  }
0x2f: {  	lr =	sadd.s32 s0, s3;
	s0 =	sld [smem:$0x3FA5]  }
0x30: {  	s3 =	sld [smem:$0x3FA8]  }
0x31: {  	[smem:$0x3FB1] =	sst s10  }
0x32: {  	s10 =	sld [smem:$0x3FAF];
	_ =	sdelay $0x3  }
0x33: {  	p0 =	seq.s32 s10, $0x1;
	s10 =	sld [smem:$0x3FB1];
	_ =	sdelay $0x3  }
0x34: {  	[smem:$0x3FB1] =	sst s10  }
0x35: {  	s10 =	sld [smem:$0x3FB0];
	_ =	sdelay $0x3  }
0x36: {  	p1 =	seq.s32 s10, $0x1;
	s10 =	sld [smem:$0x3FB1];
	_ =	sdelay $0x3  }
0x37: {  	[smem:$0x3FB1] =	sst s10  }
0x38: {  	s10 =	sld [smem:$0x3FB2]  }
0x39: {  	_ = 	snop;
	(pc) =	sbr.ind lr, $3  }
0x3a: {  	_ = 	snop  }
0x3b: {  	_ = 	snop  }
0x3c: {  	p2 =	seq.s32 s10, $0x1;
	s10 =	sld [smem:$0x3FB1]  }
0x3d: {  	_ =	shalt  }
0x3e: {  	_ =	shalt  }
0x3f: {  	_ =	shalt  }
0x40: {  	_ =	shalt  }
0x41: {  	_ =	shalt  }
0x42: {  	_ =	shalt  }
0x43: {  	_ =	shalt  }
0x44: {  	_ =	shalt  }
0x45: {  	_ =	shalt  }
0x46: {  	_ =	shalt  }
0x47: {  	_ =	shalt  }
0x48: {  	_ =	shalt  }
0x49: {  	_ =	shalt  }
0x4a: {  	_ =	shalt  }
0x4b: {  	_ =	shalt  }
0x4c: {  	_ =	shalt  }
0x4d: {  	_ =	shalt  }
0x4e: {  	_ =	shalt  }
0x4f: {  	_ =	shalt  }
0x50: {  	_ =	shalt  }
0x51: {  	_ =	shalt  }
0x52: {  	_ =	shalt  }
0x53: {  	_ =	shalt  }
0x54: {  	_ =	shalt  }
0x55: {  	_ =	shalt  }
0x56: {  	_ =	shalt  }
0x57: {  	_ =	shalt  }
0x58: {  	_ =	shalt  }
0x59: {  	_ =	shalt  }
0x5a: {  	_ =	shalt  }
0x5b: {  	_ =	shalt  }
0x5c: {  	_ =	shalt  }
0x5d: {  	_ =	shalt  }
0x5e: {  	_ =	shalt  }
0x5f: {  	_ =	shalt  }
0x60: {  	_ =	shalt  }
0x61: {  	_ =	shalt  }
0x62: {  	_ =	shalt  }
0x63: {  	_ =	shalt  }
0x64: {  	_ =	shalt  }
0x65: {  	_ =	shalt  }
0x66: {  	_ =	shalt  }
0x67: {  	_ =	shalt  }
0x68: {  	_ =	shalt  }
0x69: {  	_ =	shalt  }
0x6a: {  	_ =	shalt  }
0x6b: {  	_ =	shalt  }
0x6c: {  	_ =	shalt  }
0x6d: {  	_ =	shalt  }
0x6e: {  	_ =	shalt  }
0x6f: {  	_ =	shalt  }
0x70: {  	_ =	shalt  }
0x71: {  	_ =	shalt  }
0x72: {  	_ =	shalt  }
0x73: {  	_ =	shalt  }
0x74: {  	_ =	shalt  }
0x75: {  	_ =	shalt  }
0x76: {  	_ =	shalt  }
0x77: {  	_ =	shalt  }
0x78: {  	_ =	shalt  }
0x79: {  	_ =	shalt  }
0x7a: {  	_ =	shalt  }
0x7b: {  	_ =	shalt  }
0x7c: {  	_ =	shalt  }
0x7d: {  	_ =	shalt  }
0x7e: {  	_ =	shalt  }
0x7f: {  	_ =	shalt  }
0x80: {  	_ =	shalt  }
0x81: {  	_ =	shalt  }
0x82: {  	_ =	shalt  }
0x83: {  	_ =	shalt  }
0x84: {  	_ =	shalt  }
0x85: {  	_ =	shalt  }
0x86: {  	_ =	shalt  }
0x87: {  	_ =	shalt  }
.Lfunc_end0:
.L_simem_size_0:
called_computation.3_lowered:
.L_overlay_start_0:
0x88: {  	s2 =	sld [smem:$0x3FD9]  }
0x89: {  	s3 =	sld [smem:$0x3FFE];
	_ =	sdelay $0x1  }
0x8a: {  	s1 =	srdreg.scid  }
0x8b: {  	s0 =	sand.u32 $0x1, s1  }
0x8c: {  	s17 =	sshll.u32 s0, $0xA;
	s2 =	sadd.s32 s3, s2  }
0x8d: {  	s2 =	sadd.s32 s2, s17  }
0x8e: {  	[smem:$0x3FBD] =	sst s2  }
0x8f: {  	_ = 	snop  }
0x90: {  	s18 =	sld [smem:$0x3FD0];
	(tm) =	ssettm $0x1  }
0x91: {  	s19 =	sld [smem:$0x3FFB];
	_ =	sdelay $0x3  }
0x92: {  	_ =	strace s19  }
0x93: {  	s2 =	sld [smem:$0x3FFC];
	_ =	sdelay $0x3  }
0x94: {  	_ =	strace s2  }
0x95: {  	s2 =	sld [smem:$0x3FFD];
	_ =	sdelay $0x3  }
0x96: {  	_ =	strace s2  }
0x97: {  	_ =	strace $0x8FFFFFFF  }
0x98: {  	s20 =	sld [smem:$0x3FDB];
	_ =	sdelay $0x1  }
0x99: {  	s4 =	simm.s32 $_scs_section_size  }
0x9a: {  	s5 =	simm.s32 $_size__tile_overlayer_lowered;
	s6 =	simm.s32 $_tile_overlayer_lowered  }
0x9b: {  	s7 =	simm.s32 $0x1BFF;
	s21 =	sshll.u32 s6, $0x1;
	s4 =	sadd.s32 s4, s20  }
0x9c: {  	s22 =	simm.s32 $0x0;
	s5 =	sshll.u32 s5, $0x1;
	s6 =	sadd.s32 s21, s4  }
0x9d: {  	[timem:s22], [sflag:s7] =	dma.local [hbm:s6], s5  }
0x9e: {  	_ =	swait.ge [sflag:s7], s5  }
0x9f: {  	s5 =	ssub.s32 $0x0, s5;
	[sflag:s7] =	ssyncset.done $0x0  }
0xa0: {  	[sflag:s7] =	ssyncadd.s32 s5;
	_ =	sdelay $0x1  }
0xa1: {  	s23 =	simm.s32 $0x1B8B  }
0xa2: {  	_ =	swait.ge [sflag:s23], $0x1  }
0xa3: {  	[sflag:s23] =	ssyncset.done $0x0  }
0xa4: {  	[sflag:s23] =	ssyncadd.s32 $0xFFFFFFFF  }
0xa5: {  	s5 =	sld [smem:$0x0]  }
0xa6: {  	s6 =	sand.u32 $0xFFFFFFFE, s1  }
0xa7: {  	p0 =	sne.s32 s1, s6  }
0xa8: {  	s6 =	sshll.u32 @p0 s6, $0xE  }
0xa9: {  	s6 =	sadd.s32 @p0 $0x11B8D, s6;
	s7 =	sshll.u32 @p0 s5, $0x11  }
0xaa: {  	s6 =	sor.u32 @p0 s7, s6  }
0xab: {  	[sflag:s6] =	ssyncadd.remote.s32 @p0 $0x1;
	_ =	sdelay $0x1  }
0xac: {  	s6 =	simm.s32 @p0 $0x1B8D  }
0xad: {  	_ =	swait.eq @p0 [sflag:s6], $0x1  }
0xae: {  	[sflag:s6] =	ssyncadd.s32 @p0 $0xFFFFFFFF  }
0xaf: {  	s7 =	sshll.u32 @!p0 s1, $0xE  }
0xb0: {  	s7 =	sor.u32 @!p0 $0x4000, s7;
	s6 =	simm.s32 @!p0 $0x1B8D  }
0xb1: {  	s5 =	sshll.u32 @!p0 s5, $0x11;
	s7 =	sadd.s32 @!p0 $0x11B8D, s7;
	_ =	swait.eq @!p0 [sflag:s6], $0x1  }
0xb2: {  	s5 =	sor.u32 @!p0 s5, s7;
	[sflag:s6] =	ssyncadd.s32 @!p0 $0xFFFFFFFF  }
0xb3: {  	s25 =	simm.s32 $0x1B8E;
	s24 =	sld [smem:$0x3FFE];
	[sflag:s5] =	ssyncadd.remote.s32 @!p0 $0x1  }
0xb4: {  	s26 =	simm.s32 $execute0_lowered;
	[smem:$0x3FD2] =	sst s25  }
0xb5: {  	s6 =	sshll.u32 s26, $0x1;
	_ =	strace $0x8000004F;
	[dreg:$0x1] =	wrdreg $0xFFFFFFFF  }
0xb6: {  	s28 =	simm.s32 $_size_execute0_lowered;
	s4 =	sadd.s32 s4, s6;
	[dreg:$0x0] =	wrdreg $0x0  }
0xb7: {  	s6 =	sshll.u32 s28, $0x1;
	[dreg:$0x2] =	wrdreg s4  }
0xb8: {  	[dreg:$0x3] =	wrdreg s6  }
0xb9: {  	[dreg:$0x4] =	wrdreg $0xC0  }
0xba: {  	_ =	task [dreg:s22], $0x5FFFF  }
0xbb: {  	[dreg:$0x1] =	wrdreg $0xFFFFFFFF  }
0xbc: {  	[dreg:$0x0] =	wrdreg $0x60  }
0xbd: {  	[dreg:$0x2] =	wrdreg s24  }
0xbe: {  	[dreg:$0x3] =	wrdreg s18  }
0xbf: {  	[dreg:$0x4] =	wrdreg $0x94000  }
0xc0: {  	[dreg:$0x5] =	wrdreg $0x9  }
0xc1: {  	_ =	task.clear_ibuf [dreg:s22], $0x6FFFF;
	_ =	strace $0x9000004F  }
0xc2: {  	s29 =	simm.s32 $0x9;
	_ =	strace $0x80000051  }
0xc3: {  	_ =	swait.ge [sflag:s29], $0x1  }
0xc4: {  	[sflag:s29] =	ssyncadd.s32 $0xFFFFFFFF  }
0xc5: {  	_ =	strace $0x90000051  }
0xc6: {  	_ =	sfence  }
0xc7: {  	s30 =	sld [smem:$0x0];
	_ =	sdelay $0x2  }
0xc8: {  	s31 =	sshll.u32 s1, $0xD;
	s1 =	sshrl.u32 s1, $0x2  }
0xc9: {  	s4 =	sand.u32 $0x4000, s31;
	s1 =	sadd.s32 s1, s30  }
0xca: {  	s0 =	sor.u32 s4, s0;
	s1 =	sshll.u32 s1, $0x11  }
0xcb: {  	s0 =	sor.u32 s1, s0  }
0xcc: {  	s0 =	sadd.s32 $0x8F2B, s0  }
0xcd: {  	[sflag:s0] =	ssyncadd.remote.s32 $0x1  }
0xce: {  	_ =	sfence.sel $0xFFFF  }
0xcf: {  	[dreg:$0x0] =	wrdreg $0xFFFFFFFF;
	(pc) =	sbr.abs _section_cstart, $3  }
0xd0: {  	[dreg:$0x1] =	wrdreg $0xFFFFFFFF  }
0xd1: {  	_ =	task.clear_ibuf [dreg:s22], $0x2FFFF;
	_ =	strace $0x9FFFFFFF  }
0xd2: {  	(tm) =	ssettm $0x7FFFFFFF  }
0xd3: {  	_ =	shalt  }
tec
execute0_lowered:
.L_overlay_start_1:
0x0: {  	(tag) =	ssettag $0x1  }
0x1: {  	s4 =	rddreg [dreg:$0x0]  }
0x2: {  	s6 =	rddreg [dreg:$0x1]  }
0x3: {  	s1 =	rddreg [dreg:$0x2]  }
0x4: {  	s0 =	rddreg [dreg:$0x3]  }
0x5: {  	s3 =	simm.s32 $0x0;
	s2 =	srdreg.scid;
	s16 =	simm.s32 $0x1400  }
0x6: {  	s17 =	simm.s32 $0x5;
	s18 =	simm.s32 $0x1;
	s19 =	simm.s32 $0x80  }
0x7: {  	s20 =	simm.s32 $0x5400;
	s21 =	simm.s32 $0x2;
	s7 =	sand.u32 $0x1, s2  }
0x8: {  	s22 =	simm.s32 $0x3;
	s2 =	stileid.u32;
	s5 =	smul.u32 $0x27800, s7  }
0x9: {  	s23 =	simm.s32 $0x4;
	[smem:$0x7FF] =	sst s3;
	s9 =	smul.u32 $0x4F000, s2  }
0xa: {  	s14 =	sadd.s32 $0xC92400, s4;
	_ =	strace $0x80000050;
	s13 =	smul.u32 $0x50, s2  }
0xb: {  	s8 =	sshll.u32 s2, $0x1;
	s28 =	ssub.s32 $0x2, s7;
	s30 =	smul.u32 $0x28, s7  }
0xc: {  	s25 =	smul.u32 $0x2780, s2;
	s8 =	sor.u32 s7, s8;
	s29 =	sshrl.u32 s28, $0x1  }
0xd: {  	s10 =	sadd.s32 s5, s4;
	s11 =	smul.u32 $0x280, s8;
	s9 =	sshrl.u32 s9, $0x2  }
0xe: {  	s8 =	smul.u32 $0x14000, s8;
	s12 =	ssub.s32 s28, s29;
	s31 =	sadd.s32 s30, s13  }
0xf: {  	s4 =	sadd.s32 s9, s1;
	s24 =	sadd.s32 $0x52400, s10;
	s15 =	sshll.u32 s31, $0xB  }
.Ltmp0:
0x10: {  	s5 =	sadd.s32 $0x10000, s4;
	s6 =	sadd.s32 s6, s11;
	(pc) =	sbr.rel .LBB2_1-.Ltmp0, $4  }
0x11: {  	s7 =	sadd.s32 s14, s8;
	s8 =	smax.u32 s12, $0x1;
	s9 =	sadd.s32 $0x4000, s4  }
0x12: {  	s10 =	sadd.s32 $0x8000, s4;
	s11 =	sadd.s32 $0xC000, s4;
	s15 =	sadd.s32 s15, s14  }
0x13: {  	s24 =	sadd.s32 s25, s24;
	s25 =	simm.s32 $0x0;
	s12 =	sadd.s32 $0x800, s7  }
0x14: {  	v0 =	vimm.f32 $0.0e+00;
	s13 =	sadd.s32 $0x1000, s7;
	s14 =	sadd.s32 $0x2000, s15;
	s15 =	sadd.s32 $0x1800, s15  }
.LBB2_6:
0x15: {  	_ =	swait.ge [sflag:s23], $0x4000  }
0x16: {  	s26 =	sshll.u32 s2, $0x6;
	s25 =	sadd.s32 $0x1, s25;
	[sflag:s23] =	ssyncset.done $0x0  }
0x17: {  	s28 =	sshrl.u32 s4, $0x3;
	p0 =	sne.s32 s25, s8;
	[sflag:s23] =	ssyncadd.s32 $0xFFFFC000  }
.Ltmp1:
0x18: {  	s26 =	sor.u32 $0x1C05, s26;
	[bflag:$0x0] =	sbarrier.arrive $0xFFFF;
	(pc) =	sbr.rel @!p0 .LBB2_7-.Ltmp1, $4  }
0x19: {  	[hbm:s24], [sflag:s26] =	dma.local [spmem:s28], $0x2780  }
0x1a: {  	_ =	swait.ge [sflag:s17], $0x2780  }
0x1b: {  	[sflag:s17] =	ssyncset.done $0x0  }
0x1c: {  	[sflag:s17] =	ssyncadd.s32 $0xFFFFD880  }
.LBB2_1:
0x1d: {  	s26 =	simm.s32 $0x0;
	s28 =	simm.s32 $0x200  }
.LBB2_2:
0x1e: {  	p0 =	sne.s32 s28, $0xFE00;
	[tilespmem:s26+$0x1470] =	vst v0  }
0x1f: {  	[tilespmem:s26+$0x1400] =	vst v0  }
0x20: {  	[tilespmem:s26+$0x1410] =	vst v0  }
.Ltmp2:
0x21: {  	[tilespmem:s26+$0x1420] =	vst v0;
	(pc) =	sbr.rel @p0 .LBB2_2-.Ltmp2, $4  }
0x22: {  	[tilespmem:s26+$0x1430] =	vst v0  }
0x23: {  	[tilespmem:s26+$0x1440] =	vst v0  }
0x24: {  	[tilespmem:s26+$0x1450] =	vst v0  }
0x25: {  	[tilespmem:s26+$0x1460] =	vst v0;
	s26 =	sshra.s32 s28, $0x2;
	s28 =	sadd.s32 $0x200, s28  }
0x26: {  	[tilespmem:s26+$0x1470] =	vst v0  }
0x27: {  	[tilespmem:s26+$0x1400] =	vst v0  }
0x28: {  	[tilespmem:s26+$0x1410] =	vst v0  }
0x29: {  	[tilespmem:s26+$0x1420] =	vst v0  }
0x2a: {  	[tilespmem:s26+$0x1430] =	vst v0  }
0x2b: {  	[tilespmem:s26+$0x1440] =	vst v0  }
0x2c: {  	[tilespmem:s26+$0x1450] =	vst v0  }
0x2d: {  	[tilespmem:s26+$0x1460] =	vst v0  }
0x2e: {  	[spmem:s4] =	stream.linear.scatter [tilespmem:s16], [sflag:$0x5], $0x4000, $0x38;
	[tilespmem:$0x1D000] =	vst v63  }
0x2f: {  	_ =	swait.ge [sflag:s17], $0x4000  }
0x30: {  	[sflag:s17] =	ssyncset.done $0x0  }
0x31: {  	[sflag:s17] =	ssyncadd.s32 $0xFFFFC000  }
0x32: {  	[spmem:s9] =	stream.linear.scatter [tilespmem:s16], [sflag:$0x5], $0x4000, $0x38;
	[tilespmem:$0x1D000] =	vst v63  }
0x33: {  	_ =	swait.ge [sflag:s17], $0x4000  }
0x34: {  	[sflag:s17] =	ssyncset.done $0x0  }
0x35: {  	[sflag:s17] =	ssyncadd.s32 $0xFFFFC000  }
0x36: {  	[spmem:s10] =	stream.linear.scatter [tilespmem:s16], [sflag:$0x5], $0x4000, $0x38;
	[tilespmem:$0x1D000] =	vst v63  }
0x37: {  	_ =	swait.ge [sflag:s17], $0x4000  }
0x38: {  	[sflag:s17] =	ssyncset.done $0x0  }
0x39: {  	[sflag:s17] =	ssyncadd.s32 $0xFFFFC000  }
0x3a: {  	[spmem:s11] =	stream.linear.scatter [tilespmem:s16], [sflag:$0x5], $0x4000, $0x38;
	[tilespmem:$0x1D000] =	vst v63  }
0x3b: {  	_ =	swait.ge [sflag:s17], $0x4000  }
0x3c: {  	[sflag:s17] =	ssyncset.done $0x0  }
0x3d: {  	[sflag:s17] =	ssyncadd.s32 $0xFFFFC000  }
0x3e: {  	[spmem:s5] =	stream.linear.scatter [tilespmem:s16], [sflag:$0x5], $0x3C00, $0x38;
	[tilespmem:$0x1D000] =	vst v63  }
0x3f: {  	_ =	swait.ge [sflag:s17], $0x3C00  }
0x40: {  	[sflag:s17] =	ssyncset.done $0x0  }
0x41: {  	[sflag:s17] =	ssyncadd.s32 $0xFFFFC400  }
0x42: {  	s26 =	simm.s32 $0x0;
	[bflag:$0x0] =	sbarrier.arrive $0xFFFF  }
0x43: {  	[tilespmem:s26], [sflag:$0x5] =	stream.linear.gather [hbm4b:s6+s26], $0x1400, $0x38;
	[tilespmem:$0x1D000] =	vst v63  }
0x44: {  	_ =	swait.ge [sflag:s17], $0x1400  }
0x45: {  	[sflag:s17] =	ssyncset.done $0x0  }
0x46: {  	[sflag:s17] =	ssyncadd.s32 $0xFFFFEC00  }
0x47: {  	[tilespmem:s16], [sflag:$0x1] =	stream.linear.gather [hbm4b:s7+s26], $0x4000, $0x38;
	[tilespmem:$0x1D000] =	vst v63  }
0x48: {  	_ =	swait.ge [sflag:s18], $0x4000  }
0x49: {  	[sflag:s18] =	ssyncset.done $0x0  }
0x4a: {  	[sflag:s18] =	ssyncadd.s32 $0xFFFFC000  }
0x4b: {  	[spmem:s1] =	stream.indirect.scatter.add.f32 [tilespmem:s16], [sflag:$0x3], $0x80, s26, s19, $0xb8;
	[tilespmem:$0x1D000] =	vst v63  }
0x4c: {  	_ = 	snop  }
0x4d: {  	[tilespmem:s20], [sflag:$0x2] =	stream.linear.gather [hbm4b:s12+s26], $0x4000, $0x38;
	[tilespmem:$0x1D000] =	vst v63  }
0x4e: {  	_ =	swait.ge [sflag:s21], $0x4000  }
0x4f: {  	[sflag:s21] =	ssyncset.done $0x0  }
0x50: {  	[sflag:s21] =	ssyncadd.s32 $0xFFFFC000  }
0x51: {  	[spmem:s1] =	stream.indirect.scatter.add.f32 [tilespmem:s20], [sflag:$0x4], $0x80, s19, s19, $0xb8;
	[tilespmem:$0x1D000] =	vst v63  }
0x52: {  	_ =	swait.ge [sflag:s22], $0x4000  }
0x53: {  	[sflag:s22] =	ssyncset.done $0x0  }
0x54: {  	s28 =	simm.s32 $0x100;
	[sflag:s22] =	ssyncadd.s32 $0xFFFFC000  }
0x55: {  	[tilespmem:s16], [sflag:$0x1] =	stream.linear.gather [hbm4b:s13+s26], $0x4000, $0x38;
	[tilespmem:$0x1D000] =	vst v63  }
.LBB2_4:
0x56: {  	_ =	swait.ge [sflag:s18], $0x4000  }
0x57: {  	[sflag:s18] =	ssyncset.done $0x0  }
0x58: {  	[sflag:s18] =	ssyncadd.s32 $0xFFFFC000  }
0x59: {  	[spmem:s1] =	stream.indirect.scatter.add.f32 [tilespmem:s16], [sflag:$0x3], $0x80, s28, s19, $0xb8;
	[tilespmem:$0x1D000] =	vst v63  }
0x5a: {  	_ =	swait.ge [sflag:s23], $0x4000  }
0x5b: {  	[sflag:s23] =	ssyncset.done $0x0  }
0x5c: {  	s29 =	sadd.s32 s26, s15;
	[sflag:s23] =	ssyncadd.s32 $0xFFFFC000  }
0x5d: {  	[tilespmem:s20], [sflag:$0x2] =	stream.linear.gather [hbm4b:s29+s3], $0x4000, $0x38;
	[tilespmem:$0x1D000] =	vst v63  }
0x5e: {  	_ =	swait.ge [sflag:s21], $0x4000  }
0x5f: {  	p0 =	seq.s32 s26, $0x12000;
	[sflag:s21] =	ssyncset.done $0x0  }
.Ltmp3:
0x60: {  	s31 =	sadd.s32 $0x80, s28;
	[sflag:s21] =	ssyncadd.s32 $0xFFFFC000;
	(pc) =	sbr.rel @p0 .LBB2_6-.Ltmp3, $4  }
0x61: {  	[spmem:s1] =	stream.indirect.scatter.add.f32 [tilespmem:s20], [sflag:$0x4], $0x80, s31, s19, $0xb8;
	[tilespmem:$0x1D000] =	vst v63  }
0x62: {  	_ =	swait.ge [sflag:s22], $0x4000  }
0x63: {  	[sflag:s22] =	ssyncset.done $0x0  }
0x64: {  	[sflag:s22] =	ssyncadd.s32 $0xFFFFC000  }
.Ltmp4:
0x65: {  	(pc) =	sbr.rel .LBB2_4-.Ltmp4, $3  }
0x66: {  	_ =	sdelay $0x1  }
0x67: {  	s29 =	sadd.s32 s26, s14;
	s28 =	sadd.s32 $0x100, s28;
	s26 =	sadd.s32 $0x1000, s26  }
0x68: {  	[tilespmem:s16], [sflag:$0x1] =	stream.linear.gather [hbm4b:s29+s3], $0x4000, $0x38;
	[tilespmem:$0x1D000] =	vst v63  }
.LBB2_7:
0x69: {  	_ =	sfence.sel $0x180000  }
0x6a: {  	[bflag:$0x0] =	sbarrier.arrive $0xFFFF  }
0x6b: {  	p0 =	sne.s32 s2, $0x0;
	_ =	strace $0x90000050  }
0x6c: {  	s0 =	sadd.s32 @!p0 $0x100000, s0;
	[bflag:$0x2] =	sbarrier.arrive $0xFFFF  }
0x6d: {  	[sflag:s0] =	ssyncadd.tile.s32 @!p0 $0x1;
	_ =	shalt  }
.Lfunc_end2:
_tile_overlayer_lowered:
.L_overlay_start_2:
0x6e: {  	(tag) =	ssettag $0x2  }
0x6f: {  	s0 =	rddreg [dreg:$0x0];
	s2 =	stileid.u32  }
0x70: {  	s1 =	rddreg [dreg:$0x1];
	p0 =	sne.s32 s2, $0x0  }
0x71: {  	s3 =	rddreg [dreg:$0x2];
	[bflag:$0x3] =	sbarrier.arrive $0xFFFF;
	s2 =	simm.s32 @!p0 $0x1C05  }
0x72: {  	[timem:s3], [sflag:s2] =	dma.local @!p0 [hbm:s0], s1  }
0x73: {  	s0 =	simm.s32 @!p0 $0x5  }
0x74: {  	_ =	swait.ge @!p0 [sflag:s0], s1  }
0x75: {  	s1 =	ssub.s32 @!p0 $0x0, s1;
	[sflag:s0] =	ssyncset.done @!p0 $0x0  }
0x76: {  	[sflag:s0] =	ssyncadd.s32 @!p0 s1  }
0x77: {  	[bflag:$0x3] =	sbarrier.arrive $0xFFFF  }
0x78: {  	_ =	shalt  }

</sc_bundles>
